<compile_context>
chip_gen: v7x
topology: tpu7x:2x2x1
jax: 0.10.2.dev20260603
libtpu: 0.0.44.dev20260713+nightly
codegen_flags: <defaults>
</compile_context>

<pallas_src>
import functools

import jax
import jax.numpy as jnp
from jax import lax
from jax.experimental import pallas as pl
from jax.experimental.pallas import tpu as pltpu
from jax.experimental.pallas import tpu_sc as plsc

N_NODES = 10000
D = 128
N_EDGES = 320000

NC = 2
NS = 16
NW = NC * NS
CHUNK = 128
NROWS = N_EDGES // CHUNK
KCH = 80
LAST_KCH = NROWS - (NW - 1) * KCH
NROWS_PAD = NW * KCH
NP = 10240
RPT = NP // NS


def _make_sc_aggregate(with_cnt):
    mesh = plsc.VectorSubcoreMesh(core_axis_name="c", subcore_axis_name="s")

    out_type = [jax.ShapeDtypeStruct((NC, NP, D), jnp.float32)]
    scratch = [
        pltpu.VMEM((KCH // 2, CHUNK), jnp.int32),
        pltpu.VMEM((KCH // 2, CHUNK), jnp.int32),
        pltpu.VMEM((CHUNK, D), jnp.float32),
        pltpu.VMEM((CHUNK, D), jnp.float32),
        pltpu.VMEM_SHARED((NP, D), jnp.float32),
        pltpu.SemaphoreType.DMA,
        pltpu.SemaphoreType.DMA,
    ]
    if with_cnt:
        out_type.append(jax.ShapeDtypeStruct((NC, NP), jnp.float32))
        scratch += [
            pltpu.VMEM((CHUNK,), jnp.float32),
            pltpu.VMEM((RPT,), jnp.float32),
            pltpu.VMEM_SHARED((NP,), jnp.float32),
        ]

    @functools.partial(pl.kernel, out_type=out_type, mesh=mesh,
                       scratch_types=scratch)
    def agg_kernel(x_hbm, e_hbm, out_agg, *rest):
        if with_cnt:
            out_cnt, si, di, rows_a, rows_b, acc, sem_a, sem_b, \
                ones_v, zv, cacc = rest
        else:
            si, di, rows_a, rows_b, acc, sem_a, sem_b = rest
        cid = lax.axis_index("c")
        sid = lax.axis_index("s")
        wid = sid * NC + cid
        nch = jnp.where(wid == NW - 1, LAST_KCH, KCH)
        tb = sid * RPT

        zero16 = jnp.zeros((16,), jnp.float32)

        def fill_rows(i, _):
            rows_a[i // 8, pl.ds((i % 8) * 16, 16)] = zero16
            return _
        lax.fori_loop(0, CHUNK * 8, fill_rows, None)

        if with_cnt:
            def fill_ones(i, _):
                ones_v[pl.ds(i * 16, 16)] = jnp.full((16,), 1.0, jnp.float32)
                return _
            lax.fori_loop(0, CHUNK // 16, fill_ones, None)

            def fill_z(i, _):
                zv[pl.ds(i * 16, 16)] = zero16
                return _
            lax.fori_loop(0, RPT // 16, fill_z, None)

        zcp = [pltpu.async_copy(rows_a, acc.at[pl.ds(tb + b * CHUNK, CHUNK)],
                                sem_a) for b in range(RPT // CHUNK)]
        if with_cnt:
            zcp.append(pltpu.async_copy(zv, cacc.at[pl.ds(tb, RPT)], sem_a))
        for c in zcp:
            c.wait()
        plsc.subcore_barrier()

        half = KCH // 2
        last = half - 1

        def half_body(h, _):
            base = wid * KCH + h * half
            s1 = pltpu.async_copy(e_hbm.at[0, pl.ds(base, half)], si, sem_a)
            s2 = pltpu.async_copy(e_hbm.at[1, pl.ds(base, half)], di, sem_b)
            s1.wait()
            s2.wait()
            pltpu.async_copy(x_hbm.at[si.at[0]], rows_a, sem_a).wait()
            npairs = jnp.clip(nch - h * half, 0, half) // 2

            def chunk_body(i, __):
                j = 2 * i
                nxt_b = pltpu.async_copy(x_hbm.at[si.at[j + 1]], rows_b, sem_b)
                pltpu.sync_copy(rows_a, acc.at[di.at[j]], add=True)
                if with_cnt:
                    pltpu.sync_copy(ones_v, cacc.at[di.at[j]], add=True)
                nxt_b.wait()
                nxt_a = pltpu.async_copy(
                    x_hbm.at[si.at[jnp.minimum(j + 2, last)]], rows_a, sem_a)
                pltpu.sync_copy(rows_b, acc.at[di.at[j + 1]], add=True)
                if with_cnt:
                    pltpu.sync_copy(ones_v, cacc.at[di.at[j + 1]], add=True)
                nxt_a.wait()
                return __
            lax.fori_loop(0, npairs, chunk_body, None)
            return _
        lax.fori_loop(0, 2, half_body, None)

        plsc.subcore_barrier()

        for b in range(RPT // CHUNK):
            pltpu.sync_copy(acc.at[pl.ds(tb + b * CHUNK, CHUNK)],
                            out_agg.at[cid, pl.ds(tb + b * CHUNK, CHUNK)])
        if with_cnt:
            pltpu.sync_copy(cacc.at[pl.ds(tb, RPT)],
                            out_cnt.at[cid, pl.ds(tb, RPT)])

    return agg_kernel


_sc_agg_cache = []


def _sc_agg_cnt(x, e3):
    if not _sc_agg_cache:
        _sc_agg_cache.append(_make_sc_aggregate(True))
    return _sc_agg_cache[0](x, e3)


_BLK = 2000
_GRID = N_NODES // _BLK


def _dot_t(a, w):
    return lax.dot_general(a, w, (((1,), (1,)), ((), ())),
                           preferred_element_type=jnp.float32)


def _root1_body(x_ref, wr_ref, b_ref, o_ref):
    o_ref[...] = _dot_t(x_ref[...], wr_ref[...]) + b_ref[...]


def _root2_body(h_ref, wr2_ref, b2_ref, wr3_ref, b3_ref, o2_ref, o3_ref):
    h = h_ref[...]
    o2_ref[...] = _dot_t(h, wr2_ref[...]) + b2_ref[...]
    o3_ref[...] = _dot_t(h, wr3_ref[...]) + b3_ref[...]


def _comb1_body(a_ref, c_ref, r_ref, wl_ref, o_ref):
    a = a_ref[0] + a_ref[1]
    c = c_ref[0] + c_ref[1]
    mean = a / jnp.maximum(c, 1.0)
    o_ref[...] = jnp.maximum(_dot_t(mean, wl_ref[...]) + r_ref[...], 0.0)


def _comb2_body(a_ref, c_ref, r2_ref, r3_ref, wl2_ref, wl3_ref,
                mu_ref, var_ref):
    a = a_ref[0] + a_ref[1]
    c = c_ref[0] + c_ref[1]
    mean = a / jnp.maximum(c, 1.0)
    mu_ref[...] = _dot_t(mean, wl2_ref[...]) + r2_ref[...]
    var_ref[...] = _dot_t(mean, wl3_ref[...]) + r3_ref[...]


def _agg_spec():
    return pl.BlockSpec((NC, _BLK, D), lambda i: (0, i, 0))


def _cnt_spec():
    return pl.BlockSpec((NC, _BLK, 1), lambda i: (0, i, 0))


def _row_spec():
    return pl.BlockSpec((_BLK, D), lambda i: (i, 0))


def _w_spec():
    return pl.BlockSpec((D, D), lambda i: (0, 0))


def _b_spec():
    return pl.BlockSpec((1, D), lambda i: (0, 0))


_ROW_SDS = jax.ShapeDtypeStruct((N_NODES, D), jnp.float32)


def _root1(x, Wr, bl):
    return pl.pallas_call(
        _root1_body,
        grid=(_GRID,),
        in_specs=[_row_spec(), _w_spec(), _b_spec()],
        out_specs=_row_spec(),
        out_shape=_ROW_SDS,
    )(x, Wr, bl.reshape(1, D))


def _root2(h, Wr2, bl2, Wr3, bl3):
    return pl.pallas_call(
        _root2_body,
        grid=(_GRID,),
        in_specs=[_row_spec(), _w_spec(), _b_spec(), _w_spec(), _b_spec()],
        out_specs=[_row_spec(), _row_spec()],
        out_shape=[_ROW_SDS, _ROW_SDS],
    )(h, Wr2, bl2.reshape(1, D), Wr3, bl3.reshape(1, D))


def _comb1(agg, cnt3, r1, Wl):
    return pl.pallas_call(
        _comb1_body,
        grid=(_GRID,),
        in_specs=[_agg_spec(), _cnt_spec(), _row_spec(), _w_spec()],
        out_specs=_row_spec(),
        out_shape=_ROW_SDS,
    )(agg, cnt3, r1, Wl)


def _comb2(agg, cnt3, r2, r3, Wl2, Wl3):
    return pl.pallas_call(
        _comb2_body,
        grid=(_GRID,),
        in_specs=[_agg_spec(), _cnt_spec(), _row_spec(), _row_spec(),
                  _w_spec(), _w_spec()],
        out_specs=[_row_spec(), _row_spec()],
        out_shape=[_ROW_SDS, _ROW_SDS],
    )(agg, cnt3, r2, r3, Wl2, Wl3)


def kernel(x, edge_index, edge_weight, Wl1, bl1, Wr1, Wl2, bl2, Wr2,
           Wl3, bl3, Wr3):
    e3 = jnp.pad(edge_index.astype(jnp.int32).reshape(2, NROWS, CHUNK),
                 ((0, 0), (0, NROWS_PAD - NROWS), (0, 0)))

    r1 = _root1(x, Wr1, bl1)
    agg1, cnt = _sc_agg_cnt(x, e3)
    cnt3 = cnt[:, :, None]
    h1 = _comb1(agg1, cnt3, r1, Wl1)
    r2, r3 = _root2(h1, Wr2, bl2, Wr3, bl3)
    agg2, _ = _sc_agg_cnt(h1, e3)
    mu, var = _comb2(agg2, cnt3, r2, r3, Wl2, Wl3)
    return (mu, var)

# --- scband reference (transcript-rebuilt; emitter-appended) ---
"""Pipeline reference for scband-graph-encoder-88064009437412 (READ-ONLY COPY).

The authoritative reference and input builder live on the scoring server;
editing this copy changes nothing except your own understanding.
"""

import jax, jax.numpy as jnp
import numpy as np

N_NODES = 10000
N_EDGES = 320000
D_IN = 128
D_OUT = 128


def _init_linear(key, out_dim, in_dim):
    # Kaiming-uniform-ish init like torch Linear
    bound = 1.0 / np.sqrt(in_dim)
    return jax.random.uniform(key, (out_dim, in_dim), minval=-bound, maxval=bound, dtype=jnp.float32)


def setup_inputs(seed: int = 0) -> dict:
    key = jax.random.key(seed)
    ks = jax.random.split(key, 12)
    x = jax.random.normal(ks[0], (N_NODES, D_IN), dtype=jnp.float32)
    edge_index = jax.random.randint(ks[1], (2, N_EDGES), 0, N_NODES, dtype=jnp.int64)
    edge_weight = jax.random.uniform(ks[2], (N_EDGES,), dtype=jnp.float32)
    # SAGEConv params: lin_l (with bias) applied to aggregated neighbors, lin_r (no bias) applied to root
    Wl1 = _init_linear(ks[3], D_OUT, D_IN)
    bl1 = jnp.zeros((D_OUT,), dtype=jnp.float32)
    Wr1 = _init_linear(ks[4], D_OUT, D_IN)
    Wl2 = _init_linear(ks[5], D_OUT, D_OUT)
    bl2 = jnp.zeros((D_OUT,), dtype=jnp.float32)
    Wr2 = _init_linear(ks[6], D_OUT, D_OUT)
    Wl3 = _init_linear(ks[7], D_OUT, D_OUT)
    bl3 = jnp.zeros((D_OUT,), dtype=jnp.float32)
    Wr3 = _init_linear(ks[8], D_OUT, D_OUT)
    return {
        "x": x, "edge_index": edge_index, "edge_weight": edge_weight,
        "Wl1": Wl1, "bl1": bl1, "Wr1": Wr1,
        "Wl2": Wl2, "bl2": bl2, "Wr2": Wr2,
        "Wl3": Wl3, "bl3": bl3, "Wr3": Wr3,
    }


def _sage_conv(x, edge_index, Wl, bl, Wr):
    # PyG SAGEConv with mean aggregation:
    # out = lin_l(mean_{j in N(i)} x_j) + lin_r(x_i)
    src = edge_index[0]
    dst = edge_index[1]
    n = x.shape[0]
    msgs = jnp.take(x, src, axis=0)                      # gather
    agg = jax.ops.segment_sum(msgs, dst, num_segments=n)  # scatter-add
    cnt = jax.ops.segment_sum(jnp.ones((src.shape[0],), x.dtype), dst, num_segments=n)
    mean = agg / jnp.maximum(cnt, 1.0)[:, None]
    return mean @ Wl.T + bl + x @ Wr.T


def reference(x, edge_index, edge_weight, Wl1, bl1, Wr1, Wl2, bl2, Wr2, Wl3, bl3, Wr3):
    # edge_weight is accepted by the original forward signature but unused by SAGEConv calls
    feat_x = jax.nn.relu(_sage_conv(x, edge_index, Wl1, bl1, Wr1))
    mu = _sage_conv(feat_x, edge_index, Wl2, bl2, Wr2)
    var = _sage_conv(feat_x, edge_index, Wl3, bl3, Wr3)
    return (mu, var)

if __name__ == "__main__":
    import jax
    _d = setup_inputs()
    print(jax.jit(kernel)(*tuple(_d.values())))

</pallas_src>

<mosaic_0001>
#map = affine_map<(d0, d1) -> (0, 0)>
#map1 = affine_map<(d0, d1) -> (0, 0, 0)>
module attributes {stable_mosaic.version = 14 : i64} {
  func.func @agg_kernel(%arg0: i32, %arg1: i32, %arg2: memref<10000x128xf32, #tpu.memory_space<hbm>>, %arg3: memref<2x2560x128xi32, #tpu.memory_space<hbm>>, %arg4: memref<2x10240x128xf32, #tpu.memory_space<hbm>>, %arg5: memref<2x10240xf32, #tpu.memory_space<hbm>>, %arg6: memref<40x128xi32, #tpu.memory_space<vmem>>, %arg7: memref<40x128xi32, #tpu.memory_space<vmem>>, %arg8: memref<128x128xf32, #tpu.memory_space<vmem>>, %arg9: memref<128x128xf32, #tpu.memory_space<vmem>>, %arg10: memref<10240x128xf32, #tpu.memory_space<vmem_shared>>, %arg11: memref<!tpu.dma_semaphore, #tpu.memory_space<semaphore_mem>>, %arg12: memref<!tpu.dma_semaphore, #tpu.memory_space<semaphore_mem>>, %arg13: memref<128xf32, #tpu.memory_space<vmem>>, %arg14: memref<640xf32, #tpu.memory_space<vmem>>, %arg15: memref<10240xf32, #tpu.memory_space<vmem_shared>>) attributes {dimension_semantics = [#tpu.dimension_semantics<core_parallel>, #tpu.dimension_semantics<subcore_parallel>], iteration_bounds = array<i64: 2, 16>, scalar_prefetch = 0 : i64, scratch_operands = 10 : i64, tpu.core_type = #tpu.core_type<sc_vector_subcore>, window_params = [{transform_indices = #map}, {transform_indices = #map1}, {transform_indices = #map1}, {transform_indices = #map}]} {
    %mul3A = arith.constant 2 : i32
    %mul3A_0 = arith.muli %arg1, %mul3A : i32
    %add3A = arith.addi %mul3A_0, %arg0 : i32
    %eq3A = arith.constant 31 : i32
    %eq3A_1 = arith.cmpi eq, %add3A, %eq3A : i32
    %jit3A = arith.constant 20 : i32
    %jit3A_2 = arith.constant 80 : i32
    %select_n3A = arith.select %eq3A_1, %jit3A, %jit3A_2 : i32
    %mul3A_3 = arith.constant 640 : i32
    %mul3A_4 = arith.muli %arg1, %mul3A_3 : i32
    %broadcast_in_dim3A = arith.constant 0.000000e+00 : f32
    %broadcast_in_dim3A_5 = vector.broadcast %broadcast_in_dim3A : f32 to vector<16xf32>
    %scan3A = arith.constant 0 : i32
    %scan3A_6 = arith.constant 1024 : i32
    %scan3A_7 = arith.addi %scan3A, %scan3A_6 : i32
    %scan3A_8 = arith.constant 1 : i32
    scf.for %scan3A_98 = %scan3A to %scan3A_7 step %scan3A_8  : i32 {
      %jit3A_99 = arith.constant 8 : i32
      %div3A = arith.divsi %scan3A_98, %jit3A_99 : i32
      %sign3A = arith.constant 0 : i32
      %sign3A_100 = arith.cmpi sgt, %scan3A_98, %sign3A : i32
      %sign3A_101 = arith.extui %sign3A_100 : i1 to i32
      %sign3A_102 = arith.constant 0 : i32
      %sign3A_103 = arith.cmpi slt, %scan3A_98, %sign3A_102 : i32
      %sign3A_104 = arith.extui %sign3A_103 : i1 to i32
      %sign3A_105 = arith.subi %sign3A_101, %sign3A_104 : i32
      %sign3A_106 = arith.constant 0 : i32
      %sign3A_107 = arith.cmpi sgt, %jit3A_99, %sign3A_106 : i32
      %sign3A_108 = arith.extui %sign3A_107 : i1 to i32
      %sign3A_109 = arith.constant 0 : i32
      %sign3A_110 = arith.cmpi slt, %jit3A_99, %sign3A_109 : i32
      %sign3A_111 = arith.extui %sign3A_110 : i1 to i32
      %sign3A_112 = arith.subi %sign3A_108, %sign3A_111 : i32
      %ne3A = arith.cmpi ne, %sign3A_105, %sign3A_112 : i32
      %rem3A = arith.remsi %scan3A_98, %jit3A_99 : i32
      %ne3A_113 = arith.constant 0 : i32
      %ne3A_114 = arith.cmpi ne, %rem3A, %ne3A_113 : i32
      %and3A = arith.andi %ne3A, %ne3A_114 : i1
      %sub3A = arith.constant 1 : i32
      %sub3A_115 = arith.subi %div3A, %sub3A : i32
      %select_n3A_116 = arith.select %and3A, %sub3A_115, %div3A : i32
      %jit3A_117 = arith.constant 8 : i32
      %eq3A_118 = arith.constant 0 : i32
      %eq3A_119 = arith.cmpi eq, %jit3A_117, %eq3A_118 : i32
      %jit3A_120 = arith.constant 1 : i32
      %select_n3A_121 = arith.select %eq3A_119, %jit3A_120, %jit3A_117 : i32
      %rem3A_122 = arith.remsi %scan3A_98, %select_n3A_121 : i32
      %ne3A_123 = arith.constant 0 : i32
      %ne3A_124 = arith.cmpi ne, %rem3A_122, %ne3A_123 : i32
      %lt3A = arith.constant 0 : i32
      %lt3A_125 = arith.cmpi slt, %rem3A_122, %lt3A : i32
      %lt3A_126 = arith.constant 0 : i32
      %lt3A_127 = arith.cmpi slt, %select_n3A_121, %lt3A_126 : i32
      %ne3A_128 = arith.xori %lt3A_125, %lt3A_127 : i1
      %and3A_129 = arith.andi %ne3A_128, %ne3A_124 : i1
      %add3A_130 = arith.addi %rem3A_122, %select_n3A_121 : i32
      %select_n3A_131 = arith.select %and3A_129, %add3A_130, %rem3A_122 : i32
      %mul3A_132 = arith.constant 16 : i32
      %mul3A_133 = arith.muli %select_n3A_131, %mul3A_132 : i32
      %swap3A = arith.index_cast %select_n3A_116 : i32 to index
      %swap3A_134 = arith.index_cast %mul3A_133 : i32 to index
      %swap3A_135 = tpu.vector_load %arg8[%swap3A, %swap3A_134] {strides = array<i32>} : memref<128x128xf32, #tpu.memory_space<vmem>>, vector<1x16xf32>,
      %swap3A_136 = vector.shape_cast %swap3A_135 : vector<1x16xf32> to vector<16xf32>
      %swap3A_137 = vector.shape_cast %broadcast_in_dim3A_5 : vector<16xf32> to vector<1x16xf32>
      tpu.vector_store %arg8[%swap3A, %swap3A_134], %swap3A_137 {strides = array<i32>} : memref<128x128xf32, #tpu.memory_space<vmem>>, vector<1x16xf32>,
    }
    %scan3A_9 = arith.constant 1024 : i32
    %scan3A_10 = arith.constant 0 : i32
    %scan3A_11 = arith.constant 8 : i32
    %scan3A_12 = arith.addi %scan3A_10, %scan3A_11 : i32
    %scan3A_13 = arith.constant 1 : i32
    scf.for %scan3A_98 = %scan3A_10 to %scan3A_12 step %scan3A_13  : i32 {
      %broadcast_in_dim3A_99 = arith.constant 1.000000e+00 : f32
      %broadcast_in_dim3A_100 = vector.broadcast %broadcast_in_dim3A_99 : f32 to vector<16xf32>
      %mul3A_101 = arith.constant 16 : i32
      %mul3A_102 = arith.muli %scan3A_98, %mul3A_101 : i32
      %swap3A = arith.index_cast %mul3A_102 : i32 to index
      %swap3A_103 = tpu.vector_load %arg13[%swap3A] {strides = array<i32>} : memref<128xf32, #tpu.memory_space<vmem>>, vector<16xf32>,
      %swap3A_104 = vector.shape_cast %swap3A_103 : vector<16xf32> to vector<16xf32>
      %swap3A_105 = vector.shape_cast %broadcast_in_dim3A_100 : vector<16xf32> to vector<16xf32>
      tpu.vector_store %arg13[%swap3A], %swap3A_105 {strides = array<i32>} : memref<128xf32, #tpu.memory_space<vmem>>, vector<16xf32>,
    }
    %scan3A_14 = arith.constant 8 : i32
    %scan3A_15 = arith.constant 0 : i32
    %scan3A_16 = arith.constant 40 : i32
    %scan3A_17 = arith.addi %scan3A_15, %scan3A_16 : i32
    %scan3A_18 = arith.constant 1 : i32
    scf.for %scan3A_98 = %scan3A_15 to %scan3A_17 step %scan3A_18  : i32 {
      %mul3A_99 = arith.constant 16 : i32
      %mul3A_100 = arith.muli %scan3A_98, %mul3A_99 : i32
      %swap3A = arith.index_cast %mul3A_100 : i32 to index
      %swap3A_101 = tpu.vector_load %arg14[%swap3A] {strides = array<i32>} : memref<640xf32, #tpu.memory_space<vmem>>, vector<16xf32>,
      %swap3A_102 = vector.shape_cast %swap3A_101 : vector<16xf32> to vector<16xf32>
      %swap3A_103 = vector.shape_cast %broadcast_in_dim3A_5 : vector<16xf32> to vector<16xf32>
      tpu.vector_store %arg14[%swap3A], %swap3A_103 {strides = array<i32>} : memref<640xf32, #tpu.memory_space<vmem>>, vector<16xf32>,
    }
    %scan3A_19 = arith.constant 40 : i32
    %add3A_20 = arith.constant 0 : i32
    %add3A_21 = arith.addi %mul3A_4, %add3A_20 : i32
    %dma_start3A = arith.constant 0 : i32
    %dma_start3A_22 = tpu.memref_slice %arg10[%add3A_21, %dma_start3A] : memref<10240x128xf32, #tpu.memory_space<vmem_shared>> -> memref<128x128xf32, #tpu.memory_space<vmem_shared>>
    %dma_start3A_23 = arith.constant 0 : i32
    %dma_start3A_24 = tpu.memref_slice %arg10[%add3A_21, %dma_start3A_23] : memref<10240x128xf32, #tpu.memory_space<vmem_shared>> -> memref<128x128xf32, #tpu.memory_space<vmem_shared>>
    tpu.enqueue_dma source(%arg8 : memref<128x128xf32, #tpu.memory_space<vmem>>) target(%dma_start3A_24 : memref<128x128xf32, #tpu.memory_space<vmem_shared>>) target_semaphore(%arg11 : memref<!tpu.dma_semaphore, #tpu.memory_space<semaphore_mem>>)
    %add3A_25 = arith.constant 128 : i32
    %add3A_26 = arith.addi %mul3A_4, %add3A_25 : i32
    %dma_start3A_27 = arith.constant 0 : i32
    %dma_start3A_28 = tpu.memref_slice %arg10[%add3A_26, %dma_start3A_27] : memref<10240x128xf32, #tpu.memory_space<vmem_shared>> -> memref<128x128xf32, #tpu.memory_space<vmem_shared>>
    %dma_start3A_29 = arith.constant 0 : i32
    %dma_start3A_30 = tpu.memref_slice %arg10[%add3A_26, %dma_start3A_29] : memref<10240x128xf32, #tpu.memory_space<vmem_shared>> -> memref<128x128xf32, #tpu.memory_space<vmem_shared>>
    tpu.enqueue_dma source(%arg8 : memref<128x128xf32, #tpu.memory_space<vmem>>) target(%dma_start3A_30 : memref<128x128xf32, #tpu.memory_space<vmem_shared>>) target_semaphore(%arg11 : memref<!tpu.dma_semaphore, #tpu.memory_space<semaphore_mem>>)
    %add3A_31 = arith.constant 256 : i32
    %add3A_32 = arith.addi %mul3A_4, %add3A_31 : i32
    %dma_start3A_33 = arith.constant 0 : i32
    %dma_start3A_34 = tpu.memref_slice %arg10[%add3A_32, %dma_start3A_33] : memref<10240x128xf32, #tpu.memory_space<vmem_shared>> -> memref<128x128xf32, #tpu.memory_space<vmem_shared>>
    %dma_start3A_35 = arith.constant 0 : i32
    %dma_start3A_36 = tpu.memref_slice %arg10[%add3A_32, %dma_start3A_35] : memref<10240x128xf32, #tpu.memory_space<vmem_shared>> -> memref<128x128xf32, #tpu.memory_space<vmem_shared>>
    tpu.enqueue_dma source(%arg8 : memref<128x128xf32, #tpu.memory_space<vmem>>) target(%dma_start3A_36 : memref<128x128xf32, #tpu.memory_space<vmem_shared>>) target_semaphore(%arg11 : memref<!tpu.dma_semaphore, #tpu.memory_space<semaphore_mem>>)
    %add3A_37 = arith.constant 384 : i32
    %add3A_38 = arith.addi %mul3A_4, %add3A_37 : i32
    %dma_start3A_39 = arith.constant 0 : i32
    %dma_start3A_40 = tpu.memref_slice %arg10[%add3A_38, %dma_start3A_39] : memref<10240x128xf32, #tpu.memory_space<vmem_shared>> -> memref<128x128xf32, #tpu.memory_space<vmem_shared>>
    %dma_start3A_41 = arith.constant 0 : i32
    %dma_start3A_42 = tpu.memref_slice %arg10[%add3A_38, %dma_start3A_41] : memref<10240x128xf32, #tpu.memory_space<vmem_shared>> -> memref<128x128xf32, #tpu.memory_space<vmem_shared>>
    tpu.enqueue_dma source(%arg8 : memref<128x128xf32, #tpu.memory_space<vmem>>) target(%dma_start3A_42 : memref<128x128xf32, #tpu.memory_space<vmem_shared>>) target_semaphore(%arg11 : memref<!tpu.dma_semaphore, #tpu.memory_space<semaphore_mem>>)
    %add3A_43 = arith.constant 512 : i32
    %add3A_44 = arith.addi %mul3A_4, %add3A_43 : i32
    %dma_start3A_45 = arith.constant 0 : i32
    %dma_start3A_46 = tpu.memref_slice %arg10[%add3A_44, %dma_start3A_45] : memref<10240x128xf32, #tpu.memory_space<vmem_shared>> -> memref<128x128xf32, #tpu.memory_space<vmem_shared>>
    %dma_start3A_47 = arith.constant 0 : i32
    %dma_start3A_48 = tpu.memref_slice %arg10[%add3A_44, %dma_start3A_47] : memref<10240x128xf32, #tpu.memory_space<vmem_shared>> -> memref<128x128xf32, #tpu.memory_space<vmem_shared>>
    tpu.enqueue_dma source(%arg8 : memref<128x128xf32, #tpu.memory_space<vmem>>) target(%dma_start3A_48 : memref<128x128xf32, #tpu.memory_space<vmem_shared>>) target_semaphore(%arg11 : memref<!tpu.dma_semaphore, #tpu.memory_space<semaphore_mem>>)
    %dma_start3A_49 = tpu.memref_slice %arg15[%mul3A_4] : memref<10240xf32, #tpu.memory_space<vmem_shared>> -> memref<640xf32, #tpu.memory_space<vmem_shared>>
    %dma_start3A_50 = tpu.memref_slice %arg15[%mul3A_4] : memref<10240xf32, #tpu.memory_space<vmem_shared>> -> memref<640xf32, #tpu.memory_space<vmem_shared>>
    tpu.enqueue_dma source(%arg14 : memref<640xf32, #tpu.memory_space<vmem>>) target(%dma_start3A_50 : memref<640xf32, #tpu.memory_space<vmem_shared>>) target_semaphore(%arg11 : memref<!tpu.dma_semaphore, #tpu.memory_space<semaphore_mem>>)
    %dma_wait3A = arith.constant 0 : i32
    %dma_wait3A_51 = tpu.memref_slice %arg10[%add3A_21, %dma_wait3A] : memref<10240x128xf32, #tpu.memory_space<vmem_shared>> -> memref<128x128xf32, #tpu.memory_space<vmem_shared>>
    %dma_wait3A_52 = arith.constant 0 : i32
    %dma_wait3A_53 = tpu.memref_slice %arg10[%add3A_21, %dma_wait3A_52] : memref<10240x128xf32, #tpu.memory_space<vmem_shared>> -> memref<128x128xf32, #tpu.memory_space<vmem_shared>>
    tpu.wait_dma2 semaphore(%arg11 : memref<!tpu.dma_semaphore, #tpu.memory_space<semaphore_mem>>) src(%arg8 : memref<128x128xf32, #tpu.memory_space<vmem>>) dst(%dma_wait3A_53 : memref<128x128xf32, #tpu.memory_space<vmem_shared>>)
    %dma_wait3A_54 = arith.constant 0 : i32
    %dma_wait3A_55 = tpu.memref_slice %arg10[%add3A_26, %dma_wait3A_54] : memref<10240x128xf32, #tpu.memory_space<vmem_shared>> -> memref<128x128xf32, #tpu.memory_space<vmem_shared>>
    %dma_wait3A_56 = arith.constant 0 : i32
    %dma_wait3A_57 = tpu.memref_slice %arg10[%add3A_26, %dma_wait3A_56] : memref<10240x128xf32, #tpu.memory_space<vmem_shared>> -> memref<128x128xf32, #tpu.memory_space<vmem_shared>>
    tpu.wait_dma2 semaphore(%arg11 : memref<!tpu.dma_semaphore, #tpu.memory_space<semaphore_mem>>) src(%arg8 : memref<128x128xf32, #tpu.memory_space<vmem>>) dst(%dma_wait3A_57 : memref<128x128xf32, #tpu.memory_space<vmem_shared>>)
    %dma_wait3A_58 = arith.constant 0 : i32
    %dma_wait3A_59 = tpu.memref_slice %arg10[%add3A_32, %dma_wait3A_58] : memref<10240x128xf32, #tpu.memory_space<vmem_shared>> -> memref<128x128xf32, #tpu.memory_space<vmem_shared>>
    %dma_wait3A_60 = arith.constant 0 : i32
    %dma_wait3A_61 = tpu.memref_slice %arg10[%add3A_32, %dma_wait3A_60] : memref<10240x128xf32, #tpu.memory_space<vmem_shared>> -> memref<128x128xf32, #tpu.memory_space<vmem_shared>>
    tpu.wait_dma2 semaphore(%arg11 : memref<!tpu.dma_semaphore, #tpu.memory_space<semaphore_mem>>) src(%arg8 : memref<128x128xf32, #tpu.memory_space<vmem>>) dst(%dma_wait3A_61 : memref<128x128xf32, #tpu.memory_space<vmem_shared>>)
    %dma_wait3A_62 = arith.constant 0 : i32
    %dma_wait3A_63 = tpu.memref_slice %arg10[%add3A_38, %dma_wait3A_62] : memref<10240x128xf32, #tpu.memory_space<vmem_shared>> -> memref<128x128xf32, #tpu.memory_space<vmem_shared>>
    %dma_wait3A_64 = arith.constant 0 : i32
    %dma_wait3A_65 = tpu.memref_slice %arg10[%add3A_38, %dma_wait3A_64] : memref<10240x128xf32, #tpu.memory_space<vmem_shared>> -> memref<128x128xf32, #tpu.memory_space<vmem_shared>>
    tpu.wait_dma2 semaphore(%arg11 : memref<!tpu.dma_semaphore, #tpu.memory_space<semaphore_mem>>) src(%arg8 : memref<128x128xf32, #tpu.memory_space<vmem>>) dst(%dma_wait3A_65 : memref<128x128xf32, #tpu.memory_space<vmem_shared>>)
    %dma_wait3A_66 = arith.constant 0 : i32
    %dma_wait3A_67 = tpu.memref_slice %arg10[%add3A_44, %dma_wait3A_66] : memref<10240x128xf32, #tpu.memory_space<vmem_shared>> -> memref<128x128xf32, #tpu.memory_space<vmem_shared>>
    %dma_wait3A_68 = arith.constant 0 : i32
    %dma_wait3A_69 = tpu.memref_slice %arg10[%add3A_44, %dma_wait3A_68] : memref<10240x128xf32, #tpu.memory_space<vmem_shared>> -> memref<128x128xf32, #tpu.memory_space<vmem_shared>>
    tpu.wait_dma2 semaphore(%arg11 : memref<!tpu.dma_semaphore, #tpu.memory_space<semaphore_mem>>) src(%arg8 : memref<128x128xf32, #tpu.memory_space<vmem>>) dst(%dma_wait3A_69 : memref<128x128xf32, #tpu.memory_space<vmem_shared>>)
    %dma_wait3A_70 = tpu.memref_slice %arg15[%mul3A_4] : memref<10240xf32, #tpu.memory_space<vmem_shared>> -> memref<640xf32, #tpu.memory_space<vmem_shared>>
    %dma_wait3A_71 = tpu.memref_slice %arg15[%mul3A_4] : memref<10240xf32, #tpu.memory_space<vmem_shared>> -> memref<640xf32, #tpu.memory_space<vmem_shared>>
    tpu.wait_dma2 semaphore(%arg11 : memref<!tpu.dma_semaphore, #tpu.memory_space<semaphore_mem>>) src(%arg14 : memref<640xf32, #tpu.memory_space<vmem>>) dst(%dma_wait3A_71 : memref<640xf32, #tpu.memory_space<vmem_shared>>)
    %barrier3A = arith.constant 0 : index
    tpu.barrier barrier_id(%barrier3A)
    %scan3A_72 = arith.constant 0 : i32
    %scan3A_73 = arith.constant 2 : i32
    %scan3A_74 = arith.addi %scan3A_72, %scan3A_73 : i32
    %scan3A_75 = arith.constant 1 : i32
    scf.for %scan3A_98 = %scan3A_72 to %scan3A_74 step %scan3A_75  : i32 {
      %mul3A_99 = arith.constant 80 : i32
      %mul3A_100 = arith.muli %add3A, %mul3A_99 : i32
      %mul3A_101 = arith.constant 40 : i32
      %mul3A_102 = arith.muli %scan3A_98, %mul3A_101 : i32
      %add3A_103 = arith.addi %mul3A_100, %mul3A_102 : i32
      %dma_start3A_104 = arith.constant 0 : i32
      %dma_start3A_105 = arith.constant 0 : i32
      %dma_start3A_106 = tpu.memref_slice %arg3[%dma_start3A_104, %add3A_103, %dma_start3A_105] : memref<2x2560x128xi32, #tpu.memory_space<hbm>> -> memref<1x40x128xi32, #tpu.memory_space<hbm>>
      %dma_start3A_107 = tpu.memref_squeeze %dma_start3A_106 : memref<1x40x128xi32, #tpu.memory_space<hbm>> -> memref<40x128xi32, #tpu.memory_space<hbm>>
      %dma_start3A_108 = arith.constant 0 : i32
      %dma_start3A_109 = tpu.memref_slice %arg3[%dma_start3A_104, %add3A_103, %dma_start3A_108] : memref<2x2560x128xi32, #tpu.memory_space<hbm>> -> memref<1x40x128xi32, #tpu.memory_space<hbm>>
      %dma_start3A_110 = tpu.memref_squeeze %dma_start3A_109 : memref<1x40x128xi32, #tpu.memory_space<hbm>> -> memref<40x128xi32, #tpu.memory_space<hbm>>
      tpu.enqueue_dma source(%dma_start3A_110 : memref<40x128xi32, #tpu.memory_space<hbm>>) target(%arg6 : memref<40x128xi32, #tpu.memory_space<vmem>>) target_semaphore(%arg11 : memref<!tpu.dma_semaphore, #tpu.memory_space<semaphore_mem>>)
      %dma_start3A_111 = arith.constant 1 : i32
      %dma_start3A_112 = arith.constant 0 : i32
      %dma_start3A_113 = tpu.memref_slice %arg3[%dma_start3A_111, %add3A_103, %dma_start3A_112] : memref<2x2560x128xi32, #tpu.memory_space<hbm>> -> memref<1x40x128xi32, #tpu.memory_space<hbm>>
      %dma_start3A_114 = tpu.memref_squeeze %dma_start3A_113 : memref<1x40x128xi32, #tpu.memory_space<hbm>> -> memref<40x128xi32, #tpu.memory_space<hbm>>
      %dma_start3A_115 = arith.constant 0 : i32
      %dma_start3A_116 = tpu.memref_slice %arg3[%dma_start3A_111, %add3A_103, %dma_start3A_115] : memref<2x2560x128xi32, #tpu.memory_space<hbm>> -> memref<1x40x128xi32, #tpu.memory_space<hbm>>
      %dma_start3A_117 = tpu.memref_squeeze %dma_start3A_116 : memref<1x40x128xi32, #tpu.memory_space<hbm>> -> memref<40x128xi32, #tpu.memory_space<hbm>>
      tpu.enqueue_dma source(%dma_start3A_117 : memref<40x128xi32, #tpu.memory_space<hbm>>) target(%arg7 : memref<40x128xi32, #tpu.memory_space<vmem>>) target_semaphore(%arg12 : memref<!tpu.dma_semaphore, #tpu.memory_space<semaphore_mem>>)
      %dma_wait3A_118 = arith.constant 0 : i32
      %dma_wait3A_119 = arith.constant 0 : i32
      %dma_wait3A_120 = tpu.memref_slice %arg3[%dma_wait3A_118, %add3A_103, %dma_wait3A_119] : memref<2x2560x128xi32, #tpu.memory_space<hbm>> -> memref<1x40x128xi32, #tpu.memory_space<hbm>>
      %dma_wait3A_121 = tpu.memref_squeeze %dma_wait3A_120 : memref<1x40x128xi32, #tpu.memory_space<hbm>> -> memref<40x128xi32, #tpu.memory_space<hbm>>
      %dma_wait3A_122 = arith.constant 0 : i32
      %dma_wait3A_123 = tpu.memref_slice %arg3[%dma_wait3A_118, %add3A_103, %dma_wait3A_122] : memref<2x2560x128xi32, #tpu.memory_space<hbm>> -> memref<1x40x128xi32, #tpu.memory_space<hbm>>
      %dma_wait3A_124 = tpu.memref_squeeze %dma_wait3A_123 : memref<1x40x128xi32, #tpu.memory_space<hbm>> -> memref<40x128xi32, #tpu.memory_space<hbm>>
      tpu.wait_dma2 semaphore(%arg11 : memref<!tpu.dma_semaphore, #tpu.memory_space<semaphore_mem>>) src(%dma_wait3A_124 : memref<40x128xi32, #tpu.memory_space<hbm>>) dst(%arg6 : memref<40x128xi32, #tpu.memory_space<vmem>>)
      %dma_wait3A_125 = arith.constant 1 : i32
      %dma_wait3A_126 = arith.constant 0 : i32
      %dma_wait3A_127 = tpu.memref_slice %arg3[%dma_wait3A_125, %add3A_103, %dma_wait3A_126] : memref<2x2560x128xi32, #tpu.memory_space<hbm>> -> memref<1x40x128xi32, #tpu.memory_space<hbm>>
      %dma_wait3A_128 = tpu.memref_squeeze %dma_wait3A_127 : memref<1x40x128xi32, #tpu.memory_space<hbm>> -> memref<40x128xi32, #tpu.memory_space<hbm>>
      %dma_wait3A_129 = arith.constant 0 : i32
      %dma_wait3A_130 = tpu.memref_slice %arg3[%dma_wait3A_125, %add3A_103, %dma_wait3A_129] : memref<2x2560x128xi32, #tpu.memory_space<hbm>> -> memref<1x40x128xi32, #tpu.memory_space<hbm>>
      %dma_wait3A_131 = tpu.memref_squeeze %dma_wait3A_130 : memref<1x40x128xi32, #tpu.memory_space<hbm>> -> memref<40x128xi32, #tpu.memory_space<hbm>>
      tpu.wait_dma2 semaphore(%arg12 : memref<!tpu.dma_semaphore, #tpu.memory_space<semaphore_mem>>) src(%dma_wait3A_131 : memref<40x128xi32, #tpu.memory_space<hbm>>) dst(%arg7 : memref<40x128xi32, #tpu.memory_space<vmem>>)
      %dma_start3A_132 = arith.constant 0 : i32
      %dma_start3A_133 = arith.constant 0 : i32
      %dma_start3A_134 = tpu.memref_slice %arg6[%dma_start3A_132, %dma_start3A_133] : memref<40x128xi32, #tpu.memory_space<vmem>> -> memref<1x128xi32, #tpu.memory_space<vmem>>
      %dma_start3A_135 = tpu.memref_squeeze %dma_start3A_134 : memref<1x128xi32, #tpu.memory_space<vmem>> -> memref<128xi32, #tpu.memory_space<vmem>>
      %dma_start3A_136 = arith.constant 0 : i32
      %dma_start3A_137 = arith.constant 0 : i32
      %dma_start3A_138 = tpu.memref_slice %arg2[%dma_start3A_136, %dma_start3A_137] : memref<10000x128xf32, #tpu.memory_space<hbm>> -> memref<10000x128xf32, #tpu.memory_space<hbm>>
      tpu.enqueue_indirect_dma source(%dma_start3A_138 : memref<10000x128xf32, #tpu.memory_space<hbm>>) target(%arg8 : memref<128x128xf32, #tpu.memory_space<vmem>>) offsets(%dma_start3A_135 : memref<128xi32, #tpu.memory_space<vmem>>) semaphore(%arg11 : memref<!tpu.dma_semaphore, #tpu.memory_space<semaphore_mem>>)
      %dma_wait3A_139 = arith.constant 0 : i32
      %dma_wait3A_140 = arith.constant 0 : i32
      %dma_wait3A_141 = tpu.memref_slice %arg6[%dma_wait3A_139, %dma_wait3A_140] : memref<40x128xi32, #tpu.memory_space<vmem>> -> memref<1x128xi32, #tpu.memory_space<vmem>>
      %dma_wait3A_142 = tpu.memref_squeeze %dma_wait3A_141 : memref<1x128xi32, #tpu.memory_space<vmem>> -> memref<128xi32, #tpu.memory_space<vmem>>
      %dma_wait3A_143 = arith.constant 0 : i32
      %dma_wait3A_144 = arith.constant 0 : i32
      %dma_wait3A_145 = tpu.memref_slice %arg2[%dma_wait3A_143, %dma_wait3A_144] : memref<10000x128xf32, #tpu.memory_space<hbm>> -> memref<10000x128xf32, #tpu.memory_space<hbm>>
      tpu.wait_indirect_dma semaphore(%arg11 : memref<!tpu.dma_semaphore, #tpu.memory_space<semaphore_mem>>) src(%dma_wait3A_145 : memref<10000x128xf32, #tpu.memory_space<hbm>>) dst(%arg8 : memref<128x128xf32, #tpu.memory_space<vmem>>)
      %mul3A_146 = arith.constant 40 : i32
      %mul3A_147 = arith.muli %scan3A_98, %mul3A_146 : i32
      %sub3A = arith.subi %select_n3A, %mul3A_147 : i32
      %jit3A_148 = arith.constant 0 : i32
      %jit3A_149 = arith.constant 40 : i32
      %max3A = arith.maxsi %jit3A_148, %sub3A : i32
      %min3A = arith.minsi %jit3A_149, %max3A : i32
      %jit3A_150 = arith.constant 2 : i32
      %div3A = arith.divsi %min3A, %jit3A_150 : i32
      %sign3A = arith.constant 0 : i32
      %sign3A_151 = arith.cmpi sgt, %min3A, %sign3A : i32
      %sign3A_152 = arith.extui %sign3A_151 : i1 to i32
      %sign3A_153 = arith.constant 0 : i32
      %sign3A_154 = arith.cmpi slt, %min3A, %sign3A_153 : i32
      %sign3A_155 = arith.extui %sign3A_154 : i1 to i32
      %sign3A_156 = arith.subi %sign3A_152, %sign3A_155 : i32
      %sign3A_157 = arith.constant 0 : i32
      %sign3A_158 = arith.cmpi sgt, %jit3A_150, %sign3A_157 : i32
      %sign3A_159 = arith.extui %sign3A_158 : i1 to i32
      %sign3A_160 = arith.constant 0 : i32
      %sign3A_161 = arith.cmpi slt, %jit3A_150, %sign3A_160 : i32
      %sign3A_162 = arith.extui %sign3A_161 : i1 to i32
      %sign3A_163 = arith.subi %sign3A_159, %sign3A_162 : i32
      %ne3A = arith.cmpi ne, %sign3A_156, %sign3A_163 : i32
      %rem3A = arith.remsi %min3A, %jit3A_150 : i32
      %ne3A_164 = arith.constant 0 : i32
      %ne3A_165 = arith.cmpi ne, %rem3A, %ne3A_164 : i32
      %and3A = arith.andi %ne3A, %ne3A_165 : i1
      %sub3A_166 = arith.constant 1 : i32
      %sub3A_167 = arith.subi %div3A, %sub3A_166 : i32
      %select_n3A_168 = arith.select %and3A, %sub3A_167, %div3A : i32
      %while3A = arith.constant 0 : i32
      %while3A_169 = arith.subi %select_n3A_168, %while3A : i32
      %while3A_170 = arith.addi %while3A, %while3A_169 : i32
      %while3A_171 = arith.constant 1 : i32
      %while3A_172 = arith.divsi %while3A_169, %while3A_171 : i32
      %while3A_173 = arith.muli %while3A_172, %while3A_171 : i32
      %while3A_174 = arith.addi %while3A, %while3A_173 : i32
      %while3A_175 = arith.constant 1 : i32
      scf.for %while3A_177 = %while3A to %while3A_174 step %while3A_175  : i32 {
        %mul3A_178 = arith.constant 2 : i32
        %mul3A_179 = arith.muli %mul3A_178, %while3A_177 : i32
        %add3A_180 = arith.constant 1 : i32
        %add3A_181 = arith.addi %mul3A_179, %add3A_180 : i32
        %dma_start3A_182 = arith.constant 0 : i32
        %dma_start3A_183 = tpu.memref_slice %arg6[%add3A_181, %dma_start3A_182] : memref<40x128xi32, #tpu.memory_space<vmem>> -> memref<1x128xi32, #tpu.memory_space<vmem>>
        %dma_start3A_184 = tpu.memref_squeeze %dma_start3A_183 : memref<1x128xi32, #tpu.memory_space<vmem>> -> memref<128xi32, #tpu.memory_space<vmem>>
        %dma_start3A_185 = arith.constant 0 : i32
        %dma_start3A_186 = arith.constant 0 : i32
        %dma_start3A_187 = tpu.memref_slice %arg2[%dma_start3A_185, %dma_start3A_186] : memref<10000x128xf32, #tpu.memory_space<hbm>> -> memref<10000x128xf32, #tpu.memory_space<hbm>>
        tpu.enqueue_indirect_dma source(%dma_start3A_187 : memref<10000x128xf32, #tpu.memory_space<hbm>>) target(%arg9 : memref<128x128xf32, #tpu.memory_space<vmem>>) offsets(%dma_start3A_184 : memref<128xi32, #tpu.memory_space<vmem>>) semaphore(%arg12 : memref<!tpu.dma_semaphore, #tpu.memory_space<semaphore_mem>>)
        "tpu.region"() ({
          %run_scoped3A = tpu.sem_alloc : memref<!tpu.dma_semaphore, #tpu.memory_space<semaphore_mem>>
          %dma_start3A_214 = arith.constant 0 : i32
          %dma_start3A_215 = tpu.memref_slice %arg7[%mul3A_179, %dma_start3A_214] : memref<40x128xi32, #tpu.memory_space<vmem>> -> memref<1x128xi32, #tpu.memory_space<vmem>>
          %dma_start3A_216 = tpu.memref_squeeze %dma_start3A_215 : memref<1x128xi32, #tpu.memory_space<vmem>> -> memref<128xi32, #tpu.memory_space<vmem>>
          %dma_start3A_217 = arith.constant 0 : i32
          %dma_start3A_218 = arith.constant 0 : i32
          %dma_start3A_219 = tpu.memref_slice %arg10[%dma_start3A_217, %dma_start3A_218] : memref<10240x128xf32, #tpu.memory_space<vmem_shared>> -> memref<10240x128xf32, #tpu.memory_space<vmem_shared>>
          tpu.enqueue_indirect_dma source(%arg8 : memref<128x128xf32, #tpu.memory_space<vmem>>) target(%dma_start3A_219 : memref<10240x128xf32, #tpu.memory_space<vmem_shared>>) offsets(%dma_start3A_216 : memref<128xi32, #tpu.memory_space<vmem>>) semaphore(%run_scoped3A : memref<!tpu.dma_semaphore, #tpu.memory_space<semaphore_mem>>) {add = true}
          %dma_wait3A_220 = arith.constant 0 : i32
          %dma_wait3A_221 = tpu.memref_slice %arg7[%mul3A_179, %dma_wait3A_220] : memref<40x128xi32, #tpu.memory_space<vmem>> -> memref<1x128xi32, #tpu.memory_space<vmem>>
          %dma_wait3A_222 = tpu.memref_squeeze %dma_wait3A_221 : memref<1x128xi32, #tpu.memory_space<vmem>> -> memref<128xi32, #tpu.memory_space<vmem>>
          %dma_wait3A_223 = arith.constant 0 : i32
          %dma_wait3A_224 = arith.constant 0 : i32
          %dma_wait3A_225 = tpu.memref_slice %arg10[%dma_wait3A_223, %dma_wait3A_224] : memref<10240x128xf32, #tpu.memory_space<vmem_shared>> -> memref<10240x128xf32, #tpu.memory_space<vmem_shared>>
          tpu.wait_indirect_dma semaphore(%run_scoped3A : memref<!tpu.dma_semaphore, #tpu.memory_space<semaphore_mem>>) src(%arg8 : memref<128x128xf32, #tpu.memory_space<vmem>>) dst(%dma_wait3A_225 : memref<10240x128xf32, #tpu.memory_space<vmem_shared>>)
          tpu.yield
        }) : () -> ()
        "tpu.region"() ({
          %run_scoped3A = tpu.sem_alloc : memref<!tpu.dma_semaphore, #tpu.memory_space<semaphore_mem>>
          %dma_start3A_214 = arith.constant 0 : i32
          %dma_start3A_215 = tpu.memref_slice %arg7[%mul3A_179, %dma_start3A_214] : memref<40x128xi32, #tpu.memory_space<vmem>> -> memref<1x128xi32, #tpu.memory_space<vmem>>
          %dma_start3A_216 = tpu.memref_squeeze %dma_start3A_215 : memref<1x128xi32, #tpu.memory_space<vmem>> -> memref<128xi32, #tpu.memory_space<vmem>>
          %dma_start3A_217 = arith.constant 0 : i32
          %dma_start3A_218 = tpu.memref_slice %arg15[%dma_start3A_217] : memref<10240xf32, #tpu.memory_space<vmem_shared>> -> memref<10240xf32, #tpu.memory_space<vmem_shared>>
          tpu.enqueue_indirect_dma source(%arg13 : memref<128xf32, #tpu.memory_space<vmem>>) target(%dma_start3A_218 : memref<10240xf32, #tpu.memory_space<vmem_shared>>) offsets(%dma_start3A_216 : memref<128xi32, #tpu.memory_space<vmem>>) semaphore(%run_scoped3A : memref<!tpu.dma_semaphore, #tpu.memory_space<semaphore_mem>>) {add = true}
          %dma_wait3A_219 = arith.constant 0 : i32
          %dma_wait3A_220 = tpu.memref_slice %arg7[%mul3A_179, %dma_wait3A_219] : memref<40x128xi32, #tpu.memory_space<vmem>> -> memref<1x128xi32, #tpu.memory_space<vmem>>
          %dma_wait3A_221 = tpu.memref_squeeze %dma_wait3A_220 : memref<1x128xi32, #tpu.memory_space<vmem>> -> memref<128xi32, #tpu.memory_space<vmem>>
          %dma_wait3A_222 = arith.constant 0 : i32
          %dma_wait3A_223 = tpu.memref_slice %arg15[%dma_wait3A_222] : memref<10240xf32, #tpu.memory_space<vmem_shared>> -> memref<10240xf32, #tpu.memory_space<vmem_shared>>
          tpu.wait_indirect_dma semaphore(%run_scoped3A : memref<!tpu.dma_semaphore, #tpu.memory_space<semaphore_mem>>) src(%arg13 : memref<128xf32, #tpu.memory_space<vmem>>) dst(%dma_wait3A_223 : memref<10240xf32, #tpu.memory_space<vmem_shared>>)
          tpu.yield
        }) : () -> ()
        %dma_wait3A_188 = arith.constant 0 : i32
        %dma_wait3A_189 = tpu.memref_slice %arg6[%add3A_181, %dma_wait3A_188] : memref<40x128xi32, #tpu.memory_space<vmem>> -> memref<1x128xi32, #tpu.memory_space<vmem>>
        %dma_wait3A_190 = tpu.memref_squeeze %dma_wait3A_189 : memref<1x128xi32, #tpu.memory_space<vmem>> -> memref<128xi32, #tpu.memory_space<vmem>>
        %dma_wait3A_191 = arith.constant 0 : i32
        %dma_wait3A_192 = arith.constant 0 : i32
        %dma_wait3A_193 = tpu.memref_slice %arg2[%dma_wait3A_191, %dma_wait3A_192] : memref<10000x128xf32, #tpu.memory_space<hbm>> -> memref<10000x128xf32, #tpu.memory_space<hbm>>
        tpu.wait_indirect_dma semaphore(%arg12 : memref<!tpu.dma_semaphore, #tpu.memory_space<semaphore_mem>>) src(%dma_wait3A_193 : memref<10000x128xf32, #tpu.memory_space<hbm>>) dst(%arg9 : memref<128x128xf32, #tpu.memory_space<vmem>>)
        %add3A_194 = arith.constant 2 : i32
        %add3A_195 = arith.addi %mul3A_179, %add3A_194 : i32
        %min3A_196 = arith.constant 39 : i32
        %min3A_197 = arith.minsi %add3A_195, %min3A_196 : i32
        %dma_start3A_198 = arith.constant 0 : i32
        %dma_start3A_199 = tpu.memref_slice %arg6[%min3A_197, %dma_start3A_198] : memref<40x128xi32, #tpu.memory_space<vmem>> -> memref<1x128xi32, #tpu.memory_space<vmem>>
        %dma_start3A_200 = tpu.memref_squeeze %dma_start3A_199 : memref<1x128xi32, #tpu.memory_space<vmem>> -> memref<128xi32, #tpu.memory_space<vmem>>
        %dma_start3A_201 = arith.constant 0 : i32
        %dma_start3A_202 = arith.constant 0 : i32
        %dma_start3A_203 = tpu.memref_slice %arg2[%dma_start3A_201, %dma_start3A_202] : memref<10000x128xf32, #tpu.memory_space<hbm>> -> memref<10000x128xf32, #tpu.memory_space<hbm>>
        tpu.enqueue_indirect_dma source(%dma_start3A_203 : memref<10000x128xf32, #tpu.memory_space<hbm>>) target(%arg8 : memref<128x128xf32, #tpu.memory_space<vmem>>) offsets(%dma_start3A_200 : memref<128xi32, #tpu.memory_space<vmem>>) semaphore(%arg11 : memref<!tpu.dma_semaphore, #tpu.memory_space<semaphore_mem>>)
        %add3A_204 = arith.constant 1 : i32
        %add3A_205 = arith.addi %mul3A_179, %add3A_204 : i32
        "tpu.region"() ({
          %run_scoped3A = tpu.sem_alloc : memref<!tpu.dma_semaphore, #tpu.memory_space<semaphore_mem>>
          %dma_start3A_214 = arith.constant 0 : i32
          %dma_start3A_215 = tpu.memref_slice %arg7[%add3A_205, %dma_start3A_214] : memref<40x128xi32, #tpu.memory_space<vmem>> -> memref<1x128xi32, #tpu.memory_space<vmem>>
          %dma_start3A_216 = tpu.memref_squeeze %dma_start3A_215 : memref<1x128xi32, #tpu.memory_space<vmem>> -> memref<128xi32, #tpu.memory_space<vmem>>
          %dma_start3A_217 = arith.constant 0 : i32
          %dma_start3A_218 = arith.constant 0 : i32
          %dma_start3A_219 = tpu.memref_slice %arg10[%dma_start3A_217, %dma_start3A_218] : memref<10240x128xf32, #tpu.memory_space<vmem_shared>> -> memref<10240x128xf32, #tpu.memory_space<vmem_shared>>
          tpu.enqueue_indirect_dma source(%arg9 : memref<128x128xf32, #tpu.memory_space<vmem>>) target(%dma_start3A_219 : memref<10240x128xf32, #tpu.memory_space<vmem_shared>>) offsets(%dma_start3A_216 : memref<128xi32, #tpu.memory_space<vmem>>) semaphore(%run_scoped3A : memref<!tpu.dma_semaphore, #tpu.memory_space<semaphore_mem>>) {add = true}
          %dma_wait3A_220 = arith.constant 0 : i32
          %dma_wait3A_221 = tpu.memref_slice %arg7[%add3A_205, %dma_wait3A_220] : memref<40x128xi32, #tpu.memory_space<vmem>> -> memref<1x128xi32, #tpu.memory_space<vmem>>
          %dma_wait3A_222 = tpu.memref_squeeze %dma_wait3A_221 : memref<1x128xi32, #tpu.memory_space<vmem>> -> memref<128xi32, #tpu.memory_space<vmem>>
          %dma_wait3A_223 = arith.constant 0 : i32
          %dma_wait3A_224 = arith.constant 0 : i32
          %dma_wait3A_225 = tpu.memref_slice %arg10[%dma_wait3A_223, %dma_wait3A_224] : memref<10240x128xf32, #tpu.memory_space<vmem_shared>> -> memref<10240x128xf32, #tpu.memory_space<vmem_shared>>
          tpu.wait_indirect_dma semaphore(%run_scoped3A : memref<!tpu.dma_semaphore, #tpu.memory_space<semaphore_mem>>) src(%arg9 : memref<128x128xf32, #tpu.memory_space<vmem>>) dst(%dma_wait3A_225 : memref<10240x128xf32, #tpu.memory_space<vmem_shared>>)
          tpu.yield
        }) : () -> ()
        %add3A_206 = arith.constant 1 : i32
        %add3A_207 = arith.addi %mul3A_179, %add3A_206 : i32
        "tpu.region"() ({
          %run_scoped3A = tpu.sem_alloc : memref<!tpu.dma_semaphore, #tpu.memory_space<semaphore_mem>>
          %dma_start3A_214 = arith.constant 0 : i32
          %dma_start3A_215 = tpu.memref_slice %arg7[%add3A_207, %dma_start3A_214] : memref<40x128xi32, #tpu.memory_space<vmem>> -> memref<1x128xi32, #tpu.memory_space<vmem>>
          %dma_start3A_216 = tpu.memref_squeeze %dma_start3A_215 : memref<1x128xi32, #tpu.memory_space<vmem>> -> memref<128xi32, #tpu.memory_space<vmem>>
          %dma_start3A_217 = arith.constant 0 : i32
          %dma_start3A_218 = tpu.memref_slice %arg15[%dma_start3A_217] : memref<10240xf32, #tpu.memory_space<vmem_shared>> -> memref<10240xf32, #tpu.memory_space<vmem_shared>>
          tpu.enqueue_indirect_dma source(%arg13 : memref<128xf32, #tpu.memory_space<vmem>>) target(%dma_start3A_218 : memref<10240xf32, #tpu.memory_space<vmem_shared>>) offsets(%dma_start3A_216 : memref<128xi32, #tpu.memory_space<vmem>>) semaphore(%run_scoped3A : memref<!tpu.dma_semaphore, #tpu.memory_space<semaphore_mem>>) {add = true}
          %dma_wait3A_219 = arith.constant 0 : i32
          %dma_wait3A_220 = tpu.memref_slice %arg7[%add3A_207, %dma_wait3A_219] : memref<40x128xi32, #tpu.memory_space<vmem>> -> memref<1x128xi32, #tpu.memory_space<vmem>>
          %dma_wait3A_221 = tpu.memref_squeeze %dma_wait3A_220 : memref<1x128xi32, #tpu.memory_space<vmem>> -> memref<128xi32, #tpu.memory_space<vmem>>
          %dma_wait3A_222 = arith.constant 0 : i32
          %dma_wait3A_223 = tpu.memref_slice %arg15[%dma_wait3A_222] : memref<10240xf32, #tpu.memory_space<vmem_shared>> -> memref<10240xf32, #tpu.memory_space<vmem_shared>>
          tpu.wait_indirect_dma semaphore(%run_scoped3A : memref<!tpu.dma_semaphore, #tpu.memory_space<semaphore_mem>>) src(%arg13 : memref<128xf32, #tpu.memory_space<vmem>>) dst(%dma_wait3A_223 : memref<10240xf32, #tpu.memory_space<vmem_shared>>)
          tpu.yield
        }) : () -> ()
        %dma_wait3A_208 = arith.constant 0 : i32
        %dma_wait3A_209 = tpu.memref_slice %arg6[%min3A_197, %dma_wait3A_208] : memref<40x128xi32, #tpu.memory_space<vmem>> -> memref<1x128xi32, #tpu.memory_space<vmem>>
        %dma_wait3A_210 = tpu.memref_squeeze %dma_wait3A_209 : memref<1x128xi32, #tpu.memory_space<vmem>> -> memref<128xi32, #tpu.memory_space<vmem>>
        %dma_wait3A_211 = arith.constant 0 : i32
        %dma_wait3A_212 = arith.constant 0 : i32
        %dma_wait3A_213 = tpu.memref_slice %arg2[%dma_wait3A_211, %dma_wait3A_212] : memref<10000x128xf32, #tpu.memory_space<hbm>> -> memref<10000x128xf32, #tpu.memory_space<hbm>>
        tpu.wait_indirect_dma semaphore(%arg11 : memref<!tpu.dma_semaphore, #tpu.memory_space<semaphore_mem>>) src(%dma_wait3A_213 : memref<10000x128xf32, #tpu.memory_space<hbm>>) dst(%arg8 : memref<128x128xf32, #tpu.memory_space<vmem>>)
      }
      %while3A_176 = arith.constant 1 : i32
      scf.for %while3A_177 = %while3A_174 to %while3A_170 step %while3A_176  : i32 {
        %mul3A_178 = arith.constant 2 : i32
        %mul3A_179 = arith.muli %mul3A_178, %while3A_177 : i32
        %add3A_180 = arith.constant 1 : i32
        %add3A_181 = arith.addi %mul3A_179, %add3A_180 : i32
        %dma_start3A_182 = arith.constant 0 : i32
        %dma_start3A_183 = tpu.memref_slice %arg6[%add3A_181, %dma_start3A_182] : memref<40x128xi32, #tpu.memory_space<vmem>> -> memref<1x128xi32, #tpu.memory_space<vmem>>
        %dma_start3A_184 = tpu.memref_squeeze %dma_start3A_183 : memref<1x128xi32, #tpu.memory_space<vmem>> -> memref<128xi32, #tpu.memory_space<vmem>>
        %dma_start3A_185 = arith.constant 0 : i32
        %dma_start3A_186 = arith.constant 0 : i32
        %dma_start3A_187 = tpu.memref_slice %arg2[%dma_start3A_185, %dma_start3A_186] : memref<10000x128xf32, #tpu.memory_space<hbm>> -> memref<10000x128xf32, #tpu.memory_space<hbm>>
        tpu.enqueue_indirect_dma source(%dma_start3A_187 : memref<10000x128xf32, #tpu.memory_space<hbm>>) target(%arg9 : memref<128x128xf32, #tpu.memory_space<vmem>>) offsets(%dma_start3A_184 : memref<128xi32, #tpu.memory_space<vmem>>) semaphore(%arg12 : memref<!tpu.dma_semaphore, #tpu.memory_space<semaphore_mem>>)
        "tpu.region"() ({
          %run_scoped3A = tpu.sem_alloc : memref<!tpu.dma_semaphore, #tpu.memory_space<semaphore_mem>>
          %dma_start3A_214 = arith.constant 0 : i32
          %dma_start3A_215 = tpu.memref_slice %arg7[%mul3A_179, %dma_start3A_214] : memref<40x128xi32, #tpu.memory_space<vmem>> -> memref<1x128xi32, #tpu.memory_space<vmem>>
          %dma_start3A_216 = tpu.memref_squeeze %dma_start3A_215 : memref<1x128xi32, #tpu.memory_space<vmem>> -> memref<128xi32, #tpu.memory_space<vmem>>
          %dma_start3A_217 = arith.constant 0 : i32
          %dma_start3A_218 = arith.constant 0 : i32
          %dma_start3A_219 = tpu.memref_slice %arg10[%dma_start3A_217, %dma_start3A_218] : memref<10240x128xf32, #tpu.memory_space<vmem_shared>> -> memref<10240x128xf32, #tpu.memory_space<vmem_shared>>
          tpu.enqueue_indirect_dma source(%arg8 : memref<128x128xf32, #tpu.memory_space<vmem>>) target(%dma_start3A_219 : memref<10240x128xf32, #tpu.memory_space<vmem_shared>>) offsets(%dma_start3A_216 : memref<128xi32, #tpu.memory_space<vmem>>) semaphore(%run_scoped3A : memref<!tpu.dma_semaphore, #tpu.memory_space<semaphore_mem>>) {add = true}
          %dma_wait3A_220 = arith.constant 0 : i32
          %dma_wait3A_221 = tpu.memref_slice %arg7[%mul3A_179, %dma_wait3A_220] : memref<40x128xi32, #tpu.memory_space<vmem>> -> memref<1x128xi32, #tpu.memory_space<vmem>>
          %dma_wait3A_222 = tpu.memref_squeeze %dma_wait3A_221 : memref<1x128xi32, #tpu.memory_space<vmem>> -> memref<128xi32, #tpu.memory_space<vmem>>
          %dma_wait3A_223 = arith.constant 0 : i32
          %dma_wait3A_224 = arith.constant 0 : i32
          %dma_wait3A_225 = tpu.memref_slice %arg10[%dma_wait3A_223, %dma_wait3A_224] : memref<10240x128xf32, #tpu.memory_space<vmem_shared>> -> memref<10240x128xf32, #tpu.memory_space<vmem_shared>>
          tpu.wait_indirect_dma semaphore(%run_scoped3A : memref<!tpu.dma_semaphore, #tpu.memory_space<semaphore_mem>>) src(%arg8 : memref<128x128xf32, #tpu.memory_space<vmem>>) dst(%dma_wait3A_225 : memref<10240x128xf32, #tpu.memory_space<vmem_shared>>)
          tpu.yield
        }) : () -> ()
        "tpu.region"() ({
          %run_scoped3A = tpu.sem_alloc : memref<!tpu.dma_semaphore, #tpu.memory_space<semaphore_mem>>
          %dma_start3A_214 = arith.constant 0 : i32
          %dma_start3A_215 = tpu.memref_slice %arg7[%mul3A_179, %dma_start3A_214] : memref<40x128xi32, #tpu.memory_space<vmem>> -> memref<1x128xi32, #tpu.memory_space<vmem>>
          %dma_start3A_216 = tpu.memref_squeeze %dma_start3A_215 : memref<1x128xi32, #tpu.memory_space<vmem>> -> memref<128xi32, #tpu.memory_space<vmem>>
          %dma_start3A_217 = arith.constant 0 : i32
          %dma_start3A_218 = tpu.memref_slice %arg15[%dma_start3A_217] : memref<10240xf32, #tpu.memory_space<vmem_shared>> -> memref<10240xf32, #tpu.memory_space<vmem_shared>>
          tpu.enqueue_indirect_dma source(%arg13 : memref<128xf32, #tpu.memory_space<vmem>>) target(%dma_start3A_218 : memref<10240xf32, #tpu.memory_space<vmem_shared>>) offsets(%dma_start3A_216 : memref<128xi32, #tpu.memory_space<vmem>>) semaphore(%run_scoped3A : memref<!tpu.dma_semaphore, #tpu.memory_space<semaphore_mem>>) {add = true}
          %dma_wait3A_219 = arith.constant 0 : i32
          %dma_wait3A_220 = tpu.memref_slice %arg7[%mul3A_179, %dma_wait3A_219] : memref<40x128xi32, #tpu.memory_space<vmem>> -> memref<1x128xi32, #tpu.memory_space<vmem>>
          %dma_wait3A_221 = tpu.memref_squeeze %dma_wait3A_220 : memref<1x128xi32, #tpu.memory_space<vmem>> -> memref<128xi32, #tpu.memory_space<vmem>>
          %dma_wait3A_222 = arith.constant 0 : i32
          %dma_wait3A_223 = tpu.memref_slice %arg15[%dma_wait3A_222] : memref<10240xf32, #tpu.memory_space<vmem_shared>> -> memref<10240xf32, #tpu.memory_space<vmem_shared>>
          tpu.wait_indirect_dma semaphore(%run_scoped3A : memref<!tpu.dma_semaphore, #tpu.memory_space<semaphore_mem>>) src(%arg13 : memref<128xf32, #tpu.memory_space<vmem>>) dst(%dma_wait3A_223 : memref<10240xf32, #tpu.memory_space<vmem_shared>>)
          tpu.yield
        }) : () -> ()
        %dma_wait3A_188 = arith.constant 0 : i32
        %dma_wait3A_189 = tpu.memref_slice %arg6[%add3A_181, %dma_wait3A_188] : memref<40x128xi32, #tpu.memory_space<vmem>> -> memref<1x128xi32, #tpu.memory_space<vmem>>
        %dma_wait3A_190 = tpu.memref_squeeze %dma_wait3A_189 : memref<1x128xi32, #tpu.memory_space<vmem>> -> memref<128xi32, #tpu.memory_space<vmem>>
        %dma_wait3A_191 = arith.constant 0 : i32
        %dma_wait3A_192 = arith.constant 0 : i32
        %dma_wait3A_193 = tpu.memref_slice %arg2[%dma_wait3A_191, %dma_wait3A_192] : memref<10000x128xf32, #tpu.memory_space<hbm>> -> memref<10000x128xf32, #tpu.memory_space<hbm>>
        tpu.wait_indirect_dma semaphore(%arg12 : memref<!tpu.dma_semaphore, #tpu.memory_space<semaphore_mem>>) src(%dma_wait3A_193 : memref<10000x128xf32, #tpu.memory_space<hbm>>) dst(%arg9 : memref<128x128xf32, #tpu.memory_space<vmem>>)
        %add3A_194 = arith.constant 2 : i32
        %add3A_195 = arith.addi %mul3A_179, %add3A_194 : i32
        %min3A_196 = arith.constant 39 : i32
        %min3A_197 = arith.minsi %add3A_195, %min3A_196 : i32
        %dma_start3A_198 = arith.constant 0 : i32
        %dma_start3A_199 = tpu.memref_slice %arg6[%min3A_197, %dma_start3A_198] : memref<40x128xi32, #tpu.memory_space<vmem>> -> memref<1x128xi32, #tpu.memory_space<vmem>>
        %dma_start3A_200 = tpu.memref_squeeze %dma_start3A_199 : memref<1x128xi32, #tpu.memory_space<vmem>> -> memref<128xi32, #tpu.memory_space<vmem>>
        %dma_start3A_201 = arith.constant 0 : i32
        %dma_start3A_202 = arith.constant 0 : i32
        %dma_start3A_203 = tpu.memref_slice %arg2[%dma_start3A_201, %dma_start3A_202] : memref<10000x128xf32, #tpu.memory_space<hbm>> -> memref<10000x128xf32, #tpu.memory_space<hbm>>
        tpu.enqueue_indirect_dma source(%dma_start3A_203 : memref<10000x128xf32, #tpu.memory_space<hbm>>) target(%arg8 : memref<128x128xf32, #tpu.memory_space<vmem>>) offsets(%dma_start3A_200 : memref<128xi32, #tpu.memory_space<vmem>>) semaphore(%arg11 : memref<!tpu.dma_semaphore, #tpu.memory_space<semaphore_mem>>)
        %add3A_204 = arith.constant 1 : i32
        %add3A_205 = arith.addi %mul3A_179, %add3A_204 : i32
        "tpu.region"() ({
          %run_scoped3A = tpu.sem_alloc : memref<!tpu.dma_semaphore, #tpu.memory_space<semaphore_mem>>
          %dma_start3A_214 = arith.constant 0 : i32
          %dma_start3A_215 = tpu.memref_slice %arg7[%add3A_205, %dma_start3A_214] : memref<40x128xi32, #tpu.memory_space<vmem>> -> memref<1x128xi32, #tpu.memory_space<vmem>>
          %dma_start3A_216 = tpu.memref_squeeze %dma_start3A_215 : memref<1x128xi32, #tpu.memory_space<vmem>> -> memref<128xi32, #tpu.memory_space<vmem>>
          %dma_start3A_217 = arith.constant 0 : i32
          %dma_start3A_218 = arith.constant 0 : i32
          %dma_start3A_219 = tpu.memref_slice %arg10[%dma_start3A_217, %dma_start3A_218] : memref<10240x128xf32, #tpu.memory_space<vmem_shared>> -> memref<10240x128xf32, #tpu.memory_space<vmem_shared>>
          tpu.enqueue_indirect_dma source(%arg9 : memref<128x128xf32, #tpu.memory_space<vmem>>) target(%dma_start3A_219 : memref<10240x128xf32, #tpu.memory_space<vmem_shared>>) offsets(%dma_start3A_216 : memref<128xi32, #tpu.memory_space<vmem>>) semaphore(%run_scoped3A : memref<!tpu.dma_semaphore, #tpu.memory_space<semaphore_mem>>) {add = true}
          %dma_wait3A_220 = arith.constant 0 : i32
          %dma_wait3A_221 = tpu.memref_slice %arg7[%add3A_205, %dma_wait3A_220] : memref<40x128xi32, #tpu.memory_space<vmem>> -> memref<1x128xi32, #tpu.memory_space<vmem>>
          %dma_wait3A_222 = tpu.memref_squeeze %dma_wait3A_221 : memref<1x128xi32, #tpu.memory_space<vmem>> -> memref<128xi32, #tpu.memory_space<vmem>>
          %dma_wait3A_223 = arith.constant 0 : i32
          %dma_wait3A_224 = arith.constant 0 : i32
          %dma_wait3A_225 = tpu.memref_slice %arg10[%dma_wait3A_223, %dma_wait3A_224] : memref<10240x128xf32, #tpu.memory_space<vmem_shared>> -> memref<10240x128xf32, #tpu.memory_space<vmem_shared>>
          tpu.wait_indirect_dma semaphore(%run_scoped3A : memref<!tpu.dma_semaphore, #tpu.memory_space<semaphore_mem>>) src(%arg9 : memref<128x128xf32, #tpu.memory_space<vmem>>) dst(%dma_wait3A_225 : memref<10240x128xf32, #tpu.memory_space<vmem_shared>>)
          tpu.yield
        }) : () -> ()
        %add3A_206 = arith.constant 1 : i32
        %add3A_207 = arith.addi %mul3A_179, %add3A_206 : i32
        "tpu.region"() ({
          %run_scoped3A = tpu.sem_alloc : memref<!tpu.dma_semaphore, #tpu.memory_space<semaphore_mem>>
          %dma_start3A_214 = arith.constant 0 : i32
          %dma_start3A_215 = tpu.memref_slice %arg7[%add3A_207, %dma_start3A_214] : memref<40x128xi32, #tpu.memory_space<vmem>> -> memref<1x128xi32, #tpu.memory_space<vmem>>
          %dma_start3A_216 = tpu.memref_squeeze %dma_start3A_215 : memref<1x128xi32, #tpu.memory_space<vmem>> -> memref<128xi32, #tpu.memory_space<vmem>>
          %dma_start3A_217 = arith.constant 0 : i32
          %dma_start3A_218 = tpu.memref_slice %arg15[%dma_start3A_217] : memref<10240xf32, #tpu.memory_space<vmem_shared>> -> memref<10240xf32, #tpu.memory_space<vmem_shared>>
          tpu.enqueue_indirect_dma source(%arg13 : memref<128xf32, #tpu.memory_space<vmem>>) target(%dma_start3A_218 : memref<10240xf32, #tpu.memory_space<vmem_shared>>) offsets(%dma_start3A_216 : memref<128xi32, #tpu.memory_space<vmem>>) semaphore(%run_scoped3A : memref<!tpu.dma_semaphore, #tpu.memory_space<semaphore_mem>>) {add = true}
          %dma_wait3A_219 = arith.constant 0 : i32
          %dma_wait3A_220 = tpu.memref_slice %arg7[%add3A_207, %dma_wait3A_219] : memref<40x128xi32, #tpu.memory_space<vmem>> -> memref<1x128xi32, #tpu.memory_space<vmem>>
          %dma_wait3A_221 = tpu.memref_squeeze %dma_wait3A_220 : memref<1x128xi32, #tpu.memory_space<vmem>> -> memref<128xi32, #tpu.memory_space<vmem>>
          %dma_wait3A_222 = arith.constant 0 : i32
          %dma_wait3A_223 = tpu.memref_slice %arg15[%dma_wait3A_222] : memref<10240xf32, #tpu.memory_space<vmem_shared>> -> memref<10240xf32, #tpu.memory_space<vmem_shared>>
          tpu.wait_indirect_dma semaphore(%run_scoped3A : memref<!tpu.dma_semaphore, #tpu.memory_space<semaphore_mem>>) src(%arg13 : memref<128xf32, #tpu.memory_space<vmem>>) dst(%dma_wait3A_223 : memref<10240xf32, #tpu.memory_space<vmem_shared>>)
          tpu.yield
        }) : () -> ()
        %dma_wait3A_208 = arith.constant 0 : i32
        %dma_wait3A_209 = tpu.memref_slice %arg6[%min3A_197, %dma_wait3A_208] : memref<40x128xi32, #tpu.memory_space<vmem>> -> memref<1x128xi32, #tpu.memory_space<vmem>>
        %dma_wait3A_210 = tpu.memref_squeeze %dma_wait3A_209 : memref<1x128xi32, #tpu.memory_space<vmem>> -> memref<128xi32, #tpu.memory_space<vmem>>
        %dma_wait3A_211 = arith.constant 0 : i32
        %dma_wait3A_212 = arith.constant 0 : i32
        %dma_wait3A_213 = tpu.memref_slice %arg2[%dma_wait3A_211, %dma_wait3A_212] : memref<10000x128xf32, #tpu.memory_space<hbm>> -> memref<10000x128xf32, #tpu.memory_space<hbm>>
        tpu.wait_indirect_dma semaphore(%arg11 : memref<!tpu.dma_semaphore, #tpu.memory_space<semaphore_mem>>) src(%dma_wait3A_213 : memref<10000x128xf32, #tpu.memory_space<hbm>>) dst(%arg8 : memref<128x128xf32, #tpu.memory_space<vmem>>)
      }
    }
    %scan3A_76 = arith.constant 2 : i32
    %barrier3A_77 = arith.constant 0 : index
    tpu.barrier barrier_id(%barrier3A_77)
    %add3A_78 = arith.constant 0 : i32
    %add3A_79 = arith.addi %mul3A_4, %add3A_78 : i32
    %add3A_80 = arith.constant 0 : i32
    %add3A_81 = arith.addi %mul3A_4, %add3A_80 : i32
    "tpu.region"() ({
      %run_scoped3A = tpu.sem_alloc : memref<!tpu.dma_semaphore, #tpu.memory_space<semaphore_mem>>
      %dma_start3A_98 = arith.constant 0 : i32
      %dma_start3A_99 = tpu.memref_slice %arg4[%arg0, %add3A_81, %dma_start3A_98] : memref<2x10240x128xf32, #tpu.memory_space<hbm>> -> memref<1x128x128xf32, #tpu.memory_space<hbm>>
      %dma_start3A_100 = tpu.memref_squeeze %dma_start3A_99 : memref<1x128x128xf32, #tpu.memory_space<hbm>> -> memref<128x128xf32, #tpu.memory_space<hbm>>
      %dma_start3A_101 = arith.constant 0 : i32
      %dma_start3A_102 = tpu.memref_slice %arg10[%add3A_79, %dma_start3A_101] : memref<10240x128xf32, #tpu.memory_space<vmem_shared>> -> memref<128x128xf32, #tpu.memory_space<vmem_shared>>
      tpu.enqueue_dma source(%dma_start3A_102 : memref<128x128xf32, #tpu.memory_space<vmem_shared>>) target(%dma_start3A_100 : memref<128x128xf32, #tpu.memory_space<hbm>>) target_semaphore(%run_scoped3A : memref<!tpu.dma_semaphore, #tpu.memory_space<semaphore_mem>>)
      %dma_wait3A_103 = arith.constant 0 : i32
      %dma_wait3A_104 = tpu.memref_slice %arg4[%arg0, %add3A_81, %dma_wait3A_103] : memref<2x10240x128xf32, #tpu.memory_space<hbm>> -> memref<1x128x128xf32, #tpu.memory_space<hbm>>
      %dma_wait3A_105 = tpu.memref_squeeze %dma_wait3A_104 : memref<1x128x128xf32, #tpu.memory_space<hbm>> -> memref<128x128xf32, #tpu.memory_space<hbm>>
      %dma_wait3A_106 = arith.constant 0 : i32
      %dma_wait3A_107 = tpu.memref_slice %arg10[%add3A_79, %dma_wait3A_106] : memref<10240x128xf32, #tpu.memory_space<vmem_shared>> -> memref<128x128xf32, #tpu.memory_space<vmem_shared>>
      tpu.wait_dma2 semaphore(%run_scoped3A : memref<!tpu.dma_semaphore, #tpu.memory_space<semaphore_mem>>) src(%dma_wait3A_107 : memref<128x128xf32, #tpu.memory_space<vmem_shared>>) dst(%dma_wait3A_105 : memref<128x128xf32, #tpu.memory_space<hbm>>)
      tpu.yield
    }) : () -> ()
    %add3A_82 = arith.constant 128 : i32
    %add3A_83 = arith.addi %mul3A_4, %add3A_82 : i32
    %add3A_84 = arith.constant 128 : i32
    %add3A_85 = arith.addi %mul3A_4, %add3A_84 : i32
    "tpu.region"() ({
      %run_scoped3A = tpu.sem_alloc : memref<!tpu.dma_semaphore, #tpu.memory_space<semaphore_mem>>
      %dma_start3A_98 = arith.constant 0 : i32
      %dma_start3A_99 = tpu.memref_slice %arg4[%arg0, %add3A_85, %dma_start3A_98] : memref<2x10240x128xf32, #tpu.memory_space<hbm>> -> memref<1x128x128xf32, #tpu.memory_space<hbm>>
      %dma_start3A_100 = tpu.memref_squeeze %dma_start3A_99 : memref<1x128x128xf32, #tpu.memory_space<hbm>> -> memref<128x128xf32, #tpu.memory_space<hbm>>
      %dma_start3A_101 = arith.constant 0 : i32
      %dma_start3A_102 = tpu.memref_slice %arg10[%add3A_83, %dma_start3A_101] : memref<10240x128xf32, #tpu.memory_space<vmem_shared>> -> memref<128x128xf32, #tpu.memory_space<vmem_shared>>
      tpu.enqueue_dma source(%dma_start3A_102 : memref<128x128xf32, #tpu.memory_space<vmem_shared>>) target(%dma_start3A_100 : memref<128x128xf32, #tpu.memory_space<hbm>>) target_semaphore(%run_scoped3A : memref<!tpu.dma_semaphore, #tpu.memory_space<semaphore_mem>>)
      %dma_wait3A_103 = arith.constant 0 : i32
      %dma_wait3A_104 = tpu.memref_slice %arg4[%arg0, %add3A_85, %dma_wait3A_103] : memref<2x10240x128xf32, #tpu.memory_space<hbm>> -> memref<1x128x128xf32, #tpu.memory_space<hbm>>
      %dma_wait3A_105 = tpu.memref_squeeze %dma_wait3A_104 : memref<1x128x128xf32, #tpu.memory_space<hbm>> -> memref<128x128xf32, #tpu.memory_space<hbm>>
      %dma_wait3A_106 = arith.constant 0 : i32
      %dma_wait3A_107 = tpu.memref_slice %arg10[%add3A_83, %dma_wait3A_106] : memref<10240x128xf32, #tpu.memory_space<vmem_shared>> -> memref<128x128xf32, #tpu.memory_space<vmem_shared>>
      tpu.wait_dma2 semaphore(%run_scoped3A : memref<!tpu.dma_semaphore, #tpu.memory_space<semaphore_mem>>) src(%dma_wait3A_107 : memref<128x128xf32, #tpu.memory_space<vmem_shared>>) dst(%dma_wait3A_105 : memref<128x128xf32, #tpu.memory_space<hbm>>)
      tpu.yield
    }) : () -> ()
    %add3A_86 = arith.constant 256 : i32
    %add3A_87 = arith.addi %mul3A_4, %add3A_86 : i32
    %add3A_88 = arith.constant 256 : i32
    %add3A_89 = arith.addi %mul3A_4, %add3A_88 : i32
    "tpu.region"() ({
      %run_scoped3A = tpu.sem_alloc : memref<!tpu.dma_semaphore, #tpu.memory_space<semaphore_mem>>
      %dma_start3A_98 = arith.constant 0 : i32
      %dma_start3A_99 = tpu.memref_slice %arg4[%arg0, %add3A_89, %dma_start3A_98] : memref<2x10240x128xf32, #tpu.memory_space<hbm>> -> memref<1x128x128xf32, #tpu.memory_space<hbm>>
      %dma_start3A_100 = tpu.memref_squeeze %dma_start3A_99 : memref<1x128x128xf32, #tpu.memory_space<hbm>> -> memref<128x128xf32, #tpu.memory_space<hbm>>
      %dma_start3A_101 = arith.constant 0 : i32
      %dma_start3A_102 = tpu.memref_slice %arg10[%add3A_87, %dma_start3A_101] : memref<10240x128xf32, #tpu.memory_space<vmem_shared>> -> memref<128x128xf32, #tpu.memory_space<vmem_shared>>
      tpu.enqueue_dma source(%dma_start3A_102 : memref<128x128xf32, #tpu.memory_space<vmem_shared>>) target(%dma_start3A_100 : memref<128x128xf32, #tpu.memory_space<hbm>>) target_semaphore(%run_scoped3A : memref<!tpu.dma_semaphore, #tpu.memory_space<semaphore_mem>>)
      %dma_wait3A_103 = arith.constant 0 : i32
      %dma_wait3A_104 = tpu.memref_slice %arg4[%arg0, %add3A_89, %dma_wait3A_103] : memref<2x10240x128xf32, #tpu.memory_space<hbm>> -> memref<1x128x128xf32, #tpu.memory_space<hbm>>
      %dma_wait3A_105 = tpu.memref_squeeze %dma_wait3A_104 : memref<1x128x128xf32, #tpu.memory_space<hbm>> -> memref<128x128xf32, #tpu.memory_space<hbm>>
      %dma_wait3A_106 = arith.constant 0 : i32
      %dma_wait3A_107 = tpu.memref_slice %arg10[%add3A_87, %dma_wait3A_106] : memref<10240x128xf32, #tpu.memory_space<vmem_shared>> -> memref<128x128xf32, #tpu.memory_space<vmem_shared>>
      tpu.wait_dma2 semaphore(%run_scoped3A : memref<!tpu.dma_semaphore, #tpu.memory_space<semaphore_mem>>) src(%dma_wait3A_107 : memref<128x128xf32, #tpu.memory_space<vmem_shared>>) dst(%dma_wait3A_105 : memref<128x128xf32, #tpu.memory_space<hbm>>)
      tpu.yield
    }) : () -> ()
    %add3A_90 = arith.constant 384 : i32
    %add3A_91 = arith.addi %mul3A_4, %add3A_90 : i32
    %add3A_92 = arith.constant 384 : i32
    %add3A_93 = arith.addi %mul3A_4, %add3A_92 : i32
    "tpu.region"() ({
      %run_scoped3A = tpu.sem_alloc : memref<!tpu.dma_semaphore, #tpu.memory_space<semaphore_mem>>
      %dma_start3A_98 = arith.constant 0 : i32
      %dma_start3A_99 = tpu.memref_slice %arg4[%arg0, %add3A_93, %dma_start3A_98] : memref<2x10240x128xf32, #tpu.memory_space<hbm>> -> memref<1x128x128xf32, #tpu.memory_space<hbm>>
      %dma_start3A_100 = tpu.memref_squeeze %dma_start3A_99 : memref<1x128x128xf32, #tpu.memory_space<hbm>> -> memref<128x128xf32, #tpu.memory_space<hbm>>
      %dma_start3A_101 = arith.constant 0 : i32
      %dma_start3A_102 = tpu.memref_slice %arg10[%add3A_91, %dma_start3A_101] : memref<10240x128xf32, #tpu.memory_space<vmem_shared>> -> memref<128x128xf32, #tpu.memory_space<vmem_shared>>
      tpu.enqueue_dma source(%dma_start3A_102 : memref<128x128xf32, #tpu.memory_space<vmem_shared>>) target(%dma_start3A_100 : memref<128x128xf32, #tpu.memory_space<hbm>>) target_semaphore(%run_scoped3A : memref<!tpu.dma_semaphore, #tpu.memory_space<semaphore_mem>>)
      %dma_wait3A_103 = arith.constant 0 : i32
      %dma_wait3A_104 = tpu.memref_slice %arg4[%arg0, %add3A_93, %dma_wait3A_103] : memref<2x10240x128xf32, #tpu.memory_space<hbm>> -> memref<1x128x128xf32, #tpu.memory_space<hbm>>
      %dma_wait3A_105 = tpu.memref_squeeze %dma_wait3A_104 : memref<1x128x128xf32, #tpu.memory_space<hbm>> -> memref<128x128xf32, #tpu.memory_space<hbm>>
      %dma_wait3A_106 = arith.constant 0 : i32
      %dma_wait3A_107 = tpu.memref_slice %arg10[%add3A_91, %dma_wait3A_106] : memref<10240x128xf32, #tpu.memory_space<vmem_shared>> -> memref<128x128xf32, #tpu.memory_space<vmem_shared>>
      tpu.wait_dma2 semaphore(%run_scoped3A : memref<!tpu.dma_semaphore, #tpu.memory_space<semaphore_mem>>) src(%dma_wait3A_107 : memref<128x128xf32, #tpu.memory_space<vmem_shared>>) dst(%dma_wait3A_105 : memref<128x128xf32, #tpu.memory_space<hbm>>)
      tpu.yield
    }) : () -> ()
    %add3A_94 = arith.constant 512 : i32
    %add3A_95 = arith.addi %mul3A_4, %add3A_94 : i32
    %add3A_96 = arith.constant 512 : i32
    %add3A_97 = arith.addi %mul3A_4, %add3A_96 : i32
    "tpu.region"() ({
      %run_scoped3A = tpu.sem_alloc : memref<!tpu.dma_semaphore, #tpu.memory_space<semaphore_mem>>
      %dma_start3A_98 = arith.constant 0 : i32
      %dma_start3A_99 = tpu.memref_slice %arg4[%arg0, %add3A_97, %dma_start3A_98] : memref<2x10240x128xf32, #tpu.memory_space<hbm>> -> memref<1x128x128xf32, #tpu.memory_space<hbm>>
      %dma_start3A_100 = tpu.memref_squeeze %dma_start3A_99 : memref<1x128x128xf32, #tpu.memory_space<hbm>> -> memref<128x128xf32, #tpu.memory_space<hbm>>
      %dma_start3A_101 = arith.constant 0 : i32
      %dma_start3A_102 = tpu.memref_slice %arg10[%add3A_95, %dma_start3A_101] : memref<10240x128xf32, #tpu.memory_space<vmem_shared>> -> memref<128x128xf32, #tpu.memory_space<vmem_shared>>
      tpu.enqueue_dma source(%dma_start3A_102 : memref<128x128xf32, #tpu.memory_space<vmem_shared>>) target(%dma_start3A_100 : memref<128x128xf32, #tpu.memory_space<hbm>>) target_semaphore(%run_scoped3A : memref<!tpu.dma_semaphore, #tpu.memory_space<semaphore_mem>>)
      %dma_wait3A_103 = arith.constant 0 : i32
      %dma_wait3A_104 = tpu.memref_slice %arg4[%arg0, %add3A_97, %dma_wait3A_103] : memref<2x10240x128xf32, #tpu.memory_space<hbm>> -> memref<1x128x128xf32, #tpu.memory_space<hbm>>
      %dma_wait3A_105 = tpu.memref_squeeze %dma_wait3A_104 : memref<1x128x128xf32, #tpu.memory_space<hbm>> -> memref<128x128xf32, #tpu.memory_space<hbm>>
      %dma_wait3A_106 = arith.constant 0 : i32
      %dma_wait3A_107 = tpu.memref_slice %arg10[%add3A_95, %dma_wait3A_106] : memref<10240x128xf32, #tpu.memory_space<vmem_shared>> -> memref<128x128xf32, #tpu.memory_space<vmem_shared>>
      tpu.wait_dma2 semaphore(%run_scoped3A : memref<!tpu.dma_semaphore, #tpu.memory_space<semaphore_mem>>) src(%dma_wait3A_107 : memref<128x128xf32, #tpu.memory_space<vmem_shared>>) dst(%dma_wait3A_105 : memref<128x128xf32, #tpu.memory_space<hbm>>)
      tpu.yield
    }) : () -> ()
    "tpu.region"() ({
      %run_scoped3A = tpu.sem_alloc : memref<!tpu.dma_semaphore, #tpu.memory_space<semaphore_mem>>
      %dma_start3A_98 = tpu.memref_slice %arg5[%arg0, %mul3A_4] : memref<2x10240xf32, #tpu.memory_space<hbm>> -> memref<1x640xf32, #tpu.memory_space<hbm>>
      %dma_start3A_99 = tpu.memref_squeeze %dma_start3A_98 : memref<1x640xf32, #tpu.memory_space<hbm>> -> memref<640xf32, #tpu.memory_space<hbm>>
      %dma_start3A_100 = tpu.memref_slice %arg15[%mul3A_4] : memref<10240xf32, #tpu.memory_space<vmem_shared>> -> memref<640xf32, #tpu.memory_space<vmem_shared>>
      tpu.enqueue_dma source(%dma_start3A_100 : memref<640xf32, #tpu.memory_space<vmem_shared>>) target(%dma_start3A_99 : memref<640xf32, #tpu.memory_space<hbm>>) target_semaphore(%run_scoped3A : memref<!tpu.dma_semaphore, #tpu.memory_space<semaphore_mem>>)
      %dma_wait3A_101 = tpu.memref_slice %arg5[%arg0, %mul3A_4] : memref<2x10240xf32, #tpu.memory_space<hbm>> -> memref<1x640xf32, #tpu.memory_space<hbm>>
      %dma_wait3A_102 = tpu.memref_squeeze %dma_wait3A_101 : memref<1x640xf32, #tpu.memory_space<hbm>> -> memref<640xf32, #tpu.memory_space<hbm>>
      %dma_wait3A_103 = tpu.memref_slice %arg15[%mul3A_4] : memref<10240xf32, #tpu.memory_space<vmem_shared>> -> memref<640xf32, #tpu.memory_space<vmem_shared>>
      tpu.wait_dma2 semaphore(%run_scoped3A : memref<!tpu.dma_semaphore, #tpu.memory_space<semaphore_mem>>) src(%dma_wait3A_103 : memref<640xf32, #tpu.memory_space<vmem_shared>>) dst(%dma_wait3A_102 : memref<640xf32, #tpu.memory_space<hbm>>)
      tpu.yield
    }) : () -> ()
    return
  }
}

#map = affine_map<(d0, d1) -> (0, 0)>
#map1 = affine_map<(d0, d1) -> (0, 0, 0)>
module attributes {stable_mosaic.version = 14 : i64} {
  func.func @agg_kernel(%arg0: i32, %arg1: i32, %arg2: memref<10000x128xf32, #tpu.memory_space<hbm>>, %arg3: memref<2x2560x128xi32, #tpu.memory_space<hbm>>, %arg4: memref<2x10240x128xf32, #tpu.memory_space<hbm>>, %arg5: memref<2x10240xf32, #tpu.memory_space<hbm>>, %arg6: memref<40x128xi32, #tpu.memory_space<vmem>>, %arg7: memref<40x128xi32, #tpu.memory_space<vmem>>, %arg8: memref<128x128xf32, #tpu.memory_space<vmem>>, %arg9: memref<128x128xf32, #tpu.memory_space<vmem>>, %arg10: memref<10240x128xf32, #tpu.memory_space<vmem_shared>>, %arg11: memref<!tpu.dma_semaphore, #tpu.memory_space<semaphore_mem>>, %arg12: memref<!tpu.dma_semaphore, #tpu.memory_space<semaphore_mem>>, %arg13: memref<128xf32, #tpu.memory_space<vmem>>, %arg14: memref<640xf32, #tpu.memory_space<vmem>>, %arg15: memref<10240xf32, #tpu.memory_space<vmem_shared>>) attributes {dimension_semantics = [#tpu.dimension_semantics<core_parallel>, #tpu.dimension_semantics<subcore_parallel>], iteration_bounds = array<i64: 2, 16>, scalar_prefetch = 0 : i64, scratch_operands = 10 : i64, tpu.core_type = #tpu.core_type<sc_vector_subcore>, window_params = [{transform_indices = #map}, {transform_indices = #map1}, {transform_indices = #map1}, {transform_indices = #map}]} {
    %mul3A = arith.constant 2 : i32
    %mul3A_0 = arith.muli %arg1, %mul3A : i32
    %add3A = arith.addi %mul3A_0, %arg0 : i32
    %eq3A = arith.constant 31 : i32
    %eq3A_1 = arith.cmpi eq, %add3A, %eq3A : i32
    %jit3A = arith.constant 20 : i32
    %jit3A_2 = arith.constant 80 : i32
    %select_n3A = arith.select %eq3A_1, %jit3A, %jit3A_2 : i32
    %mul3A_3 = arith.constant 640 : i32
    %mul3A_4 = arith.muli %arg1, %mul3A_3 : i32
    %broadcast_in_dim3A = arith.constant 0.000000e+00 : f32
    %broadcast_in_dim3A_5 = vector.broadcast %broadcast_in_dim3A : f32 to vector<16xf32>
    %scan3A = arith.constant 0 : i32
    %scan3A_6 = arith.constant 1024 : i32
    %scan3A_7 = arith.addi %scan3A, %scan3A_6 : i32
    %scan3A_8 = arith.constant 1 : i32
    scf.for %scan3A_98 = %scan3A to %scan3A_7 step %scan3A_8  : i32 {
      %jit3A_99 = arith.constant 8 : i32
      %div3A = arith.divsi %scan3A_98, %jit3A_99 : i32
      %sign3A = arith.constant 0 : i32
      %sign3A_100 = arith.cmpi sgt, %scan3A_98, %sign3A : i32
      %sign3A_101 = arith.extui %sign3A_100 : i1 to i32
      %sign3A_102 = arith.constant 0 : i32
      %sign3A_103 = arith.cmpi slt, %scan3A_98, %sign3A_102 : i32
      %sign3A_104 = arith.extui %sign3A_103 : i1 to i32
      %sign3A_105 = arith.subi %sign3A_101, %sign3A_104 : i32
      %sign3A_106 = arith.constant 0 : i32
      %sign3A_107 = arith.cmpi sgt, %jit3A_99, %sign3A_106 : i32
      %sign3A_108 = arith.extui %sign3A_107 : i1 to i32
      %sign3A_109 = arith.constant 0 : i32
      %sign3A_110 = arith.cmpi slt, %jit3A_99, %sign3A_109 : i32
      %sign3A_111 = arith.extui %sign3A_110 : i1 to i32
      %sign3A_112 = arith.subi %sign3A_108, %sign3A_111 : i32
      %ne3A = arith.cmpi ne, %sign3A_105, %sign3A_112 : i32
      %rem3A = arith.remsi %scan3A_98, %jit3A_99 : i32
      %ne3A_113 = arith.constant 0 : i32
      %ne3A_114 = arith.cmpi ne, %rem3A, %ne3A_113 : i32
      %and3A = arith.andi %ne3A, %ne3A_114 : i1
      %sub3A = arith.constant 1 : i32
      %sub3A_115 = arith.subi %div3A, %sub3A : i32
      %select_n3A_116 = arith.select %and3A, %sub3A_115, %div3A : i32
      %jit3A_117 = arith.constant 8 : i32
      %eq3A_118 = arith.constant 0 : i32
      %eq3A_119 = arith.cmpi eq, %jit3A_117, %eq3A_118 : i32
      %jit3A_120 = arith.constant 1 : i32
      %select_n3A_121 = arith.select %eq3A_119, %jit3A_120, %jit3A_117 : i32
      %rem3A_122 = arith.remsi %scan3A_98, %select_n3A_121 : i32
      %ne3A_123 = arith.constant 0 : i32
      %ne3A_124 = arith.cmpi ne, %rem3A_122, %ne3A_123 : i32
      %lt3A = arith.constant 0 : i32
      %lt3A_125 = arith.cmpi slt, %rem3A_122, %lt3A : i32
      %lt3A_126 = arith.constant 0 : i32
      %lt3A_127 = arith.cmpi slt, %select_n3A_121, %lt3A_126 : i32
      %ne3A_128 = arith.xori %lt3A_125, %lt3A_127 : i1
      %and3A_129 = arith.andi %ne3A_128, %ne3A_124 : i1
      %add3A_130 = arith.addi %rem3A_122, %select_n3A_121 : i32
      %select_n3A_131 = arith.select %and3A_129, %add3A_130, %rem3A_122 : i32
      %mul3A_132 = arith.constant 16 : i32
      %mul3A_133 = arith.muli %select_n3A_131, %mul3A_132 : i32
      %swap3A = arith.index_cast %select_n3A_116 : i32 to index
      %swap3A_134 = arith.index_cast %mul3A_133 : i32 to index
      %swap3A_135 = tpu.vector_load %arg8[%swap3A, %swap3A_134] {strides = array<i32>} : memref<128x128xf32, #tpu.memory_space<vmem>>, vector<1x16xf32>,
      %swap3A_136 = vector.shape_cast %swap3A_135 : vector<1x16xf32> to vector<16xf32>
      %swap3A_137 = vector.shape_cast %broadcast_in_dim3A_5 : vector<16xf32> to vector<1x16xf32>
      tpu.vector_store %arg8[%swap3A, %swap3A_134], %swap3A_137 {strides = array<i32>} : memref<128x128xf32, #tpu.memory_space<vmem>>, vector<1x16xf32>,
    }
    %scan3A_9 = arith.constant 1024 : i32
    %scan3A_10 = arith.constant 0 : i32
    %scan3A_11 = arith.constant 8 : i32
    %scan3A_12 = arith.addi %scan3A_10, %scan3A_11 : i32
    %scan3A_13 = arith.constant 1 : i32
    scf.for %scan3A_98 = %scan3A_10 to %scan3A_12 step %scan3A_13  : i32 {
      %broadcast_in_dim3A_99 = arith.constant 1.000000e+00 : f32
      %broadcast_in_dim3A_100 = vector.broadcast %broadcast_in_dim3A_99 : f32 to vector<16xf32>
      %mul3A_101 = arith.constant 16 : i32
      %mul3A_102 = arith.muli %scan3A_98, %mul3A_101 : i32
      %swap3A = arith.index_cast %mul3A_102 : i32 to index
      %swap3A_103 = tpu.vector_load %arg13[%swap3A] {strides = array<i32>} : memref<128xf32, #tpu.memory_space<vmem>>, vector<16xf32>,
      %swap3A_104 = vector.shape_cast %swap3A_103 : vector<16xf32> to vector<16xf32>
      %swap3A_105 = vector.shape_cast %broadcast_in_dim3A_100 : vector<16xf32> to vector<16xf32>
      tpu.vector_store %arg13[%swap3A], %swap3A_105 {strides = array<i32>} : memref<128xf32, #tpu.memory_space<vmem>>, vector<16xf32>,
    }
    %scan3A_14 = arith.constant 8 : i32
    %scan3A_15 = arith.constant 0 : i32
    %scan3A_16 = arith.constant 40 : i32
    %scan3A_17 = arith.addi %scan3A_15, %scan3A_16 : i32
    %scan3A_18 = arith.constant 1 : i32
    scf.for %scan3A_98 = %scan3A_15 to %scan3A_17 step %scan3A_18  : i32 {
      %mul3A_99 = arith.constant 16 : i32
      %mul3A_100 = arith.muli %scan3A_98, %mul3A_99 : i32
      %swap3A = arith.index_cast %mul3A_100 : i32 to index
      %swap3A_101 = tpu.vector_load %arg14[%swap3A] {strides = array<i32>} : memref<640xf32, #tpu.memory_space<vmem>>, vector<16xf32>,
      %swap3A_102 = vector.shape_cast %swap3A_101 : vector<16xf32> to vector<16xf32>
      %swap3A_103 = vector.shape_cast %broadcast_in_dim3A_5 : vector<16xf32> to vector<16xf32>
      tpu.vector_store %arg14[%swap3A], %swap3A_103 {strides = array<i32>} : memref<640xf32, #tpu.memory_space<vmem>>, vector<16xf32>,
    }
    %scan3A_19 = arith.constant 40 : i32
    %add3A_20 = arith.constant 0 : i32
    %add3A_21 = arith.addi %mul3A_4, %add3A_20 : i32
    %dma_start3A = arith.constant 0 : i32
    %dma_start3A_22 = tpu.memref_slice %arg10[%add3A_21, %dma_start3A] : memref<10240x128xf32, #tpu.memory_space<vmem_shared>> -> memref<128x128xf32, #tpu.memory_space<vmem_shared>>
    %dma_start3A_23 = arith.constant 0 : i32
    %dma_start3A_24 = tpu.memref_slice %arg10[%add3A_21, %dma_start3A_23] : memref<10240x128xf32, #tpu.memory_space<vmem_shared>> -> memref<128x128xf32, #tpu.memory_space<vmem_shared>>
    tpu.enqueue_dma source(%arg8 : memref<128x128xf32, #tpu.memory_space<vmem>>) target(%dma_start3A_24 : memref<128x128xf32, #tpu.memory_space<vmem_shared>>) target_semaphore(%arg11 : memref<!tpu.dma_semaphore, #tpu.memory_space<semaphore_mem>>)
    %add3A_25 = arith.constant 128 : i32
    %add3A_26 = arith.addi %mul3A_4, %add3A_25 : i32
    %dma_start3A_27 = arith.constant 0 : i32
    %dma_start3A_28 = tpu.memref_slice %arg10[%add3A_26, %dma_start3A_27] : memref<10240x128xf32, #tpu.memory_space<vmem_shared>> -> memref<128x128xf32, #tpu.memory_space<vmem_shared>>
    %dma_start3A_29 = arith.constant 0 : i32
    %dma_start3A_30 = tpu.memref_slice %arg10[%add3A_26, %dma_start3A_29] : memref<10240x128xf32, #tpu.memory_space<vmem_shared>> -> memref<128x128xf32, #tpu.memory_space<vmem_shared>>
    tpu.enqueue_dma source(%arg8 : memref<128x128xf32, #tpu.memory_space<vmem>>) target(%dma_start3A_30 : memref<128x128xf32, #tpu.memory_space<vmem_shared>>) target_semaphore(%arg11 : memref<!tpu.dma_semaphore, #tpu.memory_space<semaphore_mem>>)
    %add3A_31 = arith.constant 256 : i32
    %add3A_32 = arith.addi %mul3A_4, %add3A_31 : i32
    %dma_start3A_33 = arith.constant 0 : i32
    %dma_start3A_34 = tpu.memref_slice %arg10[%add3A_32, %dma_start3A_33] : memref<10240x128xf32, #tpu.memory_space<vmem_shared>> -> memref<128x128xf32, #tpu.memory_space<vmem_shared>>
    %dma_start3A_35 = arith.constant 0 : i32
    %dma_start3A_36 = tpu.memref_slice %arg10[%add3A_32, %dma_start3A_35] : memref<10240x128xf32, #tpu.memory_space<vmem_shared>> -> memref<128x128xf32, #tpu.memory_space<vmem_shared>>
    tpu.enqueue_dma source(%arg8 : memref<128x128xf32, #tpu.memory_space<vmem>>) target(%dma_start3A_36 : memref<128x128xf32, #tpu.memory_space<vmem_shared>>) target_semaphore(%arg11 : memref<!tpu.dma_semaphore, #tpu.memory_space<semaphore_mem>>)
    %add3A_37 = arith.constant 384 : i32
    %add3A_38 = arith.addi %mul3A_4, %add3A_37 : i32
    %dma_start3A_39 = arith.constant 0 : i32
    %dma_start3A_40 = tpu.memref_slice %arg10[%add3A_38, %dma_start3A_39] : memref<10240x128xf32, #tpu.memory_space<vmem_shared>> -> memref<128x128xf32, #tpu.memory_space<vmem_shared>>
    %dma_start3A_41 = arith.constant 0 : i32
    %dma_start3A_42 = tpu.memref_slice %arg10[%add3A_38, %dma_start3A_41] : memref<10240x128xf32, #tpu.memory_space<vmem_shared>> -> memref<128x128xf32, #tpu.memory_space<vmem_shared>>
    tpu.enqueue_dma source(%arg8 : memref<128x128xf32, #tpu.memory_space<vmem>>) target(%dma_start3A_42 : memref<128x128xf32, #tpu.memory_space<vmem_shared>>) target_semaphore(%arg11 : memref<!tpu.dma_semaphore, #tpu.memory_space<semaphore_mem>>)
    %add3A_43 = arith.constant 512 : i32
    %add3A_44 = arith.addi %mul3A_4, %add3A_43 : i32
    %dma_start3A_45 = arith.constant 0 : i32
    %dma_start3A_46 = tpu.memref_slice %arg10[%add3A_44, %dma_start3A_45] : memref<10240x128xf32, #tpu.memory_space<vmem_shared>> -> memref<128x128xf32, #tpu.memory_space<vmem_shared>>
    %dma_start3A_47 = arith.constant 0 : i32
    %dma_start3A_48 = tpu.memref_slice %arg10[%add3A_44, %dma_start3A_47] : memref<10240x128xf32, #tpu.memory_space<vmem_shared>> -> memref<128x128xf32, #tpu.memory_space<vmem_shared>>
    tpu.enqueue_dma source(%arg8 : memref<128x128xf32, #tpu.memory_space<vmem>>) target(%dma_start3A_48 : memref<128x128xf32, #tpu.memory_space<vmem_shared>>) target_semaphore(%arg11 : memref<!tpu.dma_semaphore, #tpu.memory_space<semaphore_mem>>)
    %dma_start3A_49 = tpu.memref_slice %arg15[%mul3A_4] : memref<10240xf32, #tpu.memory_space<vmem_shared>> -> memref<640xf32, #tpu.memory_space<vmem_shared>>
    %dma_start3A_50 = tpu.memref_slice %arg15[%mul3A_4] : memref<10240xf32, #tpu.memory_space<vmem_shared>> -> memref<640xf32, #tpu.memory_space<vmem_shared>>
    tpu.enqueue_dma source(%arg14 : memref<640xf32, #tpu.memory_space<vmem>>) target(%dma_start3A_50 : memref<640xf32, #tpu.memory_space<vmem_shared>>) target_semaphore(%arg11 : memref<!tpu.dma_semaphore, #tpu.memory_space<semaphore_mem>>)
    %dma_wait3A = arith.constant 0 : i32
    %dma_wait3A_51 = tpu.memref_slice %arg10[%add3A_21, %dma_wait3A] : memref<10240x128xf32, #tpu.memory_space<vmem_shared>> -> memref<128x128xf32, #tpu.memory_space<vmem_shared>>
    %dma_wait3A_52 = arith.constant 0 : i32
    %dma_wait3A_53 = tpu.memref_slice %arg10[%add3A_21, %dma_wait3A_52] : memref<10240x128xf32, #tpu.memory_space<vmem_shared>> -> memref<128x128xf32, #tpu.memory_space<vmem_shared>>
    tpu.wait_dma2 semaphore(%arg11 : memref<!tpu.dma_semaphore, #tpu.memory_space<semaphore_mem>>) src(%arg8 : memref<128x128xf32, #tpu.memory_space<vmem>>) dst(%dma_wait3A_53 : memref<128x128xf32, #tpu.memory_space<vmem_shared>>)
    %dma_wait3A_54 = arith.constant 0 : i32
    %dma_wait3A_55 = tpu.memref_slice %arg10[%add3A_26, %dma_wait3A_54] : memref<10240x128xf32, #tpu.memory_space<vmem_shared>> -> memref<128x128xf32, #tpu.memory_space<vmem_shared>>
    %dma_wait3A_56 = arith.constant 0 : i32
    %dma_wait3A_57 = tpu.memref_slice %arg10[%add3A_26, %dma_wait3A_56] : memref<10240x128xf32, #tpu.memory_space<vmem_shared>> -> memref<128x128xf32, #tpu.memory_space<vmem_shared>>
    tpu.wait_dma2 semaphore(%arg11 : memref<!tpu.dma_semaphore, #tpu.memory_space<semaphore_mem>>) src(%arg8 : memref<128x128xf32, #tpu.memory_space<vmem>>) dst(%dma_wait3A_57 : memref<128x128xf32, #tpu.memory_space<vmem_shared>>)
    %dma_wait3A_58 = arith.constant 0 : i32
    %dma_wait3A_59 = tpu.memref_slice %arg10[%add3A_32, %dma_wait3A_58] : memref<10240x128xf32, #tpu.memory_space<vmem_shared>> -> memref<128x128xf32, #tpu.memory_space<vmem_shared>>
    %dma_wait3A_60 = arith.constant 0 : i32
    %dma_wait3A_61 = tpu.memref_slice %arg10[%add3A_32, %dma_wait3A_60] : memref<10240x128xf32, #tpu.memory_space<vmem_shared>> -> memref<128x128xf32, #tpu.memory_space<vmem_shared>>
    tpu.wait_dma2 semaphore(%arg11 : memref<!tpu.dma_semaphore, #tpu.memory_space<semaphore_mem>>) src(%arg8 : memref<128x128xf32, #tpu.memory_space<vmem>>) dst(%dma_wait3A_61 : memref<128x128xf32, #tpu.memory_space<vmem_shared>>)
    %dma_wait3A_62 = arith.constant 0 : i32
    %dma_wait3A_63 = tpu.memref_slice %arg10[%add3A_38, %dma_wait3A_62] : memref<10240x128xf32, #tpu.memory_space<vmem_shared>> -> memref<128x128xf32, #tpu.memory_space<vmem_shared>>
    %dma_wait3A_64 = arith.constant 0 : i32
    %dma_wait3A_65 = tpu.memref_slice %arg10[%add3A_38, %dma_wait3A_64] : memref<10240x128xf32, #tpu.memory_space<vmem_shared>> -> memref<128x128xf32, #tpu.memory_space<vmem_shared>>
    tpu.wait_dma2 semaphore(%arg11 : memref<!tpu.dma_semaphore, #tpu.memory_space<semaphore_mem>>) src(%arg8 : memref<128x128xf32, #tpu.memory_space<vmem>>) dst(%dma_wait3A_65 : memref<128x128xf32, #tpu.memory_space<vmem_shared>>)
    %dma_wait3A_66 = arith.constant 0 : i32
    %dma_wait3A_67 = tpu.memref_slice %arg10[%add3A_44, %dma_wait3A_66] : memref<10240x128xf32, #tpu.memory_space<vmem_shared>> -> memref<128x128xf32, #tpu.memory_space<vmem_shared>>
    %dma_wait3A_68 = arith.constant 0 : i32
    %dma_wait3A_69 = tpu.memref_slice %arg10[%add3A_44, %dma_wait3A_68] : memref<10240x128xf32, #tpu.memory_space<vmem_shared>> -> memref<128x128xf32, #tpu.memory_space<vmem_shared>>
    tpu.wait_dma2 semaphore(%arg11 : memref<!tpu.dma_semaphore, #tpu.memory_space<semaphore_mem>>) src(%arg8 : memref<128x128xf32, #tpu.memory_space<vmem>>) dst(%dma_wait3A_69 : memref<128x128xf32, #tpu.memory_space<vmem_shared>>)
    %dma_wait3A_70 = tpu.memref_slice %arg15[%mul3A_4] : memref<10240xf32, #tpu.memory_space<vmem_shared>> -> memref<640xf32, #tpu.memory_space<vmem_shared>>
    %dma_wait3A_71 = tpu.memref_slice %arg15[%mul3A_4] : memref<10240xf32, #tpu.memory_space<vmem_shared>> -> memref<640xf32, #tpu.memory_space<vmem_shared>>
    tpu.wait_dma2 semaphore(%arg11 : memref<!tpu.dma_semaphore, #tpu.memory_space<semaphore_mem>>) src(%arg14 : memref<640xf32, #tpu.memory_space<vmem>>) dst(%dma_wait3A_71 : memref<640xf32, #tpu.memory_space<vmem_shared>>)
    %barrier3A = arith.constant 0 : index
    tpu.barrier barrier_id(%barrier3A)
    %scan3A_72 = arith.constant 0 : i32
    %scan3A_73 = arith.constant 2 : i32
    %scan3A_74 = arith.addi %scan3A_72, %scan3A_73 : i32
    %scan3A_75 = arith.constant 1 : i32
    scf.for %scan3A_98 = %scan3A_72 to %scan3A_74 step %scan3A_75  : i32 {
      %mul3A_99 = arith.constant 80 : i32
      %mul3A_100 = arith.muli %add3A, %mul3A_99 : i32
      %mul3A_101 = arith.constant 40 : i32
      %mul3A_102 = arith.muli %scan3A_98, %mul3A_101 : i32
      %add3A_103 = arith.addi %mul3A_100, %mul3A_102 : i32
      %dma_start3A_104 = arith.constant 0 : i32
      %dma_start3A_105 = arith.constant 0 : i32
      %dma_start3A_106 = tpu.memref_slice %arg3[%dma_start3A_104, %add3A_103, %dma_start3A_105] : memref<2x2560x128xi32, #tpu.memory_space<hbm>> -> memref<1x40x128xi32, #tpu.memory_space<hbm>>
      %dma_start3A_107 = tpu.memref_squeeze %dma_start3A_106 : memref<1x40x128xi32, #tpu.memory_space<hbm>> -> memref<40x128xi32, #tpu.memory_space<hbm>>
      %dma_start3A_108 = arith.constant 0 : i32
      %dma_start3A_109 = tpu.memref_slice %arg3[%dma_start3A_104, %add3A_103, %dma_start3A_108] : memref<2x2560x128xi32, #tpu.memory_space<hbm>> -> memref<1x40x128xi32, #tpu.memory_space<hbm>>
      %dma_start3A_110 = tpu.memref_squeeze %dma_start3A_109 : memref<1x40x128xi32, #tpu.memory_space<hbm>> -> memref<40x128xi32, #tpu.memory_space<hbm>>
      tpu.enqueue_dma source(%dma_start3A_110 : memref<40x128xi32, #tpu.memory_space<hbm>>) target(%arg6 : memref<40x128xi32, #tpu.memory_space<vmem>>) target_semaphore(%arg11 : memref<!tpu.dma_semaphore, #tpu.memory_space<semaphore_mem>>)
      %dma_start3A_111 = arith.constant 1 : i32
      %dma_start3A_112 = arith.constant 0 : i32
      %dma_start3A_113 = tpu.memref_slice %arg3[%dma_start3A_111, %add3A_103, %dma_start3A_112] : memref<2x2560x128xi32, #tpu.memory_space<hbm>> -> memref<1x40x128xi32, #tpu.memory_space<hbm>>
      %dma_start3A_114 = tpu.memref_squeeze %dma_start3A_113 : memref<1x40x128xi32, #tpu.memory_space<hbm>> -> memref<40x128xi32, #tpu.memory_space<hbm>>
      %dma_start3A_115 = arith.constant 0 : i32
      %dma_start3A_116 = tpu.memref_slice %arg3[%dma_start3A_111, %add3A_103, %dma_start3A_115] : memref<2x2560x128xi32, #tpu.memory_space<hbm>> -> memref<1x40x128xi32, #tpu.memory_space<hbm>>
      %dma_start3A_117 = tpu.memref_squeeze %dma_start3A_116 : memref<1x40x128xi32, #tpu.memory_space<hbm>> -> memref<40x128xi32, #tpu.memory_space<hbm>>
      tpu.enqueue_dma source(%dma_start3A_117 : memref<40x128xi32, #tpu.memory_space<hbm>>) target(%arg7 : memref<40x128xi32, #tpu.memory_space<vmem>>) target_semaphore(%arg12 : memref<!tpu.dma_semaphore, #tpu.memory_space<semaphore_mem>>)
      %dma_wait3A_118 = arith.constant 0 : i32
      %dma_wait3A_119 = arith.constant 0 : i32
      %dma_wait3A_120 = tpu.memref_slice %arg3[%dma_wait3A_118, %add3A_103, %dma_wait3A_119] : memref<2x2560x128xi32, #tpu.memory_space<hbm>> -> memref<1x40x128xi32, #tpu.memory_space<hbm>>
      %dma_wait3A_121 = tpu.memref_squeeze %dma_wait3A_120 : memref<1x40x128xi32, #tpu.memory_space<hbm>> -> memref<40x128xi32, #tpu.memory_space<hbm>>
      %dma_wait3A_122 = arith.constant 0 : i32
      %dma_wait3A_123 = tpu.memref_slice %arg3[%dma_wait3A_118, %add3A_103, %dma_wait3A_122] : memref<2x2560x128xi32, #tpu.memory_space<hbm>> -> memref<1x40x128xi32, #tpu.memory_space<hbm>>
      %dma_wait3A_124 = tpu.memref_squeeze %dma_wait3A_123 : memref<1x40x128xi32, #tpu.memory_space<hbm>> -> memref<40x128xi32, #tpu.memory_space<hbm>>
      tpu.wait_dma2 semaphore(%arg11 : memref<!tpu.dma_semaphore, #tpu.memory_space<semaphore_mem>>) src(%dma_wait3A_124 : memref<40x128xi32, #tpu.memory_space<hbm>>) dst(%arg6 : memref<40x128xi32, #tpu.memory_space<vmem>>)
      %dma_wait3A_125 = arith.constant 1 : i32
      %dma_wait3A_126 = arith.constant 0 : i32
      %dma_wait3A_127 = tpu.memref_slice %arg3[%dma_wait3A_125, %add3A_103, %dma_wait3A_126] : memref<2x2560x128xi32, #tpu.memory_space<hbm>> -> memref<1x40x128xi32, #tpu.memory_space<hbm>>
      %dma_wait3A_128 = tpu.memref_squeeze %dma_wait3A_127 : memref<1x40x128xi32, #tpu.memory_space<hbm>> -> memref<40x128xi32, #tpu.memory_space<hbm>>
      %dma_wait3A_129 = arith.constant 0 : i32
      %dma_wait3A_130 = tpu.memref_slice %arg3[%dma_wait3A_125, %add3A_103, %dma_wait3A_129] : memref<2x2560x128xi32, #tpu.memory_space<hbm>> -> memref<1x40x128xi32, #tpu.memory_space<hbm>>
      %dma_wait3A_131 = tpu.memref_squeeze %dma_wait3A_130 : memref<1x40x128xi32, #tpu.memory_space<hbm>> -> memref<40x128xi32, #tpu.memory_space<hbm>>
      tpu.wait_dma2 semaphore(%arg12 : memref<!tpu.dma_semaphore, #tpu.memory_space<semaphore_mem>>) src(%dma_wait3A_131 : memref<40x128xi32, #tpu.memory_space<hbm>>) dst(%arg7 : memref<40x128xi32, #tpu.memory_space<vmem>>)
      %dma_start3A_132 = arith.constant 0 : i32
      %dma_start3A_133 = arith.constant 0 : i32
      %dma_start3A_134 = tpu.memref_slice %arg6[%dma_start3A_132, %dma_start3A_133] : memref<40x128xi32, #tpu.memory_space<vmem>> -> memref<1x128xi32, #tpu.memory_space<vmem>>
      %dma_start3A_135 = tpu.memref_squeeze %dma_start3A_134 : memref<1x128xi32, #tpu.memory_space<vmem>> -> memref<128xi32, #tpu.memory_space<vmem>>
      %dma_start3A_136 = arith.constant 0 : i32
      %dma_start3A_137 = arith.constant 0 : i32
      %dma_start3A_138 = tpu.memref_slice %arg2[%dma_start3A_136, %dma_start3A_137] : memref<10000x128xf32, #tpu.memory_space<hbm>> -> memref<10000x128xf32, #tpu.memory_space<hbm>>
      tpu.enqueue_indirect_dma source(%dma_start3A_138 : memref<10000x128xf32, #tpu.memory_space<hbm>>) target(%arg8 : memref<128x128xf32, #tpu.memory_space<vmem>>) offsets(%dma_start3A_135 : memref<128xi32, #tpu.memory_space<vmem>>) semaphore(%arg11 : memref<!tpu.dma_semaphore, #tpu.memory_space<semaphore_mem>>)
      %dma_wait3A_139 = arith.constant 0 : i32
      %dma_wait3A_140 = arith.constant 0 : i32
      %dma_wait3A_141 = tpu.memref_slice %arg6[%dma_wait3A_139, %dma_wait3A_140] : memref<40x128xi32, #tpu.memory_space<vmem>> -> memref<1x128xi32, #tpu.memory_space<vmem>>
      %dma_wait3A_142 = tpu.memref_squeeze %dma_wait3A_141 : memref<1x128xi32, #tpu.memory_space<vmem>> -> memref<128xi32, #tpu.memory_space<vmem>>
      %dma_wait3A_143 = arith.constant 0 : i32
      %dma_wait3A_144 = arith.constant 0 : i32
      %dma_wait3A_145 = tpu.memref_slice %arg2[%dma_wait3A_143, %dma_wait3A_144] : memref<10000x128xf32, #tpu.memory_space<hbm>> -> memref<10000x128xf32, #tpu.memory_space<hbm>>
      tpu.wait_indirect_dma semaphore(%arg11 : memref<!tpu.dma_semaphore, #tpu.memory_space<semaphore_mem>>) src(%dma_wait3A_145 : memref<10000x128xf32, #tpu.memory_space<hbm>>) dst(%arg8 : memref<128x128xf32, #tpu.memory_space<vmem>>)
      %mul3A_146 = arith.constant 40 : i32
      %mul3A_147 = arith.muli %scan3A_98, %mul3A_146 : i32
      %sub3A = arith.subi %select_n3A, %mul3A_147 : i32
      %jit3A_148 = arith.constant 0 : i32
      %jit3A_149 = arith.constant 40 : i32
      %max3A = arith.maxsi %jit3A_148, %sub3A : i32
      %min3A = arith.minsi %jit3A_149, %max3A : i32
      %jit3A_150 = arith.constant 2 : i32
      %div3A = arith.divsi %min3A, %jit3A_150 : i32
      %sign3A = arith.constant 0 : i32
      %sign3A_151 = arith.cmpi sgt, %min3A, %sign3A : i32
      %sign3A_152 = arith.extui %sign3A_151 : i1 to i32
      %sign3A_153 = arith.constant 0 : i32
      %sign3A_154 = arith.cmpi slt, %min3A, %sign3A_153 : i32
      %sign3A_155 = arith.extui %sign3A_154 : i1 to i32
      %sign3A_156 = arith.subi %sign3A_152, %sign3A_155 : i32
      %sign3A_157 = arith.constant 0 : i32
      %sign3A_158 = arith.cmpi sgt, %jit3A_150, %sign3A_157 : i32
      %sign3A_159 = arith.extui %sign3A_158 : i1 to i32
      %sign3A_160 = arith.constant 0 : i32
      %sign3A_161 = arith.cmpi slt, %jit3A_150, %sign3A_160 : i32
      %sign3A_162 = arith.extui %sign3A_161 : i1 to i32
      %sign3A_163 = arith.subi %sign3A_159, %sign3A_162 : i32
      %ne3A = arith.cmpi ne, %sign3A_156, %sign3A_163 : i32
      %rem3A = arith.remsi %min3A, %jit3A_150 : i32
      %ne3A_164 = arith.constant 0 : i32
      %ne3A_165 = arith.cmpi ne, %rem3A, %ne3A_164 : i32
      %and3A = arith.andi %ne3A, %ne3A_165 : i1
      %sub3A_166 = arith.constant 1 : i32
      %sub3A_167 = arith.subi %div3A, %sub3A_166 : i32
      %select_n3A_168 = arith.select %and3A, %sub3A_167, %div3A : i32
      %while3A = arith.constant 0 : i32
      %while3A_169 = arith.subi %select_n3A_168, %while3A : i32
      %while3A_170 = arith.addi %while3A, %while3A_169 : i32
      %while3A_171 = arith.constant 1 : i32
      %while3A_172 = arith.divsi %while3A_169, %while3A_171 : i32
      %while3A_173 = arith.muli %while3A_172, %while3A_171 : i32
      %while3A_174 = arith.addi %while3A, %while3A_173 : i32
      %while3A_175 = arith.constant 1 : i32
      scf.for %while3A_177 = %while3A to %while3A_174 step %while3A_175  : i32 {
        %mul3A_178 = arith.constant 2 : i32
        %mul3A_179 = arith.muli %mul3A_178, %while3A_177 : i32
        %add3A_180 = arith.constant 1 : i32
        %add3A_181 = arith.addi %mul3A_179, %add3A_180 : i32
        %dma_start3A_182 = arith.constant 0 : i32
        %dma_start3A_183 = tpu.memref_slice %arg6[%add3A_181, %dma_start3A_182] : memref<40x128xi32, #tpu.memory_space<vmem>> -> memref<1x128xi32, #tpu.memory_space<vmem>>
        %dma_start3A_184 = tpu.memref_squeeze %dma_start3A_183 : memref<1x128xi32, #tpu.memory_space<vmem>> -> memref<128xi32, #tpu.memory_space<vmem>>
        %dma_start3A_185 = arith.constant 0 : i32
        %dma_start3A_186 = arith.constant 0 : i32
        %dma_start3A_187 = tpu.memref_slice %arg2[%dma_start3A_185, %dma_start3A_186] : memref<10000x128xf32, #tpu.memory_space<hbm>> -> memref<10000x128xf32, #tpu.memory_space<hbm>>
        tpu.enqueue_indirect_dma source(%dma_start3A_187 : memref<10000x128xf32, #tpu.memory_space<hbm>>) target(%arg9 : memref<128x128xf32, #tpu.memory_space<vmem>>) offsets(%dma_start3A_184 : memref<128xi32, #tpu.memory_space<vmem>>) semaphore(%arg12 : memref<!tpu.dma_semaphore, #tpu.memory_space<semaphore_mem>>)
        "tpu.region"() ({
          %run_scoped3A = tpu.sem_alloc : memref<!tpu.dma_semaphore, #tpu.memory_space<semaphore_mem>>
          %dma_start3A_214 = arith.constant 0 : i32
          %dma_start3A_215 = tpu.memref_slice %arg7[%mul3A_179, %dma_start3A_214] : memref<40x128xi32, #tpu.memory_space<vmem>> -> memref<1x128xi32, #tpu.memory_space<vmem>>
          %dma_start3A_216 = tpu.memref_squeeze %dma_start3A_215 : memref<1x128xi32, #tpu.memory_space<vmem>> -> memref<128xi32, #tpu.memory_space<vmem>>
          %dma_start3A_217 = arith.constant 0 : i32
          %dma_start3A_218 = arith.constant 0 : i32
          %dma_start3A_219 = tpu.memref_slice %arg10[%dma_start3A_217, %dma_start3A_218] : memref<10240x128xf32, #tpu.memory_space<vmem_shared>> -> memref<10240x128xf32, #tpu.memory_space<vmem_shared>>
          tpu.enqueue_indirect_dma source(%arg8 : memref<128x128xf32, #tpu.memory_space<vmem>>) target(%dma_start3A_219 : memref<10240x128xf32, #tpu.memory_space<vmem_shared>>) offsets(%dma_start3A_216 : memref<128xi32, #tpu.memory_space<vmem>>) semaphore(%run_scoped3A : memref<!tpu.dma_semaphore, #tpu.memory_space<semaphore_mem>>) {add = true}
          %dma_wait3A_220 = arith.constant 0 : i32
          %dma_wait3A_221 = tpu.memref_slice %arg7[%mul3A_179, %dma_wait3A_220] : memref<40x128xi32, #tpu.memory_space<vmem>> -> memref<1x128xi32, #tpu.memory_space<vmem>>
          %dma_wait3A_222 = tpu.memref_squeeze %dma_wait3A_221 : memref<1x128xi32, #tpu.memory_space<vmem>> -> memref<128xi32, #tpu.memory_space<vmem>>
          %dma_wait3A_223 = arith.constant 0 : i32
          %dma_wait3A_224 = arith.constant 0 : i32
          %dma_wait3A_225 = tpu.memref_slice %arg10[%dma_wait3A_223, %dma_wait3A_224] : memref<10240x128xf32, #tpu.memory_space<vmem_shared>> -> memref<10240x128xf32, #tpu.memory_space<vmem_shared>>
          tpu.wait_indirect_dma semaphore(%run_scoped3A : memref<!tpu.dma_semaphore, #tpu.memory_space<semaphore_mem>>) src(%arg8 : memref<128x128xf32, #tpu.memory_space<vmem>>) dst(%dma_wait3A_225 : memref<10240x128xf32, #tpu.memory_space<vmem_shared>>)
          tpu.yield
        }) : () -> ()
        "tpu.region"() ({
          %run_scoped3A = tpu.sem_alloc : memref<!tpu.dma_semaphore, #tpu.memory_space<semaphore_mem>>
          %dma_start3A_214 = arith.constant 0 : i32
          %dma_start3A_215 = tpu.memref_slice %arg7[%mul3A_179, %dma_start3A_214] : memref<40x128xi32, #tpu.memory_space<vmem>> -> memref<1x128xi32, #tpu.memory_space<vmem>>
          %dma_start3A_216 = tpu.memref_squeeze %dma_start3A_215 : memref<1x128xi32, #tpu.memory_space<vmem>> -> memref<128xi32, #tpu.memory_space<vmem>>
          %dma_start3A_217 = arith.constant 0 : i32
          %dma_start3A_218 = tpu.memref_slice %arg15[%dma_start3A_217] : memref<10240xf32, #tpu.memory_space<vmem_shared>> -> memref<10240xf32, #tpu.memory_space<vmem_shared>>
          tpu.enqueue_indirect_dma source(%arg13 : memref<128xf32, #tpu.memory_space<vmem>>) target(%dma_start3A_218 : memref<10240xf32, #tpu.memory_space<vmem_shared>>) offsets(%dma_start3A_216 : memref<128xi32, #tpu.memory_space<vmem>>) semaphore(%run_scoped3A : memref<!tpu.dma_semaphore, #tpu.memory_space<semaphore_mem>>) {add = true}
          %dma_wait3A_219 = arith.constant 0 : i32
          %dma_wait3A_220 = tpu.memref_slice %arg7[%mul3A_179, %dma_wait3A_219] : memref<40x128xi32, #tpu.memory_space<vmem>> -> memref<1x128xi32, #tpu.memory_space<vmem>>
          %dma_wait3A_221 = tpu.memref_squeeze %dma_wait3A_220 : memref<1x128xi32, #tpu.memory_space<vmem>> -> memref<128xi32, #tpu.memory_space<vmem>>
          %dma_wait3A_222 = arith.constant 0 : i32
          %dma_wait3A_223 = tpu.memref_slice %arg15[%dma_wait3A_222] : memref<10240xf32, #tpu.memory_space<vmem_shared>> -> memref<10240xf32, #tpu.memory_space<vmem_shared>>
          tpu.wait_indirect_dma semaphore(%run_scoped3A : memref<!tpu.dma_semaphore, #tpu.memory_space<semaphore_mem>>) src(%arg13 : memref<128xf32, #tpu.memory_space<vmem>>) dst(%dma_wait3A_223 : memref<10240xf32, #tpu.memory_space<vmem_shared>>)
          tpu.yield
        }) : () -> ()
        %dma_wait3A_188 = arith.constant 0 : i32
        %dma_wait3A_189 = tpu.memref_slice %arg6[%add3A_181, %dma_wait3A_188] : memref<40x128xi32, #tpu.memory_space<vmem>> -> memref<1x128xi32, #tpu.memory_space<vmem>>
        %dma_wait3A_190 = tpu.memref_squeeze %dma_wait3A_189 : memref<1x128xi32, #tpu.memory_space<vmem>> -> memref<128xi32, #tpu.memory_space<vmem>>
        %dma_wait3A_191 = arith.constant 0 : i32
        %dma_wait3A_192 = arith.constant 0 : i32
        %dma_wait3A_193 = tpu.memref_slice %arg2[%dma_wait3A_191, %dma_wait3A_192] : memref<10000x128xf32, #tpu.memory_space<hbm>> -> memref<10000x128xf32, #tpu.memory_space<hbm>>
        tpu.wait_indirect_dma semaphore(%arg12 : memref<!tpu.dma_semaphore, #tpu.memory_space<semaphore_mem>>) src(%dma_wait3A_193 : memref<10000x128xf32, #tpu.memory_space<hbm>>) dst(%arg9 : memref<128x128xf32, #tpu.memory_space<vmem>>)
        %add3A_194 = arith.constant 2 : i32
        %add3A_195 = arith.addi %mul3A_179, %add3A_194 : i32
        %min3A_196 = arith.constant 39 : i32
        %min3A_197 = arith.minsi %add3A_195, %min3A_196 : i32
        %dma_start3A_198 = arith.constant 0 : i32
        %dma_start3A_199 = tpu.memref_slice %arg6[%min3A_197, %dma_start3A_198] : memref<40x128xi32, #tpu.memory_space<vmem>> -> memref<1x128xi32, #tpu.memory_space<vmem>>
        %dma_start3A_200 = tpu.memref_squeeze %dma_start3A_199 : memref<1x128xi32, #tpu.memory_space<vmem>> -> memref<128xi32, #tpu.memory_space<vmem>>
        %dma_start3A_201 = arith.constant 0 : i32
        %dma_start3A_202 = arith.constant 0 : i32
        %dma_start3A_203 = tpu.memref_slice %arg2[%dma_start3A_201, %dma_start3A_202] : memref<10000x128xf32, #tpu.memory_space<hbm>> -> memref<10000x128xf32, #tpu.memory_space<hbm>>
        tpu.enqueue_indirect_dma source(%dma_start3A_203 : memref<10000x128xf32, #tpu.memory_space<hbm>>) target(%arg8 : memref<128x128xf32, #tpu.memory_space<vmem>>) offsets(%dma_start3A_200 : memref<128xi32, #tpu.memory_space<vmem>>) semaphore(%arg11 : memref<!tpu.dma_semaphore, #tpu.memory_space<semaphore_mem>>)
        %add3A_204 = arith.constant 1 : i32
        %add3A_205 = arith.addi %mul3A_179, %add3A_204 : i32
        "tpu.region"() ({
          %run_scoped3A = tpu.sem_alloc : memref<!tpu.dma_semaphore, #tpu.memory_space<semaphore_mem>>
          %dma_start3A_214 = arith.constant 0 : i32
          %dma_start3A_215 = tpu.memref_slice %arg7[%add3A_205, %dma_start3A_214] : memref<40x128xi32, #tpu.memory_space<vmem>> -> memref<1x128xi32, #tpu.memory_space<vmem>>
          %dma_start3A_216 = tpu.memref_squeeze %dma_start3A_215 : memref<1x128xi32, #tpu.memory_space<vmem>> -> memref<128xi32, #tpu.memory_space<vmem>>
          %dma_start3A_217 = arith.constant 0 : i32
          %dma_start3A_218 = arith.constant 0 : i32
          %dma_start3A_219 = tpu.memref_slice %arg10[%dma_start3A_217, %dma_start3A_218] : memref<10240x128xf32, #tpu.memory_space<vmem_shared>> -> memref<10240x128xf32, #tpu.memory_space<vmem_shared>>
          tpu.enqueue_indirect_dma source(%arg9 : memref<128x128xf32, #tpu.memory_space<vmem>>) target(%dma_start3A_219 : memref<10240x128xf32, #tpu.memory_space<vmem_shared>>) offsets(%dma_start3A_216 : memref<128xi32, #tpu.memory_space<vmem>>) semaphore(%run_scoped3A : memref<!tpu.dma_semaphore, #tpu.memory_space<semaphore_mem>>) {add = true}
          %dma_wait3A_220 = arith.constant 0 : i32
          %dma_wait3A_221 = tpu.memref_slice %arg7[%add3A_205, %dma_wait3A_220] : memref<40x128xi32, #tpu.memory_space<vmem>> -> memref<1x128xi32, #tpu.memory_space<vmem>>
          %dma_wait3A_222 = tpu.memref_squeeze %dma_wait3A_221 : memref<1x128xi32, #tpu.memory_space<vmem>> -> memref<128xi32, #tpu.memory_space<vmem>>
          %dma_wait3A_223 = arith.constant 0 : i32
          %dma_wait3A_224 = arith.constant 0 : i32
          %dma_wait3A_225 = tpu.memref_slice %arg10[%dma_wait3A_223, %dma_wait3A_224] : memref<10240x128xf32, #tpu.memory_space<vmem_shared>> -> memref<10240x128xf32, #tpu.memory_space<vmem_shared>>
          tpu.wait_indirect_dma semaphore(%run_scoped3A : memref<!tpu.dma_semaphore, #tpu.memory_space<semaphore_mem>>) src(%arg9 : memref<128x128xf32, #tpu.memory_space<vmem>>) dst(%dma_wait3A_225 : memref<10240x128xf32, #tpu.memory_space<vmem_shared>>)
          tpu.yield
        }) : () -> ()
        %add3A_206 = arith.constant 1 : i32
        %add3A_207 = arith.addi %mul3A_179, %add3A_206 : i32
        "tpu.region"() ({
          %run_scoped3A = tpu.sem_alloc : memref<!tpu.dma_semaphore, #tpu.memory_space<semaphore_mem>>
          %dma_start3A_214 = arith.constant 0 : i32
          %dma_start3A_215 = tpu.memref_slice %arg7[%add3A_207, %dma_start3A_214] : memref<40x128xi32, #tpu.memory_space<vmem>> -> memref<1x128xi32, #tpu.memory_space<vmem>>
          %dma_start3A_216 = tpu.memref_squeeze %dma_start3A_215 : memref<1x128xi32, #tpu.memory_space<vmem>> -> memref<128xi32, #tpu.memory_space<vmem>>
          %dma_start3A_217 = arith.constant 0 : i32
          %dma_start3A_218 = tpu.memref_slice %arg15[%dma_start3A_217] : memref<10240xf32, #tpu.memory_space<vmem_shared>> -> memref<10240xf32, #tpu.memory_space<vmem_shared>>
          tpu.enqueue_indirect_dma source(%arg13 : memref<128xf32, #tpu.memory_space<vmem>>) target(%dma_start3A_218 : memref<10240xf32, #tpu.memory_space<vmem_shared>>) offsets(%dma_start3A_216 : memref<128xi32, #tpu.memory_space<vmem>>) semaphore(%run_scoped3A : memref<!tpu.dma_semaphore, #tpu.memory_space<semaphore_mem>>) {add = true}
          %dma_wait3A_219 = arith.constant 0 : i32
          %dma_wait3A_220 = tpu.memref_slice %arg7[%add3A_207, %dma_wait3A_219] : memref<40x128xi32, #tpu.memory_space<vmem>> -> memref<1x128xi32, #tpu.memory_space<vmem>>
          %dma_wait3A_221 = tpu.memref_squeeze %dma_wait3A_220 : memref<1x128xi32, #tpu.memory_space<vmem>> -> memref<128xi32, #tpu.memory_space<vmem>>
          %dma_wait3A_222 = arith.constant 0 : i32
          %dma_wait3A_223 = tpu.memref_slice %arg15[%dma_wait3A_222] : memref<10240xf32, #tpu.memory_space<vmem_shared>> -> memref<10240xf32, #tpu.memory_space<vmem_shared>>
          tpu.wait_indirect_dma semaphore(%run_scoped3A : memref<!tpu.dma_semaphore, #tpu.memory_space<semaphore_mem>>) src(%arg13 : memref<128xf32, #tpu.memory_space<vmem>>) dst(%dma_wait3A_223 : memref<10240xf32, #tpu.memory_space<vmem_shared>>)
          tpu.yield
        }) : () -> ()
        %dma_wait3A_208 = arith.constant 0 : i32
        %dma_wait3A_209 = tpu.memref_slice %arg6[%min3A_197, %dma_wait3A_208] : memref<40x128xi32, #tpu.memory_space<vmem>> -> memref<1x128xi32, #tpu.memory_space<vmem>>
        %dma_wait3A_210 = tpu.memref_squeeze %dma_wait3A_209 : memref<1x128xi32, #tpu.memory_space<vmem>> -> memref<128xi32, #tpu.memory_space<vmem>>
        %dma_wait3A_211 = arith.constant 0 : i32
        %dma_wait3A_212 = arith.constant 0 : i32
        %dma_wait3A_213 = tpu.memref_slice %arg2[%dma_wait3A_211, %dma_wait3A_212] : memref<10000x128xf32, #tpu.memory_space<hbm>> -> memref<10000x128xf32, #tpu.memory_space<hbm>>
        tpu.wait_indirect_dma semaphore(%arg11 : memref<!tpu.dma_semaphore, #tpu.memory_space<semaphore_mem>>) src(%dma_wait3A_213 : memref<10000x128xf32, #tpu.memory_space<hbm>>) dst(%arg8 : memref<128x128xf32, #tpu.memory_space<vmem>>)
      }
      %while3A_176 = arith.constant 1 : i32
      scf.for %while3A_177 = %while3A_174 to %while3A_170 step %while3A_176  : i32 {
        %mul3A_178 = arith.constant 2 : i32
        %mul3A_179 = arith.muli %mul3A_178, %while3A_177 : i32
        %add3A_180 = arith.constant 1 : i32
        %add3A_181 = arith.addi %mul3A_179, %add3A_180 : i32
        %dma_start3A_182 = arith.constant 0 : i32
        %dma_start3A_183 = tpu.memref_slice %arg6[%add3A_181, %dma_start3A_182] : memref<40x128xi32, #tpu.memory_space<vmem>> -> memref<1x128xi32, #tpu.memory_space<vmem>>
        %dma_start3A_184 = tpu.memref_squeeze %dma_start3A_183 : memref<1x128xi32, #tpu.memory_space<vmem>> -> memref<128xi32, #tpu.memory_space<vmem>>
        %dma_start3A_185 = arith.constant 0 : i32
        %dma_start3A_186 = arith.constant 0 : i32
        %dma_start3A_187 = tpu.memref_slice %arg2[%dma_start3A_185, %dma_start3A_186] : memref<10000x128xf32, #tpu.memory_space<hbm>> -> memref<10000x128xf32, #tpu.memory_space<hbm>>
        tpu.enqueue_indirect_dma source(%dma_start3A_187 : memref<10000x128xf32, #tpu.memory_space<hbm>>) target(%arg9 : memref<128x128xf32, #tpu.memory_space<vmem>>) offsets(%dma_start3A_184 : memref<128xi32, #tpu.memory_space<vmem>>) semaphore(%arg12 : memref<!tpu.dma_semaphore, #tpu.memory_space<semaphore_mem>>)
        "tpu.region"() ({
          %run_scoped3A = tpu.sem_alloc : memref<!tpu.dma_semaphore, #tpu.memory_space<semaphore_mem>>
          %dma_start3A_214 = arith.constant 0 : i32
          %dma_start3A_215 = tpu.memref_slice %arg7[%mul3A_179, %dma_start3A_214] : memref<40x128xi32, #tpu.memory_space<vmem>> -> memref<1x128xi32, #tpu.memory_space<vmem>>
          %dma_start3A_216 = tpu.memref_squeeze %dma_start3A_215 : memref<1x128xi32, #tpu.memory_space<vmem>> -> memref<128xi32, #tpu.memory_space<vmem>>
          %dma_start3A_217 = arith.constant 0 : i32
          %dma_start3A_218 = arith.constant 0 : i32
          %dma_start3A_219 = tpu.memref_slice %arg10[%dma_start3A_217, %dma_start3A_218] : memref<10240x128xf32, #tpu.memory_space<vmem_shared>> -> memref<10240x128xf32, #tpu.memory_space<vmem_shared>>
          tpu.enqueue_indirect_dma source(%arg8 : memref<128x128xf32, #tpu.memory_space<vmem>>) target(%dma_start3A_219 : memref<10240x128xf32, #tpu.memory_space<vmem_shared>>) offsets(%dma_start3A_216 : memref<128xi32, #tpu.memory_space<vmem>>) semaphore(%run_scoped3A : memref<!tpu.dma_semaphore, #tpu.memory_space<semaphore_mem>>) {add = true}
          %dma_wait3A_220 = arith.constant 0 : i32
          %dma_wait3A_221 = tpu.memref_slice %arg7[%mul3A_179, %dma_wait3A_220] : memref<40x128xi32, #tpu.memory_space<vmem>> -> memref<1x128xi32, #tpu.memory_space<vmem>>
          %dma_wait3A_222 = tpu.memref_squeeze %dma_wait3A_221 : memref<1x128xi32, #tpu.memory_space<vmem>> -> memref<128xi32, #tpu.memory_space<vmem>>
          %dma_wait3A_223 = arith.constant 0 : i32
          %dma_wait3A_224 = arith.constant 0 : i32
          %dma_wait3A_225 = tpu.memref_slice %arg10[%dma_wait3A_223, %dma_wait3A_224] : memref<10240x128xf32, #tpu.memory_space<vmem_shared>> -> memref<10240x128xf32, #tpu.memory_space<vmem_shared>>
          tpu.wait_indirect_dma semaphore(%run_scoped3A : memref<!tpu.dma_semaphore, #tpu.memory_space<semaphore_mem>>) src(%arg8 : memref<128x128xf32, #tpu.memory_space<vmem>>) dst(%dma_wait3A_225 : memref<10240x128xf32, #tpu.memory_space<vmem_shared>>)
          tpu.yield
        }) : () -> ()
        "tpu.region"() ({
          %run_scoped3A = tpu.sem_alloc : memref<!tpu.dma_semaphore, #tpu.memory_space<semaphore_mem>>
          %dma_start3A_214 = arith.constant 0 : i32
          %dma_start3A_215 = tpu.memref_slice %arg7[%mul3A_179, %dma_start3A_214] : memref<40x128xi32, #tpu.memory_space<vmem>> -> memref<1x128xi32, #tpu.memory_space<vmem>>
          %dma_start3A_216 = tpu.memref_squeeze %dma_start3A_215 : memref<1x128xi32, #tpu.memory_space<vmem>> -> memref<128xi32, #tpu.memory_space<vmem>>
          %dma_start3A_217 = arith.constant 0 : i32
          %dma_start3A_218 = tpu.memref_slice %arg15[%dma_start3A_217] : memref<10240xf32, #tpu.memory_space<vmem_shared>> -> memref<10240xf32, #tpu.memory_space<vmem_shared>>
          tpu.enqueue_indirect_dma source(%arg13 : memref<128xf32, #tpu.memory_space<vmem>>) target(%dma_start3A_218 : memref<10240xf32, #tpu.memory_space<vmem_shared>>) offsets(%dma_start3A_216 : memref<128xi32, #tpu.memory_space<vmem>>) semaphore(%run_scoped3A : memref<!tpu.dma_semaphore, #tpu.memory_space<semaphore_mem>>) {add = true}
          %dma_wait3A_219 = arith.constant 0 : i32
          %dma_wait3A_220 = tpu.memref_slice %arg7[%mul3A_179, %dma_wait3A_219] : memref<40x128xi32, #tpu.memory_space<vmem>> -> memref<1x128xi32, #tpu.memory_space<vmem>>
          %dma_wait3A_221 = tpu.memref_squeeze %dma_wait3A_220 : memref<1x128xi32, #tpu.memory_space<vmem>> -> memref<128xi32, #tpu.memory_space<vmem>>
          %dma_wait3A_222 = arith.constant 0 : i32
          %dma_wait3A_223 = tpu.memref_slice %arg15[%dma_wait3A_222] : memref<10240xf32, #tpu.memory_space<vmem_shared>> -> memref<10240xf32, #tpu.memory_space<vmem_shared>>
          tpu.wait_indirect_dma semaphore(%run_scoped3A : memref<!tpu.dma_semaphore, #tpu.memory_space<semaphore_mem>>) src(%arg13 : memref<128xf32, #tpu.memory_space<vmem>>) dst(%dma_wait3A_223 : memref<10240xf32, #tpu.memory_space<vmem_shared>>)
          tpu.yield
        }) : () -> ()
        %dma_wait3A_188 = arith.constant 0 : i32
        %dma_wait3A_189 = tpu.memref_slice %arg6[%add3A_181, %dma_wait3A_188] : memref<40x128xi32, #tpu.memory_space<vmem>> -> memref<1x128xi32, #tpu.memory_space<vmem>>
        %dma_wait3A_190 = tpu.memref_squeeze %dma_wait3A_189 : memref<1x128xi32, #tpu.memory_space<vmem>> -> memref<128xi32, #tpu.memory_space<vmem>>
        %dma_wait3A_191 = arith.constant 0 : i32
        %dma_wait3A_192 = arith.constant 0 : i32
        %dma_wait3A_193 = tpu.memref_slice %arg2[%dma_wait3A_191, %dma_wait3A_192] : memref<10000x128xf32, #tpu.memory_space<hbm>> -> memref<10000x128xf32, #tpu.memory_space<hbm>>
        tpu.wait_indirect_dma semaphore(%arg12 : memref<!tpu.dma_semaphore, #tpu.memory_space<semaphore_mem>>) src(%dma_wait3A_193 : memref<10000x128xf32, #tpu.memory_space<hbm>>) dst(%arg9 : memref<128x128xf32, #tpu.memory_space<vmem>>)
        %add3A_194 = arith.constant 2 : i32
        %add3A_195 = arith.addi %mul3A_179, %add3A_194 : i32
        %min3A_196 = arith.constant 39 : i32
        %min3A_197 = arith.minsi %add3A_195, %min3A_196 : i32
        %dma_start3A_198 = arith.constant 0 : i32
        %dma_start3A_199 = tpu.memref_slice %arg6[%min3A_197, %dma_start3A_198] : memref<40x128xi32, #tpu.memory_space<vmem>> -> memref<1x128xi32, #tpu.memory_space<vmem>>
        %dma_start3A_200 = tpu.memref_squeeze %dma_start3A_199 : memref<1x128xi32, #tpu.memory_space<vmem>> -> memref<128xi32, #tpu.memory_space<vmem>>
        %dma_start3A_201 = arith.constant 0 : i32
        %dma_start3A_202 = arith.constant 0 : i32
        %dma_start3A_203 = tpu.memref_slice %arg2[%dma_start3A_201, %dma_start3A_202] : memref<10000x128xf32, #tpu.memory_space<hbm>> -> memref<10000x128xf32, #tpu.memory_space<hbm>>
        tpu.enqueue_indirect_dma source(%dma_start3A_203 : memref<10000x128xf32, #tpu.memory_space<hbm>>) target(%arg8 : memref<128x128xf32, #tpu.memory_space<vmem>>) offsets(%dma_start3A_200 : memref<128xi32, #tpu.memory_space<vmem>>) semaphore(%arg11 : memref<!tpu.dma_semaphore, #tpu.memory_space<semaphore_mem>>)
        %add3A_204 = arith.constant 1 : i32
        %add3A_205 = arith.addi %mul3A_179, %add3A_204 : i32
        "tpu.region"() ({
          %run_scoped3A = tpu.sem_alloc : memref<!tpu.dma_semaphore, #tpu.memory_space<semaphore_mem>>
          %dma_start3A_214 = arith.constant 0 : i32
          %dma_start3A_215 = tpu.memref_slice %arg7[%add3A_205, %dma_start3A_214] : memref<40x128xi32, #tpu.memory_space<vmem>> -> memref<1x128xi32, #tpu.memory_space<vmem>>
          %dma_start3A_216 = tpu.memref_squeeze %dma_start3A_215 : memref<1x128xi32, #tpu.memory_space<vmem>> -> memref<128xi32, #tpu.memory_space<vmem>>
          %dma_start3A_217 = arith.constant 0 : i32
          %dma_start3A_218 = arith.constant 0 : i32
          %dma_start3A_219 = tpu.memref_slice %arg10[%dma_start3A_217, %dma_start3A_218] : memref<10240x128xf32, #tpu.memory_space<vmem_shared>> -> memref<10240x128xf32, #tpu.memory_space<vmem_shared>>
          tpu.enqueue_indirect_dma source(%arg9 : memref<128x128xf32, #tpu.memory_space<vmem>>) target(%dma_start3A_219 : memref<10240x128xf32, #tpu.memory_space<vmem_shared>>) offsets(%dma_start3A_216 : memref<128xi32, #tpu.memory_space<vmem>>) semaphore(%run_scoped3A : memref<!tpu.dma_semaphore, #tpu.memory_space<semaphore_mem>>) {add = true}
          %dma_wait3A_220 = arith.constant 0 : i32
          %dma_wait3A_221 = tpu.memref_slice %arg7[%add3A_205, %dma_wait3A_220] : memref<40x128xi32, #tpu.memory_space<vmem>> -> memref<1x128xi32, #tpu.memory_space<vmem>>
          %dma_wait3A_222 = tpu.memref_squeeze %dma_wait3A_221 : memref<1x128xi32, #tpu.memory_space<vmem>> -> memref<128xi32, #tpu.memory_space<vmem>>
          %dma_wait3A_223 = arith.constant 0 : i32
          %dma_wait3A_224 = arith.constant 0 : i32
          %dma_wait3A_225 = tpu.memref_slice %arg10[%dma_wait3A_223, %dma_wait3A_224] : memref<10240x128xf32, #tpu.memory_space<vmem_shared>> -> memref<10240x128xf32, #tpu.memory_space<vmem_shared>>
          tpu.wait_indirect_dma semaphore(%run_scoped3A : memref<!tpu.dma_semaphore, #tpu.memory_space<semaphore_mem>>) src(%arg9 : memref<128x128xf32, #tpu.memory_space<vmem>>) dst(%dma_wait3A_225 : memref<10240x128xf32, #tpu.memory_space<vmem_shared>>)
          tpu.yield
        }) : () -> ()
        %add3A_206 = arith.constant 1 : i32
        %add3A_207 = arith.addi %mul3A_179, %add3A_206 : i32
        "tpu.region"() ({
          %run_scoped3A = tpu.sem_alloc : memref<!tpu.dma_semaphore, #tpu.memory_space<semaphore_mem>>
          %dma_start3A_214 = arith.constant 0 : i32
          %dma_start3A_215 = tpu.memref_slice %arg7[%add3A_207, %dma_start3A_214] : memref<40x128xi32, #tpu.memory_space<vmem>> -> memref<1x128xi32, #tpu.memory_space<vmem>>
          %dma_start3A_216 = tpu.memref_squeeze %dma_start3A_215 : memref<1x128xi32, #tpu.memory_space<vmem>> -> memref<128xi32, #tpu.memory_space<vmem>>
          %dma_start3A_217 = arith.constant 0 : i32
          %dma_start3A_218 = tpu.memref_slice %arg15[%dma_start3A_217] : memref<10240xf32, #tpu.memory_space<vmem_shared>> -> memref<10240xf32, #tpu.memory_space<vmem_shared>>
          tpu.enqueue_indirect_dma source(%arg13 : memref<128xf32, #tpu.memory_space<vmem>>) target(%dma_start3A_218 : memref<10240xf32, #tpu.memory_space<vmem_shared>>) offsets(%dma_start3A_216 : memref<128xi32, #tpu.memory_space<vmem>>) semaphore(%run_scoped3A : memref<!tpu.dma_semaphore, #tpu.memory_space<semaphore_mem>>) {add = true}
          %dma_wait3A_219 = arith.constant 0 : i32
          %dma_wait3A_220 = tpu.memref_slice %arg7[%add3A_207, %dma_wait3A_219] : memref<40x128xi32, #tpu.memory_space<vmem>> -> memref<1x128xi32, #tpu.memory_space<vmem>>
          %dma_wait3A_221 = tpu.memref_squeeze %dma_wait3A_220 : memref<1x128xi32, #tpu.memory_space<vmem>> -> memref<128xi32, #tpu.memory_space<vmem>>
          %dma_wait3A_222 = arith.constant 0 : i32
          %dma_wait3A_223 = tpu.memref_slice %arg15[%dma_wait3A_222] : memref<10240xf32, #tpu.memory_space<vmem_shared>> -> memref<10240xf32, #tpu.memory_space<vmem_shared>>
          tpu.wait_indirect_dma semaphore(%run_scoped3A : memref<!tpu.dma_semaphore, #tpu.memory_space<semaphore_mem>>) src(%arg13 : memref<128xf32, #tpu.memory_space<vmem>>) dst(%dma_wait3A_223 : memref<10240xf32, #tpu.memory_space<vmem_shared>>)
          tpu.yield
        }) : () -> ()
        %dma_wait3A_208 = arith.constant 0 : i32
        %dma_wait3A_209 = tpu.memref_slice %arg6[%min3A_197, %dma_wait3A_208] : memref<40x128xi32, #tpu.memory_space<vmem>> -> memref<1x128xi32, #tpu.memory_space<vmem>>
        %dma_wait3A_210 = tpu.memref_squeeze %dma_wait3A_209 : memref<1x128xi32, #tpu.memory_space<vmem>> -> memref<128xi32, #tpu.memory_space<vmem>>
        %dma_wait3A_211 = arith.constant 0 : i32
        %dma_wait3A_212 = arith.constant 0 : i32
        %dma_wait3A_213 = tpu.memref_slice %arg2[%dma_wait3A_211, %dma_wait3A_212] : memref<10000x128xf32, #tpu.memory_space<hbm>> -> memref<10000x128xf32, #tpu.memory_space<hbm>>
        tpu.wait_indirect_dma semaphore(%arg11 : memref<!tpu.dma_semaphore, #tpu.memory_space<semaphore_mem>>) src(%dma_wait3A_213 : memref<10000x128xf32, #tpu.memory_space<hbm>>) dst(%arg8 : memref<128x128xf32, #tpu.memory_space<vmem>>)
      }
    }
    %scan3A_76 = arith.constant 2 : i32
    %barrier3A_77 = arith.constant 0 : index
    tpu.barrier barrier_id(%barrier3A_77)
    %add3A_78 = arith.constant 0 : i32
    %add3A_79 = arith.addi %mul3A_4, %add3A_78 : i32
    %add3A_80 = arith.constant 0 : i32
    %add3A_81 = arith.addi %mul3A_4, %add3A_80 : i32
    "tpu.region"() ({
      %run_scoped3A = tpu.sem_alloc : memref<!tpu.dma_semaphore, #tpu.memory_space<semaphore_mem>>
      %dma_start3A_98 = arith.constant 0 : i32
      %dma_start3A_99 = tpu.memref_slice %arg4[%arg0, %add3A_81, %dma_start3A_98] : memref<2x10240x128xf32, #tpu.memory_space<hbm>> -> memref<1x128x128xf32, #tpu.memory_space<hbm>>
      %dma_start3A_100 = tpu.memref_squeeze %dma_start3A_99 : memref<1x128x128xf32, #tpu.memory_space<hbm>> -> memref<128x128xf32, #tpu.memory_space<hbm>>
      %dma_start3A_101 = arith.constant 0 : i32
      %dma_start3A_102 = tpu.memref_slice %arg10[%add3A_79, %dma_start3A_101] : memref<10240x128xf32, #tpu.memory_space<vmem_shared>> -> memref<128x128xf32, #tpu.memory_space<vmem_shared>>
      tpu.enqueue_dma source(%dma_start3A_102 : memref<128x128xf32, #tpu.memory_space<vmem_shared>>) target(%dma_start3A_100 : memref<128x128xf32, #tpu.memory_space<hbm>>) target_semaphore(%run_scoped3A : memref<!tpu.dma_semaphore, #tpu.memory_space<semaphore_mem>>)
      %dma_wait3A_103 = arith.constant 0 : i32
      %dma_wait3A_104 = tpu.memref_slice %arg4[%arg0, %add3A_81, %dma_wait3A_103] : memref<2x10240x128xf32, #tpu.memory_space<hbm>> -> memref<1x128x128xf32, #tpu.memory_space<hbm>>
      %dma_wait3A_105 = tpu.memref_squeeze %dma_wait3A_104 : memref<1x128x128xf32, #tpu.memory_space<hbm>> -> memref<128x128xf32, #tpu.memory_space<hbm>>
      %dma_wait3A_106 = arith.constant 0 : i32
      %dma_wait3A_107 = tpu.memref_slice %arg10[%add3A_79, %dma_wait3A_106] : memref<10240x128xf32, #tpu.memory_space<vmem_shared>> -> memref<128x128xf32, #tpu.memory_space<vmem_shared>>
      tpu.wait_dma2 semaphore(%run_scoped3A : memref<!tpu.dma_semaphore, #tpu.memory_space<semaphore_mem>>) src(%dma_wait3A_107 : memref<128x128xf32, #tpu.memory_space<vmem_shared>>) dst(%dma_wait3A_105 : memref<128x128xf32, #tpu.memory_space<hbm>>)
      tpu.yield
    }) : () -> ()
    %add3A_82 = arith.constant 128 : i32
    %add3A_83 = arith.addi %mul3A_4, %add3A_82 : i32
    %add3A_84 = arith.constant 128 : i32
    %add3A_85 = arith.addi %mul3A_4, %add3A_84 : i32
    "tpu.region"() ({
      %run_scoped3A = tpu.sem_alloc : memref<!tpu.dma_semaphore, #tpu.memory_space<semaphore_mem>>
      %dma_start3A_98 = arith.constant 0 : i32
      %dma_start3A_99 = tpu.memref_slice %arg4[%arg0, %add3A_85, %dma_start3A_98] : memref<2x10240x128xf32, #tpu.memory_space<hbm>> -> memref<1x128x128xf32, #tpu.memory_space<hbm>>
      %dma_start3A_100 = tpu.memref_squeeze %dma_start3A_99 : memref<1x128x128xf32, #tpu.memory_space<hbm>> -> memref<128x128xf32, #tpu.memory_space<hbm>>
      %dma_start3A_101 = arith.constant 0 : i32
      %dma_start3A_102 = tpu.memref_slice %arg10[%add3A_83, %dma_start3A_101] : memref<10240x128xf32, #tpu.memory_space<vmem_shared>> -> memref<128x128xf32, #tpu.memory_space<vmem_shared>>
      tpu.enqueue_dma source(%dma_start3A_102 : memref<128x128xf32, #tpu.memory_space<vmem_shared>>) target(%dma_start3A_100 : memref<128x128xf32, #tpu.memory_space<hbm>>) target_semaphore(%run_scoped3A : memref<!tpu.dma_semaphore, #tpu.memory_space<semaphore_mem>>)
      %dma_wait3A_103 = arith.constant 0 : i32
      %dma_wait3A_104 = tpu.memref_slice %arg4[%arg0, %add3A_85, %dma_wait3A_103] : memref<2x10240x128xf32, #tpu.memory_space<hbm>> -> memref<1x128x128xf32, #tpu.memory_space<hbm>>
      %dma_wait3A_105 = tpu.memref_squeeze %dma_wait3A_104 : memref<1x128x128xf32, #tpu.memory_space<hbm>> -> memref<128x128xf32, #tpu.memory_space<hbm>>
      %dma_wait3A_106 = arith.constant 0 : i32
      %dma_wait3A_107 = tpu.memref_slice %arg10[%add3A_83, %dma_wait3A_106] : memref<10240x128xf32, #tpu.memory_space<vmem_shared>> -> memref<128x128xf32, #tpu.memory_space<vmem_shared>>
      tpu.wait_dma2 semaphore(%run_scoped3A : memref<!tpu.dma_semaphore, #tpu.memory_space<semaphore_mem>>) src(%dma_wait3A_107 : memref<128x128xf32, #tpu.memory_space<vmem_shared>>) dst(%dma_wait3A_105 : memref<128x128xf32, #tpu.memory_space<hbm>>)
      tpu.yield
    }) : () -> ()
    %add3A_86 = arith.constant 256 : i32
    %add3A_87 = arith.addi %mul3A_4, %add3A_86 : i32
    %add3A_88 = arith.constant 256 : i32
    %add3A_89 = arith.addi %mul3A_4, %add3A_88 : i32
    "tpu.region"() ({
      %run_scoped3A = tpu.sem_alloc : memref<!tpu.dma_semaphore, #tpu.memory_space<semaphore_mem>>
      %dma_start3A_98 = arith.constant 0 : i32
      %dma_start3A_99 = tpu.memref_slice %arg4[%arg0, %add3A_89, %dma_start3A_98] : memref<2x10240x128xf32, #tpu.memory_space<hbm>> -> memref<1x128x128xf32, #tpu.memory_space<hbm>>
      %dma_start3A_100 = tpu.memref_squeeze %dma_start3A_99 : memref<1x128x128xf32, #tpu.memory_space<hbm>> -> memref<128x128xf32, #tpu.memory_space<hbm>>
      %dma_start3A_101 = arith.constant 0 : i32
      %dma_start3A_102 = tpu.memref_slice %arg10[%add3A_87, %dma_start3A_101] : memref<10240x128xf32, #tpu.memory_space<vmem_shared>> -> memref<128x128xf32, #tpu.memory_space<vmem_shared>>
      tpu.enqueue_dma source(%dma_start3A_102 : memref<128x128xf32, #tpu.memory_space<vmem_shared>>) target(%dma_start3A_100 : memref<128x128xf32, #tpu.memory_space<hbm>>) target_semaphore(%run_scoped3A : memref<!tpu.dma_semaphore, #tpu.memory_space<semaphore_mem>>)
      %dma_wait3A_103 = arith.constant 0 : i32
      %dma_wait3A_104 = tpu.memref_slice %arg4[%arg0, %add3A_89, %dma_wait3A_103] : memref<2x10240x128xf32, #tpu.memory_space<hbm>> -> memref<1x128x128xf32, #tpu.memory_space<hbm>>
      %dma_wait3A_105 = tpu.memref_squeeze %dma_wait3A_104 : memref<1x128x128xf32, #tpu.memory_space<hbm>> -> memref<128x128xf32, #tpu.memory_space<hbm>>
      %dma_wait3A_106 = arith.constant 0 : i32
      %dma_wait3A_107 = tpu.memref_slice %arg10[%add3A_87, %dma_wait3A_106] : memref<10240x128xf32, #tpu.memory_space<vmem_shared>> -> memref<128x128xf32, #tpu.memory_space<vmem_shared>>
      tpu.wait_dma2 semaphore(%run_scoped3A : memref<!tpu.dma_semaphore, #tpu.memory_space<semaphore_mem>>) src(%dma_wait3A_107 : memref<128x128xf32, #tpu.memory_space<vmem_shared>>) dst(%dma_wait3A_105 : memref<128x128xf32, #tpu.memory_space<hbm>>)
      tpu.yield
    }) : () -> ()
    %add3A_90 = arith.constant 384 : i32
    %add3A_91 = arith.addi %mul3A_4, %add3A_90 : i32
    %add3A_92 = arith.constant 384 : i32
    %add3A_93 = arith.addi %mul3A_4, %add3A_92 : i32
    "tpu.region"() ({
      %run_scoped3A = tpu.sem_alloc : memref<!tpu.dma_semaphore, #tpu.memory_space<semaphore_mem>>
      %dma_start3A_98 = arith.constant 0 : i32
      %dma_start3A_99 = tpu.memref_slice %arg4[%arg0, %add3A_93, %dma_start3A_98] : memref<2x10240x128xf32, #tpu.memory_space<hbm>> -> memref<1x128x128xf32, #tpu.memory_space<hbm>>
      %dma_start3A_100 = tpu.memref_squeeze %dma_start3A_99 : memref<1x128x128xf32, #tpu.memory_space<hbm>> -> memref<128x128xf32, #tpu.memory_space<hbm>>
      %dma_start3A_101 = arith.constant 0 : i32
      %dma_start3A_102 = tpu.memref_slice %arg10[%add3A_91, %dma_start3A_101] : memref<10240x128xf32, #tpu.memory_space<vmem_shared>> -> memref<128x128xf32, #tpu.memory_space<vmem_shared>>
      tpu.enqueue_dma source(%dma_start3A_102 : memref<128x128xf32, #tpu.memory_space<vmem_shared>>) target(%dma_start3A_100 : memref<128x128xf32, #tpu.memory_space<hbm>>) target_semaphore(%run_scoped3A : memref<!tpu.dma_semaphore, #tpu.memory_space<semaphore_mem>>)
      %dma_wait3A_103 = arith.constant 0 : i32
      %dma_wait3A_104 = tpu.memref_slice %arg4[%arg0, %add3A_93, %dma_wait3A_103] : memref<2x10240x128xf32, #tpu.memory_space<hbm>> -> memref<1x128x128xf32, #tpu.memory_space<hbm>>
      %dma_wait3A_105 = tpu.memref_squeeze %dma_wait3A_104 : memref<1x128x128xf32, #tpu.memory_space<hbm>> -> memref<128x128xf32, #tpu.memory_space<hbm>>
      %dma_wait3A_106 = arith.constant 0 : i32
      %dma_wait3A_107 = tpu.memref_slice %arg10[%add3A_91, %dma_wait3A_106] : memref<10240x128xf32, #tpu.memory_space<vmem_shared>> -> memref<128x128xf32, #tpu.memory_space<vmem_shared>>
      tpu.wait_dma2 semaphore(%run_scoped3A : memref<!tpu.dma_semaphore, #tpu.memory_space<semaphore_mem>>) src(%dma_wait3A_107 : memref<128x128xf32, #tpu.memory_space<vmem_shared>>) dst(%dma_wait3A_105 : memref<128x128xf32, #tpu.memory_space<hbm>>)
      tpu.yield
    }) : () -> ()
    %add3A_94 = arith.constant 512 : i32
    %add3A_95 = arith.addi %mul3A_4, %add3A_94 : i32
    %add3A_96 = arith.constant 512 : i32
    %add3A_97 = arith.addi %mul3A_4, %add3A_96 : i32
    "tpu.region"() ({
      %run_scoped3A = tpu.sem_alloc : memref<!tpu.dma_semaphore, #tpu.memory_space<semaphore_mem>>
      %dma_start3A_98 = arith.constant 0 : i32
      %dma_start3A_99 = tpu.memref_slice %arg4[%arg0, %add3A_97, %dma_start3A_98] : memref<2x10240x128xf32, #tpu.memory_space<hbm>> -> memref<1x128x128xf32, #tpu.memory_space<hbm>>
      %dma_start3A_100 = tpu.memref_squeeze %dma_start3A_99 : memref<1x128x128xf32, #tpu.memory_space<hbm>> -> memref<128x128xf32, #tpu.memory_space<hbm>>
      %dma_start3A_101 = arith.constant 0 : i32
      %dma_start3A_102 = tpu.memref_slice %arg10[%add3A_95, %dma_start3A_101] : memref<10240x128xf32, #tpu.memory_space<vmem_shared>> -> memref<128x128xf32, #tpu.memory_space<vmem_shared>>
      tpu.enqueue_dma source(%dma_start3A_102 : memref<128x128xf32, #tpu.memory_space<vmem_shared>>) target(%dma_start3A_100 : memref<128x128xf32, #tpu.memory_space<hbm>>) target_semaphore(%run_scoped3A : memref<!tpu.dma_semaphore, #tpu.memory_space<semaphore_mem>>)
      %dma_wait3A_103 = arith.constant 0 : i32
      %dma_wait3A_104 = tpu.memref_slice %arg4[%arg0, %add3A_97, %dma_wait3A_103] : memref<2x10240x128xf32, #tpu.memory_space<hbm>> -> memref<1x128x128xf32, #tpu.memory_space<hbm>>
      %dma_wait3A_105 = tpu.memref_squeeze %dma_wait3A_104 : memref<1x128x128xf32, #tpu.memory_space<hbm>> -> memref<128x128xf32, #tpu.memory_space<hbm>>
      %dma_wait3A_106 = arith.constant 0 : i32
      %dma_wait3A_107 = tpu.memref_slice %arg10[%add3A_95, %dma_wait3A_106] : memref<10240x128xf32, #tpu.memory_space<vmem_shared>> -> memref<128x128xf32, #tpu.memory_space<vmem_shared>>
      tpu.wait_dma2 semaphore(%run_scoped3A : memref<!tpu.dma_semaphore, #tpu.memory_space<semaphore_mem>>) src(%dma_wait3A_107 : memref<128x128xf32, #tpu.memory_space<vmem_shared>>) dst(%dma_wait3A_105 : memref<128x128xf32, #tpu.memory_space<hbm>>)
      tpu.yield
    }) : () -> ()
    "tpu.region"() ({
      %run_scoped3A = tpu.sem_alloc : memref<!tpu.dma_semaphore, #tpu.memory_space<semaphore_mem>>
      %dma_start3A_98 = tpu.memref_slice %arg5[%arg0, %mul3A_4] : memref<2x10240xf32, #tpu.memory_space<hbm>> -> memref<1x640xf32, #tpu.memory_space<hbm>>
      %dma_start3A_99 = tpu.memref_squeeze %dma_start3A_98 : memref<1x640xf32, #tpu.memory_space<hbm>> -> memref<640xf32, #tpu.memory_space<hbm>>
      %dma_start3A_100 = tpu.memref_slice %arg15[%mul3A_4] : memref<10240xf32, #tpu.memory_space<vmem_shared>> -> memref<640xf32, #tpu.memory_space<vmem_shared>>
      tpu.enqueue_dma source(%dma_start3A_100 : memref<640xf32, #tpu.memory_space<vmem_shared>>) target(%dma_start3A_99 : memref<640xf32, #tpu.memory_space<hbm>>) target_semaphore(%run_scoped3A : memref<!tpu.dma_semaphore, #tpu.memory_space<semaphore_mem>>)
      %dma_wait3A_101 = tpu.memref_slice %arg5[%arg0, %mul3A_4] : memref<2x10240xf32, #tpu.memory_space<hbm>> -> memref<1x640xf32, #tpu.memory_space<hbm>>
      %dma_wait3A_102 = tpu.memref_squeeze %dma_wait3A_101 : memref<1x640xf32, #tpu.memory_space<hbm>> -> memref<640xf32, #tpu.memory_space<hbm>>
      %dma_wait3A_103 = tpu.memref_slice %arg15[%mul3A_4] : memref<10240xf32, #tpu.memory_space<vmem_shared>> -> memref<640xf32, #tpu.memory_space<vmem_shared>>
      tpu.wait_dma2 semaphore(%run_scoped3A : memref<!tpu.dma_semaphore, #tpu.memory_space<semaphore_mem>>) src(%dma_wait3A_103 : memref<640xf32, #tpu.memory_space<vmem_shared>>) dst(%dma_wait3A_102 : memref<640xf32, #tpu.memory_space<hbm>>)
      tpu.yield
    }) : () -> ()
    return
  }
}

module attributes {stable_mosaic.version = 14 : i64} {
  func.func @_root1_body(%arg0: i32, %arg1: memref<2000x128xf32, #tpu.memory_space<vmem>>, %arg2: memref<128x128xf32, #tpu.memory_space<vmem>>, %arg3: memref<1x128xf32, #tpu.memory_space<vmem>>, %arg4: memref<2000x128xf32, #tpu.memory_space<vmem>>) attributes {dimension_semantics = [#tpu.dimension_semantics<arbitrary>], iteration_bounds = array<i64: 5>, scalar_prefetch = 0 : i64, scratch_operands = 0 : i64, tpu.core_type = #tpu.core_type<tc>, window_params = [{transform_indices = @transform_0, window_bounds = array<i64: 2000, 128>}, {pipeline_mode = #tpu.pipeline_mode<synchronous>, transform_indices = @transform_1, window_bounds = array<i64: 128, 128>}, {pipeline_mode = #tpu.pipeline_mode<synchronous>, transform_indices = @transform_2, window_bounds = array<i64: 1, 128>}, {transform_indices = @transform_3, window_bounds = array<i64: 2000, 128>}]} {
    %get3A = arith.constant 0 : index
    %get3A_0 = arith.constant 0 : index
    %get3A_1 = vector.load %arg1[%get3A, %get3A_0] : memref<2000x128xf32, #tpu.memory_space<vmem>>, vector<2000x128xf32>
    %get3A_2 = arith.constant 0 : index
    %get3A_3 = arith.constant 0 : index
    %get3A_4 = vector.load %arg2[%get3A_2, %get3A_3] : memref<128x128xf32, #tpu.memory_space<vmem>>, vector<128x128xf32>
    %dot_general3A = arith.constant dense<0.000000e+00> : vector<2000x128xf32>
    %dot_general3A_5 = tpu.matmul %get3A_1, %get3A_4, %dot_general3A {dimension_numbers = #tpu.dot_dimension_numbers<[1], [1], [0], [0], [0, 0, 1, 0], [], []>, transpose_lhs_hint = false} : vector<2000x128xf32>, vector<128x128xf32>, vector<2000x128xf32> -> vector<2000x128xf32>
    %get3A_6 = arith.constant 0 : index
    %get3A_7 = arith.constant 0 : index
    %get3A_8 = vector.load %arg3[%get3A_6, %get3A_7] : memref<1x128xf32, #tpu.memory_space<vmem>>, vector<1x128xf32>
    %add3A = vector.broadcast %get3A_8 : vector<1x128xf32> to vector<2000x128xf32>
    %add3A_9 = arith.addf %dot_general3A_5, %add3A : vector<2000x128xf32>
    %swap3A = arith.constant 0 : index
    %swap3A_10 = arith.constant 0 : index
    %swap3A_11 = vector.load %arg4[%swap3A, %swap3A_10] : memref<2000x128xf32, #tpu.memory_space<vmem>>, vector<2000x128xf32>
    tpu.vector_store %arg4[%swap3A, %swap3A_10], %add3A_9 {strides = array<i32>} : memref<2000x128xf32, #tpu.memory_space<vmem>>, vector<2000x128xf32>,
    return
  }
  func.func @transform_0(%arg0: i32) -> (i32, i32) {
    %c0_i32 = arith.constant 0 : i32
    %c0_i32_0 = arith.constant 0 : i32
    return %arg0, %c0_i32 : i32, i32
  }
  func.func @transform_1(%arg0: i32) -> (i32, i32) {
    %c0_i32 = arith.constant 0 : i32
    %c0_i32_0 = arith.constant 0 : i32
    %c0_i32_1 = arith.constant 0 : i32
    return %c0_i32, %c0_i32_0 : i32, i32
  }
  func.func @transform_2(%arg0: i32) -> (i32, i32) {
    %c0_i32 = arith.constant 0 : i32
    %c0_i32_0 = arith.constant 0 : i32
    %c0_i32_1 = arith.constant 0 : i32
    return %c0_i32, %c0_i32_0 : i32, i32
  }
  func.func @transform_3(%arg0: i32) -> (i32, i32) {
    %c0_i32 = arith.constant 0 : i32
    %c0_i32_0 = arith.constant 0 : i32
    return %arg0, %c0_i32 : i32, i32
  }
}

module attributes {stable_mosaic.version = 14 : i64} {
  func.func @_comb1_body(%arg0: i32, %arg1: memref<2x2000x128xf32, #tpu.memory_space<vmem>>, %arg2: memref<2x2000x1xf32, #tpu.memory_space<vmem>>, %arg3: memref<2000x128xf32, #tpu.memory_space<vmem>>, %arg4: memref<128x128xf32, #tpu.memory_space<vmem>>, %arg5: memref<2000x128xf32, #tpu.memory_space<vmem>>) attributes {dimension_semantics = [#tpu.dimension_semantics<arbitrary>], iteration_bounds = array<i64: 5>, scalar_prefetch = 0 : i64, scratch_operands = 0 : i64, tpu.core_type = #tpu.core_type<tc>, window_params = [{transform_indices = @transform_0, window_bounds = array<i64: 2, 2000, 128>}, {transform_indices = @transform_1, window_bounds = array<i64: 2, 2000, 1>}, {transform_indices = @transform_2, window_bounds = array<i64: 2000, 128>}, {pipeline_mode = #tpu.pipeline_mode<synchronous>, transform_indices = @transform_3, window_bounds = array<i64: 128, 128>}, {transform_indices = @transform_4, window_bounds = array<i64: 2000, 128>}]} {
    %get3A = arith.constant 0 : index
    %get3A_0 = arith.constant 0 : index
    %get3A_1 = arith.constant 0 : index
    %get3A_2 = vector.load %arg1[%get3A, %get3A_0, %get3A_1] : memref<2x2000x128xf32, #tpu.memory_space<vmem>>, vector<1x2000x128xf32>
    %get3A_3 = vector.shape_cast %get3A_2 : vector<1x2000x128xf32> to vector<2000x128xf32>
    %get3A_4 = arith.constant 1 : index
    %get3A_5 = arith.constant 0 : index
    %get3A_6 = arith.constant 0 : index
    %get3A_7 = vector.load %arg1[%get3A_4, %get3A_5, %get3A_6] : memref<2x2000x128xf32, #tpu.memory_space<vmem>>, vector<1x2000x128xf32>
    %get3A_8 = vector.shape_cast %get3A_7 : vector<1x2000x128xf32> to vector<2000x128xf32>
    %add3A = arith.addf %get3A_3, %get3A_8 : vector<2000x128xf32>
    %get3A_9 = arith.constant 0 : index
    %get3A_10 = arith.constant 0 : index
    %get3A_11 = arith.constant 0 : index
    %get3A_12 = vector.load %arg2[%get3A_9, %get3A_10, %get3A_11] : memref<2x2000x1xf32, #tpu.memory_space<vmem>>, vector<1x2000x1xf32>
    %get3A_13 = vector.shape_cast %get3A_12 : vector<1x2000x1xf32> to vector<2000x1xf32>
    %get3A_14 = arith.constant 1 : index
    %get3A_15 = arith.constant 0 : index
    %get3A_16 = arith.constant 0 : index
    %get3A_17 = vector.load %arg2[%get3A_14, %get3A_15, %get3A_16] : memref<2x2000x1xf32, #tpu.memory_space<vmem>>, vector<1x2000x1xf32>
    %get3A_18 = vector.shape_cast %get3A_17 : vector<1x2000x1xf32> to vector<2000x1xf32>
    %add3A_19 = arith.addf %get3A_13, %get3A_18 : vector<2000x1xf32>
    %max3A = arith.constant 1.000000e+00 : f32
    %max3A_20 = vector.broadcast %max3A : f32 to vector<2000x1xf32>
    %max3A_21 = arith.maximumf %add3A_19, %max3A_20 : vector<2000x1xf32>
    %div3A = vector.broadcast %max3A_21 : vector<2000x1xf32> to vector<2000x128xf32>
    %div3A_22 = arith.divf %add3A, %div3A : vector<2000x128xf32>
    %get3A_23 = arith.constant 0 : index
    %get3A_24 = arith.constant 0 : index
    %get3A_25 = vector.load %arg4[%get3A_23, %get3A_24] : memref<128x128xf32, #tpu.memory_space<vmem>>, vector<128x128xf32>
    %dot_general3A = arith.constant dense<0.000000e+00> : vector<2000x128xf32>
    %dot_general3A_26 = tpu.matmul %div3A_22, %get3A_25, %dot_general3A {dimension_numbers = #tpu.dot_dimension_numbers<[1], [1], [0], [0], [0, 0, 1, 0], [], []>, transpose_lhs_hint = false} : vector<2000x128xf32>, vector<128x128xf32>, vector<2000x128xf32> -> vector<2000x128xf32>
    %get3A_27 = arith.constant 0 : index
    %get3A_28 = arith.constant 0 : index
    %get3A_29 = vector.load %arg3[%get3A_27, %get3A_28] : memref<2000x128xf32, #tpu.memory_space<vmem>>, vector<2000x128xf32>
    %add3A_30 = arith.addf %dot_general3A_26, %get3A_29 : vector<2000x128xf32>
    %max3A_31 = arith.constant 0.000000e+00 : f32
    %max3A_32 = vector.broadcast %max3A_31 : f32 to vector<2000x128xf32>
    %max3A_33 = arith.maximumf %add3A_30, %max3A_32 : vector<2000x128xf32>
    %swap3A = arith.constant 0 : index
    %swap3A_34 = arith.constant 0 : index
    %swap3A_35 = vector.load %arg5[%swap3A, %swap3A_34] : memref<2000x128xf32, #tpu.memory_space<vmem>>, vector<2000x128xf32>
    tpu.vector_store %arg5[%swap3A, %swap3A_34], %max3A_33 {strides = array<i32>} : memref<2000x128xf32, #tpu.memory_space<vmem>>, vector<2000x128xf32>,
    return
  }
  func.func @transform_0(%arg0: i32) -> (i32, i32, i32) {
    %c0_i32 = arith.constant 0 : i32
    %c0_i32_0 = arith.constant 0 : i32
    %c0_i32_1 = arith.constant 0 : i32
    return %c0_i32, %arg0, %c0_i32_0 : i32, i32, i32
  }
  func.func @transform_1(%arg0: i32) -> (i32, i32, i32) {
    %c0_i32 = arith.constant 0 : i32
    %c0_i32_0 = arith.constant 0 : i32
    %c0_i32_1 = arith.constant 0 : i32
    return %c0_i32, %arg0, %c0_i32_0 : i32, i32, i32
  }
  func.func @transform_2(%arg0: i32) -> (i32, i32) {
    %c0_i32 = arith.constant 0 : i32
    %c0_i32_0 = arith.constant 0 : i32
    return %arg0, %c0_i32 : i32, i32
  }
  func.func @transform_3(%arg0: i32) -> (i32, i32) {
    %c0_i32 = arith.constant 0 : i32
    %c0_i32_0 = arith.constant 0 : i32
    %c0_i32_1 = arith.constant 0 : i32
    return %c0_i32, %c0_i32_0 : i32, i32
  }
  func.func @transform_4(%arg0: i32) -> (i32, i32) {
    %c0_i32 = arith.constant 0 : i32
    %c0_i32_0 = arith.constant 0 : i32
    return %arg0, %c0_i32 : i32, i32
  }
}

module attributes {stable_mosaic.version = 14 : i64} {
  func.func @_root2_body(%arg0: i32, %arg1: memref<2000x128xf32, #tpu.memory_space<vmem>>, %arg2: memref<128x128xf32, #tpu.memory_space<vmem>>, %arg3: memref<1x128xf32, #tpu.memory_space<vmem>>, %arg4: memref<128x128xf32, #tpu.memory_space<vmem>>, %arg5: memref<1x128xf32, #tpu.memory_space<vmem>>, %arg6: memref<2000x128xf32, #tpu.memory_space<vmem>>, %arg7: memref<2000x128xf32, #tpu.memory_space<vmem>>) attributes {dimension_semantics = [#tpu.dimension_semantics<arbitrary>], iteration_bounds = array<i64: 5>, scalar_prefetch = 0 : i64, scratch_operands = 0 : i64, tpu.core_type = #tpu.core_type<tc>, window_params = [{transform_indices = @transform_0, window_bounds = array<i64: 2000, 128>}, {pipeline_mode = #tpu.pipeline_mode<synchronous>, transform_indices = @transform_1, window_bounds = array<i64: 128, 128>}, {pipeline_mode = #tpu.pipeline_mode<synchronous>, transform_indices = @transform_2, window_bounds = array<i64: 1, 128>}, {pipeline_mode = #tpu.pipeline_mode<synchronous>, transform_indices = @transform_3, window_bounds = array<i64: 128, 128>}, {pipeline_mode = #tpu.pipeline_mode<synchronous>, transform_indices = @transform_4, window_bounds = array<i64: 1, 128>}, {transform_indices = @transform_5, window_bounds = array<i64: 2000, 128>}, {transform_indices = @transform_6, window_bounds = array<i64: 2000, 128>}]} {
    %get3A = arith.constant 0 : index
    %get3A_0 = arith.constant 0 : index
    %get3A_1 = vector.load %arg1[%get3A, %get3A_0] : memref<2000x128xf32, #tpu.memory_space<vmem>>, vector<2000x128xf32>
    %get3A_2 = arith.constant 0 : index
    %get3A_3 = arith.constant 0 : index
    %get3A_4 = vector.load %arg2[%get3A_2, %get3A_3] : memref<128x128xf32, #tpu.memory_space<vmem>>, vector<128x128xf32>
    %dot_general3A = arith.constant dense<0.000000e+00> : vector<2000x128xf32>
    %dot_general3A_5 = tpu.matmul %get3A_1, %get3A_4, %dot_general3A {dimension_numbers = #tpu.dot_dimension_numbers<[1], [1], [0], [0], [0, 0, 1, 0], [], []>, transpose_lhs_hint = false} : vector<2000x128xf32>, vector<128x128xf32>, vector<2000x128xf32> -> vector<2000x128xf32>
    %get3A_6 = arith.constant 0 : index
    %get3A_7 = arith.constant 0 : index
    %get3A_8 = vector.load %arg3[%get3A_6, %get3A_7] : memref<1x128xf32, #tpu.memory_space<vmem>>, vector<1x128xf32>
    %add3A = vector.broadcast %get3A_8 : vector<1x128xf32> to vector<2000x128xf32>
    %add3A_9 = arith.addf %dot_general3A_5, %add3A : vector<2000x128xf32>
    %swap3A = arith.constant 0 : index
    %swap3A_10 = arith.constant 0 : index
    %swap3A_11 = vector.load %arg6[%swap3A, %swap3A_10] : memref<2000x128xf32, #tpu.memory_space<vmem>>, vector<2000x128xf32>
    tpu.vector_store %arg6[%swap3A, %swap3A_10], %add3A_9 {strides = array<i32>} : memref<2000x128xf32, #tpu.memory_space<vmem>>, vector<2000x128xf32>,
    %get3A_12 = arith.constant 0 : index
    %get3A_13 = arith.constant 0 : index
    %get3A_14 = vector.load %arg4[%get3A_12, %get3A_13] : memref<128x128xf32, #tpu.memory_space<vmem>>, vector<128x128xf32>
    %dot_general3A_15 = arith.constant dense<0.000000e+00> : vector<2000x128xf32>
    %dot_general3A_16 = tpu.matmul %get3A_1, %get3A_14, %dot_general3A_15 {dimension_numbers = #tpu.dot_dimension_numbers<[1], [1], [0], [0], [0, 0, 1, 0], [], []>, transpose_lhs_hint = false} : vector<2000x128xf32>, vector<128x128xf32>, vector<2000x128xf32> -> vector<2000x128xf32>
    %get3A_17 = arith.constant 0 : index
    %get3A_18 = arith.constant 0 : index
    %get3A_19 = vector.load %arg5[%get3A_17, %get3A_18] : memref<1x128xf32, #tpu.memory_space<vmem>>, vector<1x128xf32>
    %add3A_20 = vector.broadcast %get3A_19 : vector<1x128xf32> to vector<2000x128xf32>
    %add3A_21 = arith.addf %dot_general3A_16, %add3A_20 : vector<2000x128xf32>
    %swap3A_22 = arith.constant 0 : index
    %swap3A_23 = arith.constant 0 : index
    %swap3A_24 = vector.load %arg7[%swap3A_22, %swap3A_23] : memref<2000x128xf32, #tpu.memory_space<vmem>>, vector<2000x128xf32>
    tpu.vector_store %arg7[%swap3A_22, %swap3A_23], %add3A_21 {strides = array<i32>} : memref<2000x128xf32, #tpu.memory_space<vmem>>, vector<2000x128xf32>,
    return
  }
  func.func @transform_0(%arg0: i32) -> (i32, i32) {
    %c0_i32 = arith.constant 0 : i32
    %c0_i32_0 = arith.constant 0 : i32
    return %arg0, %c0_i32 : i32, i32
  }
  func.func @transform_1(%arg0: i32) -> (i32, i32) {
    %c0_i32 = arith.constant 0 : i32
    %c0_i32_0 = arith.constant 0 : i32
    %c0_i32_1 = arith.constant 0 : i32
    return %c0_i32, %c0_i32_0 : i32, i32
  }
  func.func @transform_2(%arg0: i32) -> (i32, i32) {
    %c0_i32 = arith.constant 0 : i32
    %c0_i32_0 = arith.constant 0 : i32
    %c0_i32_1 = arith.constant 0 : i32
    return %c0_i32, %c0_i32_0 : i32, i32
  }
  func.func @transform_3(%arg0: i32) -> (i32, i32) {
    %c0_i32 = arith.constant 0 : i32
    %c0_i32_0 = arith.constant 0 : i32
    %c0_i32_1 = arith.constant 0 : i32
    return %c0_i32, %c0_i32_0 : i32, i32
  }
  func.func @transform_4(%arg0: i32) -> (i32, i32) {
    %c0_i32 = arith.constant 0 : i32
    %c0_i32_0 = arith.constant 0 : i32
    %c0_i32_1 = arith.constant 0 : i32
    return %c0_i32, %c0_i32_0 : i32, i32
  }
  func.func @transform_5(%arg0: i32) -> (i32, i32) {
    %c0_i32 = arith.constant 0 : i32
    %c0_i32_0 = arith.constant 0 : i32
    return %arg0, %c0_i32 : i32, i32
  }
  func.func @transform_6(%arg0: i32) -> (i32, i32) {
    %c0_i32 = arith.constant 0 : i32
    %c0_i32_0 = arith.constant 0 : i32
    return %arg0, %c0_i32 : i32, i32
  }
}

module attributes {stable_mosaic.version = 14 : i64} {
  func.func @_comb2_body(%arg0: i32, %arg1: memref<2x2000x128xf32, #tpu.memory_space<vmem>>, %arg2: memref<2x2000x1xf32, #tpu.memory_space<vmem>>, %arg3: memref<2000x128xf32, #tpu.memory_space<vmem>>, %arg4: memref<2000x128xf32, #tpu.memory_space<vmem>>, %arg5: memref<128x128xf32, #tpu.memory_space<vmem>>, %arg6: memref<128x128xf32, #tpu.memory_space<vmem>>, %arg7: memref<2000x128xf32, #tpu.memory_space<vmem>>, %arg8: memref<2000x128xf32, #tpu.memory_space<vmem>>) attributes {dimension_semantics = [#tpu.dimension_semantics<arbitrary>], iteration_bounds = array<i64: 5>, scalar_prefetch = 0 : i64, scratch_operands = 0 : i64, tpu.core_type = #tpu.core_type<tc>, window_params = [{transform_indices = @transform_0, window_bounds = array<i64: 2, 2000, 128>}, {transform_indices = @transform_1, window_bounds = array<i64: 2, 2000, 1>}, {transform_indices = @transform_2, window_bounds = array<i64: 2000, 128>}, {transform_indices = @transform_3, window_bounds = array<i64: 2000, 128>}, {pipeline_mode = #tpu.pipeline_mode<synchronous>, transform_indices = @transform_4, window_bounds = array<i64: 128, 128>}, {pipeline_mode = #tpu.pipeline_mode<synchronous>, transform_indices = @transform_5, window_bounds = array<i64: 128, 128>}, {transform_indices = @transform_6, window_bounds = array<i64: 2000, 128>}, {transform_indices = @transform_7, window_bounds = array<i64: 2000, 128>}]} {
    %get3A = arith.constant 0 : index
    %get3A_0 = arith.constant 0 : index
    %get3A_1 = arith.constant 0 : index
    %get3A_2 = vector.load %arg1[%get3A, %get3A_0, %get3A_1] : memref<2x2000x128xf32, #tpu.memory_space<vmem>>, vector<1x2000x128xf32>
    %get3A_3 = vector.shape_cast %get3A_2 : vector<1x2000x128xf32> to vector<2000x128xf32>
    %get3A_4 = arith.constant 1 : index
    %get3A_5 = arith.constant 0 : index
    %get3A_6 = arith.constant 0 : index
    %get3A_7 = vector.load %arg1[%get3A_4, %get3A_5, %get3A_6] : memref<2x2000x128xf32, #tpu.memory_space<vmem>>, vector<1x2000x128xf32>
    %get3A_8 = vector.shape_cast %get3A_7 : vector<1x2000x128xf32> to vector<2000x128xf32>
    %add3A = arith.addf %get3A_3, %get3A_8 : vector<2000x128xf32>
    %get3A_9 = arith.constant 0 : index
    %get3A_10 = arith.constant 0 : index
    %get3A_11 = arith.constant 0 : index
    %get3A_12 = vector.load %arg2[%get3A_9, %get3A_10, %get3A_11] : memref<2x2000x1xf32, #tpu.memory_space<vmem>>, vector<1x2000x1xf32>
    %get3A_13 = vector.shape_cast %get3A_12 : vector<1x2000x1xf32> to vector<2000x1xf32>
    %get3A_14 = arith.constant 1 : index
    %get3A_15 = arith.constant 0 : index
    %get3A_16 = arith.constant 0 : index
    %get3A_17 = vector.load %arg2[%get3A_14, %get3A_15, %get3A_16] : memref<2x2000x1xf32, #tpu.memory_space<vmem>>, vector<1x2000x1xf32>
    %get3A_18 = vector.shape_cast %get3A_17 : vector<1x2000x1xf32> to vector<2000x1xf32>
    %add3A_19 = arith.addf %get3A_13, %get3A_18 : vector<2000x1xf32>
    %max3A = arith.constant 1.000000e+00 : f32
    %max3A_20 = vector.broadcast %max3A : f32 to vector<2000x1xf32>
    %max3A_21 = arith.maximumf %add3A_19, %max3A_20 : vector<2000x1xf32>
    %div3A = vector.broadcast %max3A_21 : vector<2000x1xf32> to vector<2000x128xf32>
    %div3A_22 = arith.divf %add3A, %div3A : vector<2000x128xf32>
    %get3A_23 = arith.constant 0 : index
    %get3A_24 = arith.constant 0 : index
    %get3A_25 = vector.load %arg5[%get3A_23, %get3A_24] : memref<128x128xf32, #tpu.memory_space<vmem>>, vector<128x128xf32>
    %dot_general3A = arith.constant dense<0.000000e+00> : vector<2000x128xf32>
    %dot_general3A_26 = tpu.matmul %div3A_22, %get3A_25, %dot_general3A {dimension_numbers = #tpu.dot_dimension_numbers<[1], [1], [0], [0], [0, 0, 1, 0], [], []>, transpose_lhs_hint = false} : vector<2000x128xf32>, vector<128x128xf32>, vector<2000x128xf32> -> vector<2000x128xf32>
    %get3A_27 = arith.constant 0 : index
    %get3A_28 = arith.constant 0 : index
    %get3A_29 = vector.load %arg3[%get3A_27, %get3A_28] : memref<2000x128xf32, #tpu.memory_space<vmem>>, vector<2000x128xf32>
    %add3A_30 = arith.addf %dot_general3A_26, %get3A_29 : vector<2000x128xf32>
    %swap3A = arith.constant 0 : index
    %swap3A_31 = arith.constant 0 : index
    %swap3A_32 = vector.load %arg7[%swap3A, %swap3A_31] : memref<2000x128xf32, #tpu.memory_space<vmem>>, vector<2000x128xf32>
    tpu.vector_store %arg7[%swap3A, %swap3A_31], %add3A_30 {strides = array<i32>} : memref<2000x128xf32, #tpu.memory_space<vmem>>, vector<2000x128xf32>,
    %get3A_33 = arith.constant 0 : index
    %get3A_34 = arith.constant 0 : index
    %get3A_35 = vector.load %arg6[%get3A_33, %get3A_34] : memref<128x128xf32, #tpu.memory_space<vmem>>, vector<128x128xf32>
    %dot_general3A_36 = arith.constant dense<0.000000e+00> : vector<2000x128xf32>
    %dot_general3A_37 = tpu.matmul %div3A_22, %get3A_35, %dot_general3A_36 {dimension_numbers = #tpu.dot_dimension_numbers<[1], [1], [0], [0], [0, 0, 1, 0], [], []>, transpose_lhs_hint = false} : vector<2000x128xf32>, vector<128x128xf32>, vector<2000x128xf32> -> vector<2000x128xf32>
    %get3A_38 = arith.constant 0 : index
    %get3A_39 = arith.constant 0 : index
    %get3A_40 = vector.load %arg4[%get3A_38, %get3A_39] : memref<2000x128xf32, #tpu.memory_space<vmem>>, vector<2000x128xf32>
    %add3A_41 = arith.addf %dot_general3A_37, %get3A_40 : vector<2000x128xf32>
    %swap3A_42 = arith.constant 0 : index
    %swap3A_43 = arith.constant 0 : index
    %swap3A_44 = vector.load %arg8[%swap3A_42, %swap3A_43] : memref<2000x128xf32, #tpu.memory_space<vmem>>, vector<2000x128xf32>
    tpu.vector_store %arg8[%swap3A_42, %swap3A_43], %add3A_41 {strides = array<i32>} : memref<2000x128xf32, #tpu.memory_space<vmem>>, vector<2000x128xf32>,
    return
  }
  func.func @transform_0(%arg0: i32) -> (i32, i32, i32) {
    %c0_i32 = arith.constant 0 : i32
    %c0_i32_0 = arith.constant 0 : i32
    %c0_i32_1 = arith.constant 0 : i32
    return %c0_i32, %arg0, %c0_i32_0 : i32, i32, i32
  }
  func.func @transform_1(%arg0: i32) -> (i32, i32, i32) {
    %c0_i32 = arith.constant 0 : i32
    %c0_i32_0 = arith.constant 0 : i32
    %c0_i32_1 = arith.constant 0 : i32
    return %c0_i32, %arg0, %c0_i32_0 : i32, i32, i32
  }
  func.func @transform_2(%arg0: i32) -> (i32, i32) {
    %c0_i32 = arith.constant 0 : i32
    %c0_i32_0 = arith.constant 0 : i32
    return %arg0, %c0_i32 : i32, i32
  }
  func.func @transform_3(%arg0: i32) -> (i32, i32) {
    %c0_i32 = arith.constant 0 : i32
    %c0_i32_0 = arith.constant 0 : i32
    return %arg0, %c0_i32 : i32, i32
  }
  func.func @transform_4(%arg0: i32) -> (i32, i32) {
    %c0_i32 = arith.constant 0 : i32
    %c0_i32_0 = arith.constant 0 : i32
    %c0_i32_1 = arith.constant 0 : i32
    return %c0_i32, %c0_i32_0 : i32, i32
  }
  func.func @transform_5(%arg0: i32) -> (i32, i32) {
    %c0_i32 = arith.constant 0 : i32
    %c0_i32_0 = arith.constant 0 : i32
    %c0_i32_1 = arith.constant 0 : i32
    return %c0_i32, %c0_i32_0 : i32, i32
  }
  func.func @transform_6(%arg0: i32) -> (i32, i32) {
    %c0_i32 = arith.constant 0 : i32
    %c0_i32_0 = arith.constant 0 : i32
    return %arg0, %c0_i32 : i32, i32
  }
  func.func @transform_7(%arg0: i32) -> (i32, i32) {
    %c0_i32 = arith.constant 0 : i32
    %c0_i32_0 = arith.constant 0 : i32
    return %arg0, %c0_i32 : i32, i32
  }
}

</mosaic_0001>

<sc_bundles>
// kernel: kernel.11.cloned.1.call-start
scs
__scs_entry_jumppad:
0x0: {  	(pc) =	sbr.rel $0x88, $3  }
0x1: {  	(tag) =	ssettag $0x0;
	lr =	simm.s32 $0x1  }
0x2: {  	[smem:$0x3F96] =	sst lr;
	_ =	strace $0xD0000000  }
0x3: {  	_ = 	snop  }
0x4: {  	_ = 	snop  }
0x5: {  	_ = 	snop  }
0x6: {  	_ = 	snop  }
0x7: {  	_ = 	snop  }
__scs_overlays_trampoline_lowered:
0x8: {  	[smem:$0x3FA5] =	sst s0  }
0x9: {  	[smem:$0x3FA6] =	sst s1  }
0xa: {  	[smem:$0x3FA7] =	sst s2  }
0xb: {  	[smem:$0x3FA8] =	sst s3  }
0xc: {  	[smem:$0x3FA9] =	sst s4  }
0xd: {  	[smem:$0x3FAA] =	sst s5  }
0xe: {  	[smem:$0x3FAB] =	sst s6  }
0xf: {  	[smem:$0x3FAC] =	sst s7  }
0x10: {  	[smem:$0x3FAD] =	sst s8  }
0x11: {  	[smem:$0x3FAE] =	sst s9;
	s0 =	simm.s32 @!p0 $0x0  }
0x12: {  	s1 =	sld [smem:$0x3F94];
	s0 =	simm.s32 @p0 $0x1  }
0x13: {  	[smem:$0x3FAF] =	sst s0;
	s0 =	simm.s32 @!p1 $0x0  }
0x14: {  	s2 =	sld [smem:$0x3F93];
	s0 =	simm.s32 @p1 $0x1  }
0x15: {  	[smem:$0x3FB0] =	sst s0;
	s0 =	simm.s32 @!p2 $0x0  }
0x16: {  	s3 =	sld [smem:$0x3FDB];
	s0 =	simm.s32 @p2 $0x1  }
0x17: {  	s4 =	simm.s32 $0x1BF5;
	[smem:$0x3FB2] =	sst s0  }
0x18: {  	s0 =	sld [smem:$0x3F95];
	_ =	swait.ge [sflag:s4], $0x0  }
0x19: {  	s7 =	sld [smem:$0x3F96]  }
0x1a: {  	s8 =	sadd.s32 $0xFFFFE003, lr  }
0x1b: {  	s9 =	sadd.s32 $0xFFFFFEF7, lr;
	s5 =	simm.s32 $0xFFFFFFFF;
	p2 =	slt.u32 s8, $0xFFFFF086  }
0x1c: {  	p1 =	slt.u32 s9, $0xF7A;
	s5 =	simm.s32 @!p2 $0x0  }
0x1d: {  	s5 =	simm.s32 @p1 $0x1;
	p0 =	seq.s32 s7, s2  }
0x1e: {  	s7 =	smul.u32 @!p0 $0xF7A, s2;
	p2 =	seq.s32 @!p0 s5, $0x0  }
0x1f: {  	s9 =	smul.u32 $0xF7A, s1;
	s8 =	simm.s32 @!p0 $0x1BF5;
	p2 =	por !p2, p0  }
0x20: {  	[sflag:s8] =	ssyncset.s32 @!p0 $0xFFFFF086;
	s6 =	sadd.s32 @!p0 s3, s7;
	s7 =	simm.s32 @!p0 $0x108  }
0x21: {  	s3 =	sadd.s32 s3, s9;
	s6 =	sadd.s32 @!p0 $0x88, s6;
	s7 =	simm.s32 @p2 $0x1082  }
0x22: {  	[simem:s7], [sflag:s8] =	dma.local @!p0 [hbm:s6], $0xF7A  }
0x23: {  	s9 =	sor.u32 $0xD0000000, s2;
	s6 =	simm.s32 $0x108;
	_ =	swait.ge @!p0 [sflag:s8], $0x0  }
0x24: {  	s3 =	sadd.s32 $0x88, s3;
	s6 =	simm.s32 @!p1 $0x1082;
	[sflag:s4] =	ssyncset.s32 $0xFFFFF086  }
0x25: {  	[simem:s6], [sflag:s4] =	dma.local [hbm:s3], $0xF7A  }
0x26: {  	[smem:$0x3F96] =	sst s1;
	(tag) =	ssettag s2;
	_ =	strace s9  }
0x27: {  	s1 =	sld [smem:$0x3FA6]  }
0x28: {  	s2 =	sld [smem:$0x3FA7]  }
0x29: {  	s4 =	sld [smem:$0x3FA9]  }
0x2a: {  	p0 =	seq.s32 s5, $0x0;
	s5 =	sld [smem:$0x3FAA]  }
0x2b: {  	s6 =	sld [smem:$0x3FAB]  }
0x2c: {  	s7 =	sld [smem:$0x3FAC]  }
0x2d: {  	s3 =	simm.s32 $0x108;
	s8 =	sld [smem:$0x3FAD]  }
0x2e: {  	s3 =	simm.s32 @!p0 $0x1082;
	s9 =	sld [smem:$0x3FAE]  }
0x2f: {  	lr =	sadd.s32 s0, s3;
	s0 =	sld [smem:$0x3FA5]  }
0x30: {  	s3 =	sld [smem:$0x3FA8]  }
0x31: {  	[smem:$0x3FB1] =	sst s10  }
0x32: {  	s10 =	sld [smem:$0x3FAF];
	_ =	sdelay $0x3  }
0x33: {  	p0 =	seq.s32 s10, $0x1;
	s10 =	sld [smem:$0x3FB1];
	_ =	sdelay $0x3  }
0x34: {  	[smem:$0x3FB1] =	sst s10  }
0x35: {  	s10 =	sld [smem:$0x3FB0];
	_ =	sdelay $0x3  }
0x36: {  	p1 =	seq.s32 s10, $0x1;
	s10 =	sld [smem:$0x3FB1];
	_ =	sdelay $0x3  }
0x37: {  	[smem:$0x3FB1] =	sst s10  }
0x38: {  	s10 =	sld [smem:$0x3FB2]  }
0x39: {  	_ = 	snop;
	(pc) =	sbr.ind lr, $3  }
0x3a: {  	_ = 	snop  }
0x3b: {  	_ = 	snop  }
0x3c: {  	p2 =	seq.s32 s10, $0x1;
	s10 =	sld [smem:$0x3FB1]  }
0x3d: {  	_ =	shalt  }
0x3e: {  	_ =	shalt  }
0x3f: {  	_ =	shalt  }
0x40: {  	_ =	shalt  }
0x41: {  	_ =	shalt  }
0x42: {  	_ =	shalt  }
0x43: {  	_ =	shalt  }
0x44: {  	_ =	shalt  }
0x45: {  	_ =	shalt  }
0x46: {  	_ =	shalt  }
0x47: {  	_ =	shalt  }
0x48: {  	_ =	shalt  }
0x49: {  	_ =	shalt  }
0x4a: {  	_ =	shalt  }
0x4b: {  	_ =	shalt  }
0x4c: {  	_ =	shalt  }
0x4d: {  	_ =	shalt  }
0x4e: {  	_ =	shalt  }
0x4f: {  	_ =	shalt  }
0x50: {  	_ =	shalt  }
0x51: {  	_ =	shalt  }
0x52: {  	_ =	shalt  }
0x53: {  	_ =	shalt  }
0x54: {  	_ =	shalt  }
0x55: {  	_ =	shalt  }
0x56: {  	_ =	shalt  }
0x57: {  	_ =	shalt  }
0x58: {  	_ =	shalt  }
0x59: {  	_ =	shalt  }
0x5a: {  	_ =	shalt  }
0x5b: {  	_ =	shalt  }
0x5c: {  	_ =	shalt  }
0x5d: {  	_ =	shalt  }
0x5e: {  	_ =	shalt  }
0x5f: {  	_ =	shalt  }
0x60: {  	_ =	shalt  }
0x61: {  	_ =	shalt  }
0x62: {  	_ =	shalt  }
0x63: {  	_ =	shalt  }
0x64: {  	_ =	shalt  }
0x65: {  	_ =	shalt  }
0x66: {  	_ =	shalt  }
0x67: {  	_ =	shalt  }
0x68: {  	_ =	shalt  }
0x69: {  	_ =	shalt  }
0x6a: {  	_ =	shalt  }
0x6b: {  	_ =	shalt  }
0x6c: {  	_ =	shalt  }
0x6d: {  	_ =	shalt  }
0x6e: {  	_ =	shalt  }
0x6f: {  	_ =	shalt  }
0x70: {  	_ =	shalt  }
0x71: {  	_ =	shalt  }
0x72: {  	_ =	shalt  }
0x73: {  	_ =	shalt  }
0x74: {  	_ =	shalt  }
0x75: {  	_ =	shalt  }
0x76: {  	_ =	shalt  }
0x77: {  	_ =	shalt  }
0x78: {  	_ =	shalt  }
0x79: {  	_ =	shalt  }
0x7a: {  	_ =	shalt  }
0x7b: {  	_ =	shalt  }
0x7c: {  	_ =	shalt  }
0x7d: {  	_ =	shalt  }
0x7e: {  	_ =	shalt  }
0x7f: {  	_ =	shalt  }
0x80: {  	_ =	shalt  }
0x81: {  	_ =	shalt  }
0x82: {  	_ =	shalt  }
0x83: {  	_ =	shalt  }
0x84: {  	_ =	shalt  }
0x85: {  	_ =	shalt  }
0x86: {  	_ =	shalt  }
0x87: {  	_ =	shalt  }
.Lfunc_end0:
.L_simem_size_0:
called_computation.1_lowered:
.L_overlay_start_0:
0x88: {  	s2 =	sld [smem:$0x3FD9]  }
0x89: {  	s3 =	sld [smem:$0x3FFE];
	_ =	sdelay $0x1  }
0x8a: {  	s1 =	srdreg.scid  }
0x8b: {  	s0 =	sand.u32 $0x1, s1  }
0x8c: {  	s14 =	sshll.u32 s0, $0xA;
	s2 =	sadd.s32 s3, s2  }
0x8d: {  	s2 =	sadd.s32 s2, s14  }
0x8e: {  	[smem:$0x3FBD] =	sst s2  }
0x8f: {  	_ = 	snop  }
0x90: {  	s2 =	sld [smem:$0x3FD0];
	_ =	sdelay $0x2  }
0x91: {  	s15 =	simm.s32 $0xA;
	s4 =	simm.s32 $0x10  }
0x92: {  	[smem:s4], [sflag:s15] =	dma.local [hbm:s2], $0x1  }
0x93: {  	_ =	swait.eq [sflag:s15], $0x1  }
0x94: {  	[sflag:s15] =	ssyncset.done $0x0  }
0x95: {  	s16 =	sld [smem:$0x10];
	[sflag:s15] =	ssyncadd.s32 $0xFFFFFFFF  }
0x96: {  	s17 =	sld [smem:$0x11];
	(tm) =	ssettm $0x1  }
0x97: {  	s18 =	sld [smem:$0x3FFB];
	_ =	sdelay $0x3  }
0x98: {  	_ =	strace s18  }
0x99: {  	s4 =	sld [smem:$0x3FFC];
	_ =	sdelay $0x3  }
0x9a: {  	_ =	strace s4  }
0x9b: {  	s4 =	sld [smem:$0x3FFD];
	_ =	sdelay $0x3  }
0x9c: {  	_ =	strace s4  }
0x9d: {  	_ =	strace $0x8FFFFFFF  }
0x9e: {  	s19 =	sld [smem:$0x3FDB];
	_ =	sdelay $0x1  }
0x9f: {  	s5 =	simm.s32 $_scs_section_size  }
0xa0: {  	s6 =	simm.s32 $_size__tile_overlayer_lowered;
	s7 =	simm.s32 $_tile_overlayer_lowered  }
0xa1: {  	s22 =	simm.s32 $0x1BFF;
	s21 =	sshll.u32 s7, $0x1;
	s4 =	sadd.s32 s5, s19  }
0xa2: {  	s8 =	simm.s32 $0x0;
	s20 =	sshll.u32 s6, $0x1;
	s6 =	sadd.s32 s21, s4  }
0xa3: {  	[timem:s8], [sflag:s22] =	dma.local [hbm:s6], s20  }
0xa4: {  	_ =	swait.ge [sflag:s22], s20  }
0xa5: {  	s5 =	ssub.s32 $0x0, s20;
	[sflag:s22] =	ssyncset.done $0x0  }
0xa6: {  	[sflag:s22] =	ssyncadd.s32 s5;
	_ =	sdelay $0x1  }
0xa7: {  	s23 =	simm.s32 $0x1B8B  }
0xa8: {  	_ =	swait.ge [sflag:s23], $0x1  }
0xa9: {  	[sflag:s23] =	ssyncset.done $0x0  }
0xaa: {  	s25 =	simm.s32 $0x1B8E;
	s24 =	sld [smem:$0x3FFE];
	[sflag:s23] =	ssyncadd.s32 $0xFFFFFFFF  }
0xab: {  	s26 =	simm.s32 $execute0_lowered;
	[smem:$0x3FD2] =	sst s25  }
0xac: {  	s6 =	sshll.u32 s26, $0x1;
	_ =	strace $0x80000049;
	[dreg:$0x1] =	wrdreg $0xFFFFFFFF  }
0xad: {  	s28 =	simm.s32 $_size_execute0_lowered;
	s4 =	sadd.s32 s4, s6;
	[dreg:$0x0] =	wrdreg $0x0  }
0xae: {  	s6 =	sshll.u32 s28, $0x1;
	[dreg:$0x2] =	wrdreg s4  }
0xaf: {  	[dreg:$0x3] =	wrdreg s6  }
0xb0: {  	[dreg:$0x4] =	wrdreg $0xC0  }
0xb1: {  	_ =	task [dreg:s8], $0x5FFFF  }
0xb2: {  	[dreg:$0x1] =	wrdreg $0xFFFFFFFF  }
0xb3: {  	[dreg:$0x0] =	wrdreg $0x60  }
0xb4: {  	[dreg:$0x2] =	wrdreg s17  }
0xb5: {  	[dreg:$0x3] =	wrdreg s16  }
0xb6: {  	[dreg:$0x4] =	wrdreg s24  }
0xb7: {  	[dreg:$0x5] =	wrdreg $0xA8000  }
0xb8: {  	[dreg:$0x6] =	wrdreg $0x1EB000  }
0xb9: {  	[dreg:$0x7] =	wrdreg $0x9  }
0xba: {  	_ =	task.clear_ibuf [dreg:s8], $0x8FFFF;
	_ =	strace $0x90000049  }
0xbb: {  	s29 =	simm.s32 $0x9;
	_ =	strace $0x8000004B  }
0xbc: {  	_ =	swait.ge [sflag:s29], $0x1  }
0xbd: {  	[sflag:s29] =	ssyncadd.s32 $0xFFFFFFFF  }
0xbe: {  	_ =	strace $0x9000004B  }
0xbf: {  	_ =	sfence  }
0xc0: {  	s30 =	sld [smem:$0x0];
	_ =	sdelay $0x2  }
0xc1: {  	s31 =	sshll.u32 s1, $0xD;
	s1 =	sshrl.u32 s1, $0x2  }
0xc2: {  	s3 =	sand.u32 $0x4000, s31;
	s1 =	sadd.s32 s1, s30  }
0xc3: {  	s0 =	sor.u32 s3, s0;
	s1 =	sshll.u32 s1, $0x11  }
0xc4: {  	s0 =	sor.u32 s1, s0  }
0xc5: {  	s0 =	sadd.s32 $0x8F2B, s0  }
0xc6: {  	[sflag:s0] =	ssyncadd.remote.s32 $0x1  }
0xc7: {  	_ =	sfence.sel $0xFFFF  }
0xc8: {  	[dreg:$0x0] =	wrdreg $0xFFFFFFFF;
	(pc) =	sbr.abs _section_cstart, $3  }
0xc9: {  	[dreg:$0x1] =	wrdreg $0xFFFFFFFF  }
0xca: {  	_ =	task.clear_ibuf [dreg:s8], $0x2FFFF;
	_ =	strace $0x9FFFFFFF  }
0xcb: {  	(tm) =	ssettm $0x7FFFFFFF  }
tec
execute0_lowered:
.L_overlay_start_1:
0x0: {  	(tag) =	ssettag $0x1  }
0x1: {  	s0 =	rddreg [dreg:$0x0]  }
0x2: {  	s1 =	rddreg [dreg:$0x1]  }
0x3: {  	s2 =	rddreg [dreg:$0x2]  }
0x4: {  	s3 =	rddreg [dreg:$0x3]  }
0x5: {  	s5 =	srdreg.scid;
	s9 =	stileid.u32  }
0x6: {  	s4 =	rddreg [dreg:$0x4];
	s8 =	simm.s32 $0x0;
	s28 =	simm.s32 $0x1  }
0x7: {  	s29 =	simm.s32 $0x2;
	s30 =	simm.s32 $0x80;
	s6 =	smul.u32 $0x500, s9  }
0x8: {  	s31 =	simm.s32 $0x6800;
	s5 =	sand.u32 $0x1, s5;
	s11 =	smul.u32 $0x280, s9  }
0x9: {  	[smem:$0x7FF] =	sst s8;
	s12 =	sadd.s32 $0xA3400, s2;
	s16 =	smul.u32 $0x50000, s9  }
0xa: {  	s15 =	sshll.u32 s9, $0x1;
	s19 =	smul.u32 $0x14000, s9;
	s23 =	sadd.s32 $0xA000, s1  }
0xb: {  	s7 =	sshll.u32 s5, $0x7;
	_ =	strace $0x8000004A;
	s13 =	ssub.s32 $0x2, s5  }
0xc: {  	s6 =	sor.u32 s7, s6;
	s14 =	sshrl.u32 s13, $0x1;
	s10 =	sshll.u32 s11, $0x7  }
0xd: {  	s11 =	sadd.s32 s11, s4;
	s6 =	sshrl.u32 s6, $0x3;
	s13 =	ssub.s32 s13, s14  }
0xe: {  	s14 =	sor.u32 s5, s15;
	s15 =	simm.s32 $0x14;
	s5 =	smul.u32 $0x140000, s5  }
0xf: {  	s17 =	sadd.s32 $0x8000, s10;
	s18 =	sadd.s32 $0xC000, s10;
	s20 =	sadd.s32 $0x10000, s10  }
0x10: {  	s2 =	sadd.s32 s6, s2;
	p0 =	seq.s32 s14, $0x1F;
	s6 =	sshrl.u32 s16, $0x2  }
0x11: {  	s16 =	sadd.s32 $0x4000, s10;
	s8 =	sadd.s32 s17, s3;
	s9 =	sadd.s32 s18, s3  }
0x12: {  	s10 =	sadd.s32 s20, s3;
	s24 =	smax.u32 s13, $0x1;
	s15 =	simm.s32 @!p0 $0x50  }
0x13: {  	s6 =	sadd.s32 s6, s3;
	s7 =	sadd.s32 s16, s3;
	s19 =	sadd.s32 s19, s5  }
0x14: {  	s16 =	sadd.s32 s5, s16;
	s17 =	sadd.s32 s5, s17;
	s18 =	sadd.s32 s5, s18  }
0x15: {  	s5 =	sadd.s32 s5, s20;
	s2 =	sadd.s32 $0x3400, s2;
	s20 =	smul.u32 $0x500, s14  }
0x16: {  	[dreg:$0xc] =	wrdreg s24;
	s19 =	sshrl.u32 s19, $0x3;
	s16 =	sshrl.u32 s16, $0x3  }
0x17: {  	s5 =	sshrl.u32 s5, $0x3;
	[dreg:$0xb] =	wrdreg s2;
	s22 =	smax.u32 s15, $0x28  }
0x18: {  	s25 =	smin.u32 s15, $0x28;
	s19 =	sadd.s32 s12, s19;
	s16 =	sadd.s32 s12, s16  }
0x19: {  	s5 =	sadd.s32 s12, s5;
	s26 =	sadd.s32 s1, s20;
	[dreg:$0x6] =	wrdreg s19  }
0x1a: {  	s21 =	sadd.s32 s20, s23;
	s2 =	sadd.s32 $0x280, s20;
	[dreg:$0x7] =	wrdreg s16  }
0x1b: {  	s16 =	sshrl.u32 s17, $0x3;
	s17 =	sshrl.u32 s18, $0x3;
	[dreg:$0xa] =	wrdreg s5  }
0x1c: {  	s5 =	sadd.s32 $0xFFFFFFD8, s22;
	[dreg:$0xd] =	wrdreg s26;
	s22 =	sadd.s32 s1, s2  }
.Ltmp0:
0x1d: {  	s23 =	sadd.s32 s2, s23;
	s2 =	simm.s32 $0x3;
	(pc) =	sbr.rel .LBB2_1-.Ltmp0, $4  }
0x1e: {  	s26 =	simm.s32 $0x1E800;
	s16 =	sadd.s32 s12, s16;
	s5 =	smin.u32 s5, $0x28  }
0x1f: {  	s19 =	sadd.s32 s12, s17;
	[dreg:$0x8] =	wrdreg s16;
	s5 =	sshrl.u32 s5, $0x1  }
0x20: {  	s1 =	simm.s32 $0x0;
	[dreg:$0x9] =	wrdreg s19;
	s5 =	smax.u32 s5, $0x1  }
0x21: {  	v0 =	vimm.f32 $0.0e+00;
	v1 =	vimm.f32 $1.000000000e+00;
	s19 =	sshrl.u32 s25, $0x1;
	s25 =	simm.s32 $0x2800;
	s24 =	sshll.u32 s5, $0x1  }
.LBB2_8:
0x22: {  	[sflag:s28] =	ssyncadd.s32 $0xFFFFC000  }
.LBB2_9:
0x23: {  	s5 =	stileid.u32  }
0x24: {  	[bflag:$0x0] =	sbarrier.arrive $0xFFFF;
	s5 =	sshll.u32 s5, $0x6  }
0x25: {  	s12 =	sshrl.u32 s6, $0x3;
	s13 =	rddreg [dreg:$0x6];
	s5 =	sor.u32 $0x1C03, s5  }
0x26: {  	[hbm:s13], [sflag:s5] =	dma.local [spmem:s12], $0x800  }
0x27: {  	_ =	swait.ge [sflag:s2], $0x800  }
0x28: {  	[sflag:s2] =	ssyncset.done $0x0  }
0x29: {  	s16 =	sshrl.u32 s7, $0x3;
	s17 =	rddreg [dreg:$0x7];
	[sflag:s2] =	ssyncadd.s32 $0xFFFFF800  }
0x2a: {  	[hbm:s17], [sflag:s5] =	dma.local [spmem:s16], $0x800  }
0x2b: {  	_ =	swait.ge [sflag:s2], $0x800  }
0x2c: {  	[sflag:s2] =	ssyncset.done $0x0  }
0x2d: {  	s18 =	sshrl.u32 s8, $0x3;
	s20 =	rddreg [dreg:$0x8];
	[sflag:s2] =	ssyncadd.s32 $0xFFFFF800  }
0x2e: {  	[hbm:s20], [sflag:s5] =	dma.local [spmem:s18], $0x800  }
0x2f: {  	_ =	swait.ge [sflag:s2], $0x800  }
0x30: {  	[sflag:s2] =	ssyncset.done $0x0  }
0x31: {  	s13 =	sshrl.u32 s9, $0x3;
	s14 =	rddreg [dreg:$0x9];
	[sflag:s2] =	ssyncadd.s32 $0xFFFFF800  }
0x32: {  	[hbm:s14], [sflag:s5] =	dma.local [spmem:s13], $0x800  }
0x33: {  	_ =	swait.ge [sflag:s2], $0x800  }
0x34: {  	[sflag:s2] =	ssyncset.done $0x0  }
0x35: {  	s15 =	sshrl.u32 s10, $0x3;
	s16 =	rddreg [dreg:$0xa];
	[sflag:s2] =	ssyncadd.s32 $0xFFFFF800  }
0x36: {  	[hbm:s16], [sflag:s5] =	dma.local [spmem:s15], $0x800  }
0x37: {  	_ =	swait.ge [sflag:s2], $0x800  }
0x38: {  	s17 =	sshrl.u32 s11, $0x3;
	s14 =	simm.s32 $0x20;
	[sflag:s2] =	ssyncset.done $0x0  }
0x39: {  	s15 =	simm.s32 $0x10;
	s18 =	rddreg [dreg:$0xb];
	[sflag:s2] =	ssyncadd.s32 $0xFFFFF800  }
0x3a: {  	[hbm:s18@s14], [sflag:s5] =	dma.strided [spmem:s17@s15], $0x50, s28, $0x10   }
0x3b: {  	_ =	swait.ge [sflag:s2], $0x50  }
0x3c: {  	s1 =	sadd.s32 $0x1, s1;
	s20 =	rddreg [dreg:$0xc]  }
0x3d: {  	p1 =	sne.s32 s1, s20  }
.Ltmp1:
0x3e: {  	_ = 	snop;
	(pc) =	sbr.rel @!p1 .LBB2_10-.Ltmp1, $3  }
0x3f: {  	_ =	sdelay $0x1  }
0x40: {  	[sflag:s2] =	ssyncset.done $0x0  }
0x41: {  	[sflag:s2] =	ssyncadd.s32 $0xFFFFFFB0  }
.LBB2_1:
0x42: {  	s12 =	simm.s32 $0x0  }
0x43: {  	s5 =	sand.u32 $0xFE00, s12  }
0x44: {  	s12 =	sand.u32 $0x70, s12;
	s13 =	sshrl.u32 s5, $0x2  }
0x45: {  	s5 =	simm.s32 $0x40;
	s13 =	sor.u32 s12, s13;
	s12 =	simm.s32 $0x0  }
.LBB2_2:
0x46: {  	p1 =	sne.s32 s5, $0xFFC0  }
0x47: {  	[tilespmem:s13+$0x2800] =	vst v0;
	s12 =	sadd.s32 $0x10, s12;
	s13 =	smov.u32 s5;
	s5 =	sadd.s32 $0x40, s5  }
.Ltmp2:
0x48: {  	(pc) =	sbr.rel @p1 .LBB2_2-.Ltmp2, $4  }
0x49: {  	_ = 	snop  }
0x4a: {  	s13 =	sand.u32 $0xFE00, s13  }
0x4b: {  	s14 =	sand.u32 $0x70, s12;
	s13 =	sshrl.u32 s13, $0x2  }
0x4c: {  	s13 =	sor.u32 s14, s13  }
0x4d: {  	[tilespmem:s13+$0x2800] =	vst v0  }
0x4e: {  	[tilespmem:$0x1E800] =	vst v1  }
0x4f: {  	[tilespmem:$0x1E810] =	vst v1  }
0x50: {  	[tilespmem:$0x1E820] =	vst v1  }
0x51: {  	[tilespmem:$0x1E830] =	vst v1  }
0x52: {  	[tilespmem:$0x1E840] =	vst v1  }
0x53: {  	[tilespmem:$0x1E850] =	vst v1  }
0x54: {  	[tilespmem:$0x1E860] =	vst v1  }
0x55: {  	[tilespmem:$0x1E870] =	vst v1  }
0x56: {  	[tilespmem:$0x1E880] =	vst v0  }
0x57: {  	[tilespmem:$0x1E890] =	vst v0  }
0x58: {  	[tilespmem:$0x1E8A0] =	vst v0  }
0x59: {  	[tilespmem:$0x1E8B0] =	vst v0  }
0x5a: {  	[tilespmem:$0x1E8C0] =	vst v0  }
0x5b: {  	[tilespmem:$0x1E8D0] =	vst v0  }
0x5c: {  	[tilespmem:$0x1E8E0] =	vst v0  }
0x5d: {  	[tilespmem:$0x1E8F0] =	vst v0  }
0x5e: {  	[tilespmem:$0x1E900] =	vst v0  }
0x5f: {  	[tilespmem:$0x1E910] =	vst v0  }
0x60: {  	[tilespmem:$0x1E920] =	vst v0  }
0x61: {  	[tilespmem:$0x1E930] =	vst v0  }
0x62: {  	[tilespmem:$0x1E940] =	vst v0  }
0x63: {  	[tilespmem:$0x1E950] =	vst v0  }
0x64: {  	[tilespmem:$0x1E960] =	vst v0  }
0x65: {  	[tilespmem:$0x1E970] =	vst v0  }
0x66: {  	[tilespmem:$0x1E980] =	vst v0  }
0x67: {  	[tilespmem:$0x1E990] =	vst v0  }
0x68: {  	[tilespmem:$0x1E9A0] =	vst v0  }
0x69: {  	[tilespmem:$0x1E9B0] =	vst v0  }
0x6a: {  	[tilespmem:$0x1E9C0] =	vst v0  }
0x6b: {  	[tilespmem:$0x1E9D0] =	vst v0  }
0x6c: {  	[tilespmem:$0x1E9E0] =	vst v0  }
0x6d: {  	[tilespmem:$0x1E9F0] =	vst v0  }
0x6e: {  	[tilespmem:$0x1EA00] =	vst v0  }
0x6f: {  	[tilespmem:$0x1EA10] =	vst v0  }
0x70: {  	[tilespmem:$0x1EA20] =	vst v0  }
0x71: {  	[tilespmem:$0x1EA30] =	vst v0  }
0x72: {  	[tilespmem:$0x1EA40] =	vst v0  }
0x73: {  	[tilespmem:$0x1EA50] =	vst v0  }
0x74: {  	[tilespmem:$0x1EA60] =	vst v0  }
0x75: {  	[tilespmem:$0x1EA70] =	vst v0  }
0x76: {  	[tilespmem:$0x1EA80] =	vst v0  }
0x77: {  	[tilespmem:$0x1EA90] =	vst v0  }
0x78: {  	[tilespmem:$0x1EAA0] =	vst v0  }
0x79: {  	[tilespmem:$0x1EAB0] =	vst v0  }
0x7a: {  	[tilespmem:$0x1EAC0] =	vst v0  }
0x7b: {  	[tilespmem:$0x1EAD0] =	vst v0  }
0x7c: {  	[tilespmem:$0x1EAE0] =	vst v0  }
0x7d: {  	[tilespmem:$0x1EAF0] =	vst v0  }
0x7e: {  	[spmem:s6] =	stream.linear.scatter [tilespmem:s25], [sflag:$0x1], $0x4000, $0x38;
	[tilespmem:$0x1ED80] =	vst v63  }
0x7f: {  	_ = 	snop  }
0x80: {  	[spmem:s7] =	stream.linear.scatter [tilespmem:s25], [sflag:$0x1], $0x4000, $0x38;
	[tilespmem:$0x1ED80] =	vst v63  }
0x81: {  	_ = 	snop  }
0x82: {  	[spmem:s8] =	stream.linear.scatter [tilespmem:s25], [sflag:$0x1], $0x4000, $0x38;
	[tilespmem:$0x1ED80] =	vst v63  }
0x83: {  	_ = 	snop  }
0x84: {  	[spmem:s9] =	stream.linear.scatter [tilespmem:s25], [sflag:$0x1], $0x4000, $0x38;
	[tilespmem:$0x1ED80] =	vst v63  }
0x85: {  	_ = 	snop  }
0x86: {  	[spmem:s10] =	stream.linear.scatter [tilespmem:s25], [sflag:$0x1], $0x4000, $0x38;
	[tilespmem:$0x1ED80] =	vst v63  }
0x87: {  	s5 =	simm.s32 $0x1E880  }
0x88: {  	[spmem:s11] =	stream.linear.scatter [tilespmem:s5], [sflag:$0x1], $0x280, $0x38;
	[tilespmem:$0x1ED80] =	vst v63  }
0x89: {  	_ =	swait.ge [sflag:s28], $0x4000  }
0x8a: {  	[sflag:s28] =	ssyncset.done $0x0  }
0x8b: {  	[sflag:s28] =	ssyncadd.s32 $0xFFFFC000  }
0x8c: {  	_ =	swait.ge [sflag:s28], $0x4000  }
0x8d: {  	[sflag:s28] =	ssyncset.done $0x0  }
0x8e: {  	[sflag:s28] =	ssyncadd.s32 $0xFFFFC000  }
0x8f: {  	_ =	swait.ge [sflag:s28], $0x4000  }
0x90: {  	[sflag:s28] =	ssyncset.done $0x0  }
0x91: {  	[sflag:s28] =	ssyncadd.s32 $0xFFFFC000  }
0x92: {  	_ =	swait.ge [sflag:s28], $0x4000  }
0x93: {  	[sflag:s28] =	ssyncset.done $0x0  }
0x94: {  	[sflag:s28] =	ssyncadd.s32 $0xFFFFC000  }
0x95: {  	_ =	swait.ge [sflag:s28], $0x4000  }
0x96: {  	[sflag:s28] =	ssyncset.done $0x0  }
0x97: {  	[sflag:s28] =	ssyncadd.s32 $0xFFFFC000  }
0x98: {  	_ =	swait.ge [sflag:s28], $0x280  }
0x99: {  	[sflag:s28] =	ssyncset.done $0x0  }
0x9a: {  	[sflag:s28] =	ssyncadd.s32 $0xFFFFFD80  }
0x9b: {  	[bflag:$0x0] =	sbarrier.arrive $0xFFFF  }
0x9c: {  	s12 =	simm.s32 $0x0;
	s20 =	rddreg [dreg:$0xd]  }
0x9d: {  	[tilespmem:s12], [sflag:$0x1] =	stream.linear.gather [hbm4b:s20+s12], $0x1400, $0x38;
	[tilespmem:$0x1ED80] =	vst v63  }
0x9e: {  	s5 =	simm.s32 $0x1400  }
0x9f: {  	[tilespmem:s5], [sflag:$0x2] =	stream.linear.gather [hbm4b:s21+s12], $0x1400, $0x38;
	[tilespmem:$0x1ED80] =	vst v63  }
0xa0: {  	_ =	swait.ge [sflag:s28], $0x1400  }
0xa1: {  	[sflag:s28] =	ssyncset.done $0x0  }
0xa2: {  	[sflag:s28] =	ssyncadd.s32 $0xFFFFEC00  }
0xa3: {  	_ =	swait.ge [sflag:s29], $0x1400  }
0xa4: {  	[sflag:s29] =	ssyncset.done $0x0  }
0xa5: {  	s13 =	simm.s32 $0x80;
	[sflag:s29] =	ssyncadd.s32 $0xFFFFEC00  }
0xa6: {  	[tilespmem:s25], [sflag:$0x1] =	stream.indirect.gather [hbm4b:s0+s13], $0x80, s12, s13, $0xb8;
	[tilespmem:$0x1ED80] =	vst v63  }
0xa7: {  	_ =	swait.ge [sflag:s28], $0x4000  }
0xa8: {  	[sflag:s28] =	ssyncset.done $0x0  }
0xa9: {  	[sflag:s28] =	ssyncadd.s32 $0xFFFFC000  }
0xaa: {  	[tilespmem:s31], [sflag:$0x2] =	stream.indirect.gather [hbm4b:s0+s30], $0x80, s13, s30, $0xb8;
	[tilespmem:$0x1ED80] =	vst v63  }
0xab: {  	_ = 	snop  }
0xac: {  	[spmem:s3] =	stream.indirect.scatter.add.f32 [tilespmem:s25], [sflag:$0x3], $0x80, s5, s30, $0xb8;
	[tilespmem:$0x1ED80] =	vst v63  }
0xad: {  	_ =	swait.ge [sflag:s2], $0x4000  }
0xae: {  	[sflag:s2] =	ssyncset.done $0x0  }
0xaf: {  	[sflag:s2] =	ssyncadd.s32 $0xFFFFC000  }
0xb0: {  	[spmem:s4] =	stream.indirect.scatter.add.f32 [tilespmem:s26], [sflag:$0x3], $0x1, s5, s30, $0xb8;
	[tilespmem:$0x1ED80] =	vst v63  }
0xb1: {  	_ =	swait.ge [sflag:s2], $0x80  }
0xb2: {  	p1 =	por $0x1, $0x1;
	s14 =	simm.s32 $0x0;
	[sflag:s2] =	ssyncset.done $0x0  }
0xb3: {  	s14 =	simm.s32 @!p1 $0x25;
	[sflag:s2] =	ssyncadd.s32 $0xFFFFFF80  }
0xb4: {  	s14 =	sshll.u32 s14, $0x9;
	_ =	swait.ge [sflag:s29], $0x4000  }
0xb5: {  	s14 =	sshra.s32 s14, $0x2;
	[sflag:s29] =	ssyncset.done $0x0  }
0xb6: {  	s14 =	sadd.s32 $0x100, s14;
	[sflag:s29] =	ssyncadd.s32 $0xFFFFC000  }
0xb7: {  	[tilespmem:s25], [sflag:$0x1] =	stream.indirect.gather [hbm4b:s0+s30], $0x80, s14, s30, $0xb8;
	[tilespmem:$0x1ED80] =	vst v63  }
0xb8: {  	s14 =	simm.s32 $0x1480  }
0xb9: {  	[spmem:s3] =	stream.indirect.scatter.add.f32 [tilespmem:s31], [sflag:$0x3], $0x80, s14, s30, $0xb8;
	[tilespmem:$0x1ED80] =	vst v63  }
0xba: {  	_ =	swait.ge [sflag:s2], $0x4000  }
0xbb: {  	[sflag:s2] =	ssyncset.done $0x0  }
0xbc: {  	p1 =	sne.s32 s19, $0x1;
	[sflag:s2] =	ssyncadd.s32 $0xFFFFC000  }
0xbd: {  	[spmem:s4] =	stream.indirect.scatter.add.f32 [tilespmem:s26], [sflag:$0x3], $0x1, s14, s30, $0xb8;
	[tilespmem:$0x1ED80] =	vst v63  }
.Ltmp3:
0xbe: {  	_ =	swait.ge [sflag:s2], $0x80;
	(pc) =	sbr.rel @!p1 .LBB2_5-.Ltmp3, $4  }
0xbf: {  	[sflag:s2] =	ssyncset.done $0x0  }
0xc0: {  	[sflag:s2] =	ssyncadd.s32 $0xFFFFFF80  }
0xc1: {  	s15 =	sadd.s32 $0xFFFFFFFF, s19;
	s16 =	simm.s32 $0x180;
	_ =	swait.ge [sflag:s28], $0x4000  }
0xc2: {  	s18 =	simm.s32 $0x1400;
	s20 =	simm.s32 $0x0;
	[sflag:s28] =	ssyncset.done $0x0  }
.LBB2_4:
0xc3: {  	[sflag:s28] =	ssyncadd.s32 $0xFFFFC000;
	s20 =	sadd.s32 $0x2, s20;
	s18 =	sadd.s32 $0x100, s18  }
0xc4: {  	[tilespmem:s31], [sflag:$0x2] =	stream.indirect.gather [hbm4b:s0+s30], $0x80, s16, s30, $0xb8;
	[tilespmem:$0x1ED80] =	vst v63  }
0xc5: {  	p1 =	sne.s32 s15, $0x1;
	s15 =	sadd.s32 $0xFFFFFFFF, s15  }
0xc6: {  	[spmem:s3] =	stream.indirect.scatter.add.f32 [tilespmem:s25], [sflag:$0x3], $0x80, s18, s30, $0xb8;
	[tilespmem:$0x1ED80] =	vst v63  }
0xc7: {  	_ =	swait.ge [sflag:s2], $0x4000  }
0xc8: {  	[sflag:s2] =	ssyncset.done $0x0  }
0xc9: {  	[sflag:s2] =	ssyncadd.s32 $0xFFFFC000  }
0xca: {  	[spmem:s4] =	stream.indirect.scatter.add.f32 [tilespmem:s26], [sflag:$0x3], $0x1, s18, s30, $0xb8;
	[tilespmem:$0x1ED80] =	vst v63  }
0xcb: {  	_ =	swait.ge [sflag:s2], $0x80  }
0xcc: {  	p2 =	slt.s32 s20, $0x25;
	s17 =	smov.u32 s20;
	[sflag:s2] =	ssyncset.done $0x0  }
0xcd: {  	s17 =	simm.s32 @!p2 $0x25;
	[sflag:s2] =	ssyncadd.s32 $0xFFFFFF80  }
0xce: {  	s17 =	sshll.u32 s17, $0x9;
	_ =	swait.ge [sflag:s29], $0x4000  }
0xcf: {  	s17 =	sshra.s32 s17, $0x2;
	[sflag:s29] =	ssyncset.done $0x0  }
0xd0: {  	s17 =	sadd.s32 $0x100, s17;
	[sflag:s29] =	ssyncadd.s32 $0xFFFFC000  }
0xd1: {  	[tilespmem:s25], [sflag:$0x1] =	stream.indirect.gather [hbm4b:s0+s30], $0x80, s17, s30, $0xb8;
	[tilespmem:$0x1ED80] =	vst v63  }
0xd2: {  	s17 =	sadd.s32 $0x80, s18  }
0xd3: {  	[spmem:s3] =	stream.indirect.scatter.add.f32 [tilespmem:s31], [sflag:$0x3], $0x80, s17, s30, $0xb8;
	[tilespmem:$0x1ED80] =	vst v63  }
0xd4: {  	_ =	swait.ge [sflag:s2], $0x4000  }
0xd5: {  	[sflag:s2] =	ssyncset.done $0x0  }
0xd6: {  	[sflag:s2] =	ssyncadd.s32 $0xFFFFC000  }
0xd7: {  	[spmem:s4] =	stream.indirect.scatter.add.f32 [tilespmem:s26], [sflag:$0x3], $0x1, s17, s30, $0xb8;
	[tilespmem:$0x1ED80] =	vst v63  }
.Ltmp4:
0xd8: {  	_ =	swait.ge [sflag:s2], $0x80;
	(pc) =	sbr.rel @p1 .LBB2_4-.Ltmp4, $4  }
0xd9: {  	[sflag:s2] =	ssyncset.done $0x0  }
0xda: {  	[sflag:s2] =	ssyncadd.s32 $0xFFFFFF80  }
0xdb: {  	_ =	swait.ge [sflag:s28], $0x4000  }
0xdc: {  	s16 =	sadd.s32 $0x100, s16;
	[sflag:s28] =	ssyncset.done $0x0  }
.LBB2_5:
0xdd: {  	[sflag:s28] =	ssyncadd.s32 $0xFFFFC000  }
0xde: {  	[tilespmem:s12], [sflag:$0x1] =	stream.linear.gather [hbm4b:s22+s12], $0x1400, $0x38;
	[tilespmem:$0x1ED80] =	vst v63  }
0xdf: {  	_ = 	snop  }
0xe0: {  	[tilespmem:s5], [sflag:$0x2] =	stream.linear.gather [hbm4b:s23+s12], $0x1400, $0x38;
	[tilespmem:$0x1ED80] =	vst v63  }
0xe1: {  	_ =	swait.ge [sflag:s28], $0x1400  }
0xe2: {  	[sflag:s28] =	ssyncset.done $0x0  }
0xe3: {  	[sflag:s28] =	ssyncadd.s32 $0xFFFFEC00  }
0xe4: {  	_ =	swait.ge [sflag:s29], $0x1400  }
0xe5: {  	[sflag:s29] =	ssyncset.done $0x0  }
.Ltmp5:
0xe6: {  	[sflag:s29] =	ssyncadd.s32 $0xFFFFEC00;
	(pc) =	sbr.rel @p0 .LBB2_9-.Ltmp5, $4  }
0xe7: {  	[tilespmem:s25], [sflag:$0x1] =	stream.indirect.gather [hbm4b:s0+s13], $0x80, s12, s13, $0xb8;
	[tilespmem:$0x1ED80] =	vst v63  }
0xe8: {  	_ =	swait.ge [sflag:s28], $0x4000  }
0xe9: {  	[sflag:s28] =	ssyncset.done $0x0  }
0xea: {  	[sflag:s28] =	ssyncadd.s32 $0xFFFFC000  }
0xeb: {  	[tilespmem:s31], [sflag:$0x2] =	stream.indirect.gather [hbm4b:s0+s30], $0x80, s13, s30, $0xb8;
	[tilespmem:$0x1ED80] =	vst v63  }
0xec: {  	_ = 	snop  }
0xed: {  	[spmem:s3] =	stream.indirect.scatter.add.f32 [tilespmem:s25], [sflag:$0x3], $0x80, s5, s30, $0xb8;
	[tilespmem:$0x1ED80] =	vst v63  }
0xee: {  	_ =	swait.ge [sflag:s2], $0x4000  }
0xef: {  	[sflag:s2] =	ssyncset.done $0x0  }
0xf0: {  	[sflag:s2] =	ssyncadd.s32 $0xFFFFC000  }
0xf1: {  	[spmem:s4] =	stream.indirect.scatter.add.f32 [tilespmem:s26], [sflag:$0x3], $0x1, s5, s30, $0xb8;
	[tilespmem:$0x1ED80] =	vst v63  }
0xf2: {  	_ =	swait.ge [sflag:s2], $0x80  }
0xf3: {  	p1 =	por $0x1, $0x1;
	[sflag:s2] =	ssyncset.done $0x0  }
0xf4: {  	s12 =	simm.s32 @!p1 $0x25;
	[sflag:s2] =	ssyncadd.s32 $0xFFFFFF80  }
0xf5: {  	s12 =	sshll.u32 s12, $0x9;
	_ =	swait.ge [sflag:s29], $0x4000  }
0xf6: {  	s12 =	sshra.s32 s12, $0x2;
	[sflag:s29] =	ssyncset.done $0x0  }
0xf7: {  	s12 =	sadd.s32 $0x100, s12;
	[sflag:s29] =	ssyncadd.s32 $0xFFFFC000  }
0xf8: {  	[tilespmem:s25], [sflag:$0x1] =	stream.indirect.gather [hbm4b:s0+s30], $0x80, s12, s30, $0xb8;
	[tilespmem:$0x1ED80] =	vst v63  }
0xf9: {  	_ = 	snop  }
0xfa: {  	[spmem:s3] =	stream.indirect.scatter.add.f32 [tilespmem:s31], [sflag:$0x3], $0x80, s14, s30, $0xb8;
	[tilespmem:$0x1ED80] =	vst v63  }
0xfb: {  	_ =	swait.ge [sflag:s2], $0x4000  }
0xfc: {  	[sflag:s2] =	ssyncset.done $0x0  }
0xfd: {  	p1 =	sne.s32 s24, $0x2;
	[sflag:s2] =	ssyncadd.s32 $0xFFFFC000  }
0xfe: {  	[spmem:s4] =	stream.indirect.scatter.add.f32 [tilespmem:s26], [sflag:$0x3], $0x1, s14, s30, $0xb8;
	[tilespmem:$0x1ED80] =	vst v63  }
.Ltmp6:
0xff: {  	_ =	swait.ge [sflag:s2], $0x80;
	(pc) =	sbr.rel @!p1 .LBB2_8-.Ltmp6, $4  }
0x100: {  	[sflag:s2] =	ssyncset.done $0x0  }
0x101: {  	[sflag:s2] =	ssyncadd.s32 $0xFFFFFF80  }
0x102: {  	_ =	swait.ge [sflag:s28], $0x4000  }
0x103: {  	s13 =	simm.s32 $0x180;
	s12 =	simm.s32 $0x2;
	[sflag:s28] =	ssyncset.done $0x0  }
.LBB2_7:
0x104: {  	[sflag:s28] =	ssyncadd.s32 $0xFFFFC000  }
0x105: {  	s5 =	sadd.s32 $0x100, s5;
	s14 =	smov.u32 s12;
	s12 =	sadd.s32 $0x2, s12  }
0x106: {  	[tilespmem:s31], [sflag:$0x2] =	stream.indirect.gather [hbm4b:s0+s30], $0x80, s13, s30, $0xb8;
	[tilespmem:$0x1ED80] =	vst v63  }
0x107: {  	p1 =	sne.s32 s24, s12  }
0x108: {  	[spmem:s3] =	stream.indirect.scatter.add.f32 [tilespmem:s25], [sflag:$0x3], $0x80, s5, s30, $0xb8;
	[tilespmem:$0x1ED80] =	vst v63  }
0x109: {  	_ =	swait.ge [sflag:s2], $0x4000  }
0x10a: {  	[sflag:s2] =	ssyncset.done $0x0  }
0x10b: {  	[sflag:s2] =	ssyncadd.s32 $0xFFFFC000  }
0x10c: {  	[spmem:s4] =	stream.indirect.scatter.add.f32 [tilespmem:s26], [sflag:$0x3], $0x1, s5, s30, $0xb8;
	[tilespmem:$0x1ED80] =	vst v63  }
0x10d: {  	_ =	swait.ge [sflag:s2], $0x80  }
0x10e: {  	p2 =	slt.s32 s14, $0x25;
	[sflag:s2] =	ssyncset.done $0x0  }
0x10f: {  	s14 =	simm.s32 @!p2 $0x25;
	[sflag:s2] =	ssyncadd.s32 $0xFFFFFF80  }
0x110: {  	s14 =	sshll.u32 s14, $0x9;
	_ =	swait.ge [sflag:s29], $0x4000  }
0x111: {  	s14 =	sshra.s32 s14, $0x2;
	[sflag:s29] =	ssyncset.done $0x0  }
0x112: {  	s14 =	sadd.s32 $0x100, s14;
	[sflag:s29] =	ssyncadd.s32 $0xFFFFC000  }
0x113: {  	[tilespmem:s25], [sflag:$0x1] =	stream.indirect.gather [hbm4b:s0+s30], $0x80, s14, s30, $0xb8;
	[tilespmem:$0x1ED80] =	vst v63  }
0x114: {  	s14 =	sadd.s32 $0x80, s5  }
0x115: {  	[spmem:s3] =	stream.indirect.scatter.add.f32 [tilespmem:s31], [sflag:$0x3], $0x80, s14, s30, $0xb8;
	[tilespmem:$0x1ED80] =	vst v63  }
0x116: {  	_ =	swait.ge [sflag:s2], $0x4000  }
0x117: {  	[sflag:s2] =	ssyncset.done $0x0  }
0x118: {  	[sflag:s2] =	ssyncadd.s32 $0xFFFFC000  }
0x119: {  	[spmem:s4] =	stream.indirect.scatter.add.f32 [tilespmem:s26], [sflag:$0x3], $0x1, s14, s30, $0xb8;
	[tilespmem:$0x1ED80] =	vst v63  }
.Ltmp7:
0x11a: {  	_ =	swait.ge [sflag:s2], $0x80;
	(pc) =	sbr.rel @p1 .LBB2_7-.Ltmp7, $4  }
0x11b: {  	[sflag:s2] =	ssyncset.done $0x0  }
0x11c: {  	[sflag:s2] =	ssyncadd.s32 $0xFFFFFF80  }
0x11d: {  	_ =	swait.ge [sflag:s28], $0x4000  }
0x11e: {  	s13 =	sadd.s32 $0x100, s13;
	[sflag:s28] =	ssyncset.done $0x0  }
.Ltmp8:
0x11f: {  	_ = 	snop;
	(pc) =	sbr.rel .LBB2_8-.Ltmp8, $1  }
0x120: {  	_ =	sdelay $0x3  }
.LBB2_10:
0x121: {  	_ =	sfence.sel $0x180000  }
0x122: {  	[bflag:$0x0] =	sbarrier.arrive $0xFFFF  }
0x123: {  	_ =	strace $0x9000004A  }
0x124: {  	s0 =	stileid.u32;
	[bflag:$0x2] =	sbarrier.arrive $0xFFFF  }
0x125: {  	p0 =	sne.s32 s0, $0x0;
	s0 =	rddreg [dreg:$0x5]  }
0x126: {  	s0 =	sadd.s32 @!p0 $0x100000, s0  }
0x127: {  	[sflag:s0] =	ssyncadd.tile.s32 @!p0 $0x1;
	_ =	shalt  }
.Lfunc_end2:
_tile_overlayer_lowered:
.L_overlay_start_2:
0x128: {  	(tag) =	ssettag $0x2  }
0x129: {  	s0 =	rddreg [dreg:$0x0];
	s2 =	stileid.u32  }
0x12a: {  	s1 =	rddreg [dreg:$0x1];
	p0 =	sne.s32 s2, $0x0  }
0x12b: {  	s3 =	rddreg [dreg:$0x2];
	[bflag:$0x3] =	sbarrier.arrive $0xFFFF;
	s2 =	simm.s32 @!p0 $0x1C03  }
0x12c: {  	[timem:s3], [sflag:s2] =	dma.local @!p0 [hbm:s0], s1  }
0x12d: {  	s0 =	simm.s32 @!p0 $0x3  }
0x12e: {  	_ =	swait.ge @!p0 [sflag:s0], s1  }
0x12f: {  	s1 =	ssub.s32 @!p0 $0x0, s1;
	[sflag:s0] =	ssyncset.done @!p0 $0x0  }
0x130: {  	[sflag:s0] =	ssyncadd.s32 @!p0 s1  }
0x131: {  	[bflag:$0x3] =	sbarrier.arrive $0xFFFF  }
0x132: {  	_ =	shalt  }

// kernel: kernel.8.cloned.1.call-start
scs
__scs_entry_jumppad:
0x0: {  	(pc) =	sbr.rel $0x88, $3  }
0x1: {  	(tag) =	ssettag $0x0;
	lr =	simm.s32 $0x1  }
0x2: {  	[smem:$0x3F96] =	sst lr;
	_ =	strace $0xD0000000  }
0x3: {  	_ = 	snop  }
0x4: {  	_ = 	snop  }
0x5: {  	_ = 	snop  }
0x6: {  	_ = 	snop  }
0x7: {  	_ = 	snop  }
__scs_overlays_trampoline_lowered:
0x8: {  	[smem:$0x3FA5] =	sst s0  }
0x9: {  	[smem:$0x3FA6] =	sst s1  }
0xa: {  	[smem:$0x3FA7] =	sst s2  }
0xb: {  	[smem:$0x3FA8] =	sst s3  }
0xc: {  	[smem:$0x3FA9] =	sst s4  }
0xd: {  	[smem:$0x3FAA] =	sst s5  }
0xe: {  	[smem:$0x3FAB] =	sst s6  }
0xf: {  	[smem:$0x3FAC] =	sst s7  }
0x10: {  	[smem:$0x3FAD] =	sst s8  }
0x11: {  	[smem:$0x3FAE] =	sst s9;
	s0 =	simm.s32 @!p0 $0x0  }
0x12: {  	s1 =	sld [smem:$0x3F94];
	s0 =	simm.s32 @p0 $0x1  }
0x13: {  	[smem:$0x3FAF] =	sst s0;
	s0 =	simm.s32 @!p1 $0x0  }
0x14: {  	s2 =	sld [smem:$0x3F93];
	s0 =	simm.s32 @p1 $0x1  }
0x15: {  	[smem:$0x3FB0] =	sst s0;
	s0 =	simm.s32 @!p2 $0x0  }
0x16: {  	s3 =	sld [smem:$0x3FDB];
	s0 =	simm.s32 @p2 $0x1  }
0x17: {  	s4 =	simm.s32 $0x1BF5;
	[smem:$0x3FB2] =	sst s0  }
0x18: {  	s0 =	sld [smem:$0x3F95];
	_ =	swait.ge [sflag:s4], $0x0  }
0x19: {  	s7 =	sld [smem:$0x3F96]  }
0x1a: {  	s8 =	sadd.s32 $0xFFFFE003, lr  }
0x1b: {  	s9 =	sadd.s32 $0xFFFFFEF7, lr;
	s5 =	simm.s32 $0xFFFFFFFF;
	p2 =	slt.u32 s8, $0xFFFFF086  }
0x1c: {  	p1 =	slt.u32 s9, $0xF7A;
	s5 =	simm.s32 @!p2 $0x0  }
0x1d: {  	s5 =	simm.s32 @p1 $0x1;
	p0 =	seq.s32 s7, s2  }
0x1e: {  	s7 =	smul.u32 @!p0 $0xF7A, s2;
	p2 =	seq.s32 @!p0 s5, $0x0  }
0x1f: {  	s9 =	smul.u32 $0xF7A, s1;
	s8 =	simm.s32 @!p0 $0x1BF5;
	p2 =	por !p2, p0  }
0x20: {  	[sflag:s8] =	ssyncset.s32 @!p0 $0xFFFFF086;
	s6 =	sadd.s32 @!p0 s3, s7;
	s7 =	simm.s32 @!p0 $0x108  }
0x21: {  	s3 =	sadd.s32 s3, s9;
	s6 =	sadd.s32 @!p0 $0x88, s6;
	s7 =	simm.s32 @p2 $0x1082  }
0x22: {  	[simem:s7], [sflag:s8] =	dma.local @!p0 [hbm:s6], $0xF7A  }
0x23: {  	s9 =	sor.u32 $0xD0000000, s2;
	s6 =	simm.s32 $0x108;
	_ =	swait.ge @!p0 [sflag:s8], $0x0  }
0x24: {  	s3 =	sadd.s32 $0x88, s3;
	s6 =	simm.s32 @!p1 $0x1082;
	[sflag:s4] =	ssyncset.s32 $0xFFFFF086  }
0x25: {  	[simem:s6], [sflag:s4] =	dma.local [hbm:s3], $0xF7A  }
0x26: {  	[smem:$0x3F96] =	sst s1;
	(tag) =	ssettag s2;
	_ =	strace s9  }
0x27: {  	s1 =	sld [smem:$0x3FA6]  }
0x28: {  	s2 =	sld [smem:$0x3FA7]  }
0x29: {  	s4 =	sld [smem:$0x3FA9]  }
0x2a: {  	p0 =	seq.s32 s5, $0x0;
	s5 =	sld [smem:$0x3FAA]  }
0x2b: {  	s6 =	sld [smem:$0x3FAB]  }
0x2c: {  	s7 =	sld [smem:$0x3FAC]  }
0x2d: {  	s3 =	simm.s32 $0x108;
	s8 =	sld [smem:$0x3FAD]  }
0x2e: {  	s3 =	simm.s32 @!p0 $0x1082;
	s9 =	sld [smem:$0x3FAE]  }
0x2f: {  	lr =	sadd.s32 s0, s3;
	s0 =	sld [smem:$0x3FA5]  }
0x30: {  	s3 =	sld [smem:$0x3FA8]  }
0x31: {  	[smem:$0x3FB1] =	sst s10  }
0x32: {  	s10 =	sld [smem:$0x3FAF];
	_ =	sdelay $0x3  }
0x33: {  	p0 =	seq.s32 s10, $0x1;
	s10 =	sld [smem:$0x3FB1];
	_ =	sdelay $0x3  }
0x34: {  	[smem:$0x3FB1] =	sst s10  }
0x35: {  	s10 =	sld [smem:$0x3FB0];
	_ =	sdelay $0x3  }
0x36: {  	p1 =	seq.s32 s10, $0x1;
	s10 =	sld [smem:$0x3FB1];
	_ =	sdelay $0x3  }
0x37: {  	[smem:$0x3FB1] =	sst s10  }
0x38: {  	s10 =	sld [smem:$0x3FB2]  }
0x39: {  	_ = 	snop;
	(pc) =	sbr.ind lr, $3  }
0x3a: {  	_ = 	snop  }
0x3b: {  	_ = 	snop  }
0x3c: {  	p2 =	seq.s32 s10, $0x1;
	s10 =	sld [smem:$0x3FB1]  }
0x3d: {  	_ =	shalt  }
0x3e: {  	_ =	shalt  }
0x3f: {  	_ =	shalt  }
0x40: {  	_ =	shalt  }
0x41: {  	_ =	shalt  }
0x42: {  	_ =	shalt  }
0x43: {  	_ =	shalt  }
0x44: {  	_ =	shalt  }
0x45: {  	_ =	shalt  }
0x46: {  	_ =	shalt  }
0x47: {  	_ =	shalt  }
0x48: {  	_ =	shalt  }
0x49: {  	_ =	shalt  }
0x4a: {  	_ =	shalt  }
0x4b: {  	_ =	shalt  }
0x4c: {  	_ =	shalt  }
0x4d: {  	_ =	shalt  }
0x4e: {  	_ =	shalt  }
0x4f: {  	_ =	shalt  }
0x50: {  	_ =	shalt  }
0x51: {  	_ =	shalt  }
0x52: {  	_ =	shalt  }
0x53: {  	_ =	shalt  }
0x54: {  	_ =	shalt  }
0x55: {  	_ =	shalt  }
0x56: {  	_ =	shalt  }
0x57: {  	_ =	shalt  }
0x58: {  	_ =	shalt  }
0x59: {  	_ =	shalt  }
0x5a: {  	_ =	shalt  }
0x5b: {  	_ =	shalt  }
0x5c: {  	_ =	shalt  }
0x5d: {  	_ =	shalt  }
0x5e: {  	_ =	shalt  }
0x5f: {  	_ =	shalt  }
0x60: {  	_ =	shalt  }
0x61: {  	_ =	shalt  }
0x62: {  	_ =	shalt  }
0x63: {  	_ =	shalt  }
0x64: {  	_ =	shalt  }
0x65: {  	_ =	shalt  }
0x66: {  	_ =	shalt  }
0x67: {  	_ =	shalt  }
0x68: {  	_ =	shalt  }
0x69: {  	_ =	shalt  }
0x6a: {  	_ =	shalt  }
0x6b: {  	_ =	shalt  }
0x6c: {  	_ =	shalt  }
0x6d: {  	_ =	shalt  }
0x6e: {  	_ =	shalt  }
0x6f: {  	_ =	shalt  }
0x70: {  	_ =	shalt  }
0x71: {  	_ =	shalt  }
0x72: {  	_ =	shalt  }
0x73: {  	_ =	shalt  }
0x74: {  	_ =	shalt  }
0x75: {  	_ =	shalt  }
0x76: {  	_ =	shalt  }
0x77: {  	_ =	shalt  }
0x78: {  	_ =	shalt  }
0x79: {  	_ =	shalt  }
0x7a: {  	_ =	shalt  }
0x7b: {  	_ =	shalt  }
0x7c: {  	_ =	shalt  }
0x7d: {  	_ =	shalt  }
0x7e: {  	_ =	shalt  }
0x7f: {  	_ =	shalt  }
0x80: {  	_ =	shalt  }
0x81: {  	_ =	shalt  }
0x82: {  	_ =	shalt  }
0x83: {  	_ =	shalt  }
0x84: {  	_ =	shalt  }
0x85: {  	_ =	shalt  }
0x86: {  	_ =	shalt  }
0x87: {  	_ =	shalt  }
.Lfunc_end0:
.L_simem_size_0:
called_computation_lowered:
.L_overlay_start_0:
0x88: {  	s2 =	sld [smem:$0x3FD9]  }
0x89: {  	s3 =	sld [smem:$0x3FFE];
	_ =	sdelay $0x1  }
0x8a: {  	s1 =	srdreg.scid  }
0x8b: {  	s0 =	sand.u32 $0x1, s1  }
0x8c: {  	s14 =	sshll.u32 s0, $0xA;
	s2 =	sadd.s32 s3, s2  }
0x8d: {  	s2 =	sadd.s32 s2, s14  }
0x8e: {  	[smem:$0x3FBD] =	sst s2  }
0x8f: {  	_ = 	snop  }
0x90: {  	s2 =	sld [smem:$0x3FD0];
	_ =	sdelay $0x2  }
0x91: {  	s4 =	simm.s32 $0xA;
	s5 =	simm.s32 $0x10;
	s15 =	sld [smem:$0x3FC9]  }
0x92: {  	[smem:s5], [sflag:s4] =	dma.local [hbm:s2], $0x1  }
0x93: {  	_ =	swait.eq [sflag:s4], $0x1  }
0x94: {  	[sflag:s4] =	ssyncset.done $0x0  }
0x95: {  	s16 =	sld [smem:$0x10];
	[sflag:s4] =	ssyncadd.s32 $0xFFFFFFFF  }
0x96: {  	s17 =	sld [smem:$0x11];
	(tm) =	ssettm $0x1  }
0x97: {  	s18 =	sld [smem:$0x3FFB];
	_ =	sdelay $0x3  }
0x98: {  	_ =	strace s18  }
0x99: {  	s5 =	sld [smem:$0x3FFC];
	_ =	sdelay $0x3  }
0x9a: {  	_ =	strace s5  }
0x9b: {  	s5 =	sld [smem:$0x3FFD];
	_ =	sdelay $0x3  }
0x9c: {  	_ =	strace s5  }
0x9d: {  	_ =	strace $0x8FFFFFFF  }
0x9e: {  	s19 =	sld [smem:$0x3FDB];
	_ =	sdelay $0x1  }
0x9f: {  	s6 =	simm.s32 $_scs_section_size  }
0xa0: {  	s7 =	simm.s32 $_size__tile_overlayer_lowered;
	s8 =	simm.s32 $_tile_overlayer_lowered  }
0xa1: {  	s22 =	simm.s32 $0x1BFF;
	s21 =	sshll.u32 s8, $0x1;
	s5 =	sadd.s32 s6, s19  }
0xa2: {  	s9 =	simm.s32 $0x0;
	s20 =	sshll.u32 s7, $0x1;
	s7 =	sadd.s32 s21, s5  }
0xa3: {  	[timem:s9], [sflag:s22] =	dma.local [hbm:s7], s20  }
0xa4: {  	_ =	swait.ge [sflag:s22], s20  }
0xa5: {  	s6 =	ssub.s32 $0x0, s20;
	[sflag:s22] =	ssyncset.done $0x0  }
0xa6: {  	[sflag:s22] =	ssyncadd.s32 s6;
	_ =	sdelay $0x1  }
0xa7: {  	s23 =	simm.s32 $0x1B8B  }
0xa8: {  	_ =	swait.ge [sflag:s23], $0x1  }
0xa9: {  	[sflag:s23] =	ssyncset.done $0x0  }
0xaa: {  	s25 =	simm.s32 $0x1B8E;
	s24 =	sld [smem:$0x3FFE];
	[sflag:s23] =	ssyncadd.s32 $0xFFFFFFFF  }
0xab: {  	s26 =	simm.s32 $execute0_lowered;
	[smem:$0x3FD2] =	sst s25  }
0xac: {  	s7 =	sshll.u32 s26, $0x1;
	_ =	strace $0x80000046;
	[dreg:$0x1] =	wrdreg $0xFFFFFFFF  }
0xad: {  	s28 =	simm.s32 $_size_execute0_lowered;
	s5 =	sadd.s32 s5, s7;
	[dreg:$0x0] =	wrdreg $0x0  }
0xae: {  	s7 =	sshll.u32 s28, $0x1;
	[dreg:$0x2] =	wrdreg s5  }
0xaf: {  	[dreg:$0x3] =	wrdreg s7  }
0xb0: {  	[dreg:$0x4] =	wrdreg $0xC0  }
0xb1: {  	_ =	task [dreg:s9], $0x5FFFF  }
0xb2: {  	[dreg:$0x1] =	wrdreg $0xFFFFFFFF  }
0xb3: {  	[dreg:$0x0] =	wrdreg $0x60  }
0xb4: {  	[dreg:$0x2] =	wrdreg s15  }
0xb5: {  	[dreg:$0x3] =	wrdreg s16  }
0xb6: {  	[dreg:$0x4] =	wrdreg s24  }
0xb7: {  	[dreg:$0x5] =	wrdreg s17  }
0xb8: {  	[dreg:$0x6] =	wrdreg $0xA8000  }
0xb9: {  	[dreg:$0x7] =	wrdreg $0x1EB000  }
0xba: {  	[dreg:$0x8] =	wrdreg $0x9  }
0xbb: {  	_ =	task.clear_ibuf [dreg:s9], $0x9FFFF;
	_ =	strace $0x90000046  }
0xbc: {  	s29 =	simm.s32 $0x9;
	_ =	strace $0x80000048  }
0xbd: {  	_ =	swait.ge [sflag:s29], $0x1  }
0xbe: {  	[sflag:s29] =	ssyncadd.s32 $0xFFFFFFFF  }
0xbf: {  	_ =	strace $0x90000048  }
0xc0: {  	_ =	sfence  }
0xc1: {  	s30 =	sld [smem:$0x0];
	_ =	sdelay $0x2  }
0xc2: {  	s31 =	sshll.u32 s1, $0xD;
	s1 =	sshrl.u32 s1, $0x2  }
0xc3: {  	s3 =	sand.u32 $0x4000, s31;
	s1 =	sadd.s32 s1, s30  }
0xc4: {  	s0 =	sor.u32 s3, s0;
	s1 =	sshll.u32 s1, $0x11  }
0xc5: {  	s0 =	sor.u32 s1, s0  }
0xc6: {  	s0 =	sadd.s32 $0x8F2B, s0  }
0xc7: {  	[sflag:s0] =	ssyncadd.remote.s32 $0x1  }
0xc8: {  	_ =	sfence.sel $0xFFFF  }
0xc9: {  	[dreg:$0x0] =	wrdreg $0xFFFFFFFF;
	(pc) =	sbr.abs _section_cstart, $3  }
0xca: {  	[dreg:$0x1] =	wrdreg $0xFFFFFFFF  }
0xcb: {  	_ =	task.clear_ibuf [dreg:s9], $0x2FFFF;
	_ =	strace $0x9FFFFFFF  }
0xcc: {  	(tm) =	ssettm $0x7FFFFFFF  }
0xcd: {  	_ =	shalt  }
tec
execute0_lowered:
.L_overlay_start_1:
0x0: {  	(tag) =	ssettag $0x1  }
0x1: {  	s1 =	rddreg [dreg:$0x0]  }
0x2: {  	s0 =	rddreg [dreg:$0x1]  }
0x3: {  	s4 =	rddreg [dreg:$0x2]  }
0x4: {  	s5 =	rddreg [dreg:$0x3]  }
0x5: {  	s2 =	rddreg [dreg:$0x4]  }
0x6: {  	s3 =	rddreg [dreg:$0x5]  }
0x7: {  	s6 =	simm.s32 $0x0;
	s20 =	srdreg.scid;
	s22 =	stileid.u32  }
0x8: {  	s15 =	simm.s32 $0x14;
	s28 =	simm.s32 $0x1;
	s29 =	simm.s32 $0x2  }
0x9: {  	s30 =	simm.s32 $0x80;
	s31 =	simm.s32 $0x6800;
	s11 =	smul.u32 $0x280, s22  }
0xa: {  	[smem:$0x7FF] =	sst s6;
	s12 =	sand.u32 $0x1, s20;
	s21 =	smul.u32 $0x50000, s22  }
0xb: {  	s7 =	sshll.u32 s22, $0x1;
	s4 =	sadd.s32 $0x3400, s4;
	s25 =	smul.u32 $0x500, s22  }
0xc: {  	_ =	strace $0x80000047;
	s6 =	ssub.s32 $0x2, s12;
	s13 =	sor.u32 s12, s7  }
0xd: {  	s18 =	smul.u32 $0x140000, s12;
	s12 =	sshll.u32 s12, $0x7;
	s8 =	sshrl.u32 s6, $0x1  }
0xe: {  	p0 =	seq.s32 s13, $0x1F;
	s23 =	sshrl.u32 s21, $0x2;
	s24 =	sshll.u32 s11, $0x7  }
0xf: {  	s21 =	smul.u32 $0x14000, s22;
	s11 =	sadd.s32 s11, s3;
	s12 =	sor.u32 s12, s25  }
0x10: {  	s14 =	ssub.s32 s6, s8;
	s15 =	simm.s32 @!p0 $0x50;
	s6 =	sadd.s32 s23, s2  }
0x11: {  	s16 =	sadd.s32 $0x4000, s24;
	s17 =	sadd.s32 $0x8000, s24;
	s19 =	sadd.s32 $0xC000, s24  }
0x12: {  	s20 =	sadd.s32 $0x10000, s24;
	s23 =	sadd.s32 $0xA000, s0;
	s7 =	sadd.s32 s16, s2  }
0x13: {  	s8 =	sadd.s32 s17, s2;
	s9 =	sadd.s32 s19, s2;
	s10 =	sadd.s32 s20, s2  }
0x14: {  	s21 =	sadd.s32 s21, s18;
	s16 =	sadd.s32 s18, s16;
	s17 =	sadd.s32 s18, s17  }
0x15: {  	s19 =	sadd.s32 s18, s19;
	s18 =	sadd.s32 s18, s20;
	s20 =	smul.u32 $0x500, s13  }
0x16: {  	s22 =	smax.u32 s15, $0x28;
	s24 =	smax.u32 s14, $0x1;
	s25 =	smin.u32 s15, $0x28  }
0x17: {  	s21 =	sshrl.u32 s21, $0x3;
	s16 =	sshrl.u32 s16, $0x3;
	s17 =	sshrl.u32 s17, $0x3  }
0x18: {  	s18 =	sshrl.u32 s18, $0x3;
	[dreg:$0xd] =	wrdreg s24;
	s21 =	sadd.s32 s4, s21  }
0x19: {  	s16 =	sadd.s32 s4, s16;
	s26 =	sadd.s32 s4, s17;
	[dreg:$0x7] =	wrdreg s21  }
0x1a: {  	s17 =	sshrl.u32 s19, $0x3;
	s19 =	sshrl.u32 s12, $0x3;
	[dreg:$0x8] =	wrdreg s16  }
0x1b: {  	[dreg:$0x9] =	wrdreg s26;
	s16 =	sadd.s32 s4, s17;
	s4 =	sadd.s32 s4, s18  }
0x1c: {  	s26 =	sadd.s32 s0, s20;
	s21 =	sadd.s32 s20, s23;
	[dreg:$0xa] =	wrdreg s16  }
0x1d: {  	[dreg:$0xb] =	wrdreg s4;
	s4 =	sadd.s32 s5, s19;
	s5 =	sadd.s32 $0xFFFFFFD8, s22  }
.Ltmp0:
0x1e: {  	s19 =	sshrl.u32 s25, $0x1;
	[dreg:$0xe] =	wrdreg s26;
	(pc) =	sbr.rel .LBB2_1-.Ltmp0, $4  }
0x1f: {  	s25 =	simm.s32 $0x2800;
	s26 =	simm.s32 $0x1E800;
	s5 =	smin.u32 s5, $0x28  }
0x20: {  	[dreg:$0xc] =	wrdreg s4;
	s4 =	sadd.s32 $0x280, s20;
	s5 =	sshrl.u32 s5, $0x1  }
0x21: {  	s22 =	sadd.s32 s0, s4;
	s23 =	sadd.s32 s4, s23;
	s5 =	smax.u32 s5, $0x1  }
0x22: {  	v0 =	vimm.f32 $0.0e+00;
	v1 =	vimm.f32 $1.000000000e+00;
	s0 =	simm.s32 $0x3;
	s4 =	simm.s32 $0x0;
	s24 =	sshll.u32 s5, $0x1  }
.LBB2_8:
0x23: {  	[sflag:s28] =	ssyncadd.s32 $0xFFFFC000  }
.LBB2_9:
0x24: {  	s5 =	stileid.u32  }
0x25: {  	[bflag:$0x0] =	sbarrier.arrive $0xFFFF;
	s5 =	sshll.u32 s5, $0x6  }
0x26: {  	s12 =	sshrl.u32 s6, $0x3;
	s13 =	rddreg [dreg:$0x7];
	s5 =	sor.u32 $0x1C03, s5  }
0x27: {  	[hbm:s13], [sflag:s5] =	dma.local [spmem:s12], $0x800  }
0x28: {  	_ =	swait.ge [sflag:s0], $0x800  }
0x29: {  	[sflag:s0] =	ssyncset.done $0x0  }
0x2a: {  	s16 =	sshrl.u32 s7, $0x3;
	s17 =	rddreg [dreg:$0x8];
	[sflag:s0] =	ssyncadd.s32 $0xFFFFF800  }
0x2b: {  	[hbm:s17], [sflag:s5] =	dma.local [spmem:s16], $0x800  }
0x2c: {  	_ =	swait.ge [sflag:s0], $0x800  }
0x2d: {  	[sflag:s0] =	ssyncset.done $0x0  }
0x2e: {  	s18 =	sshrl.u32 s8, $0x3;
	s20 =	rddreg [dreg:$0x9];
	[sflag:s0] =	ssyncadd.s32 $0xFFFFF800  }
0x2f: {  	[hbm:s20], [sflag:s5] =	dma.local [spmem:s18], $0x800  }
0x30: {  	_ =	swait.ge [sflag:s0], $0x800  }
0x31: {  	[sflag:s0] =	ssyncset.done $0x0  }
0x32: {  	s13 =	sshrl.u32 s9, $0x3;
	s14 =	rddreg [dreg:$0xa];
	[sflag:s0] =	ssyncadd.s32 $0xFFFFF800  }
0x33: {  	[hbm:s14], [sflag:s5] =	dma.local [spmem:s13], $0x800  }
0x34: {  	_ =	swait.ge [sflag:s0], $0x800  }
0x35: {  	[sflag:s0] =	ssyncset.done $0x0  }
0x36: {  	s15 =	sshrl.u32 s10, $0x3;
	s16 =	rddreg [dreg:$0xb];
	[sflag:s0] =	ssyncadd.s32 $0xFFFFF800  }
0x37: {  	[hbm:s16], [sflag:s5] =	dma.local [spmem:s15], $0x800  }
0x38: {  	_ =	swait.ge [sflag:s0], $0x800  }
0x39: {  	s17 =	sshrl.u32 s11, $0x3;
	s14 =	simm.s32 $0x20;
	[sflag:s0] =	ssyncset.done $0x0  }
0x3a: {  	s15 =	simm.s32 $0x10;
	s18 =	rddreg [dreg:$0xc];
	[sflag:s0] =	ssyncadd.s32 $0xFFFFF800  }
0x3b: {  	[hbm:s18@s14], [sflag:s5] =	dma.strided [spmem:s17@s15], $0x50, s28, $0x10   }
0x3c: {  	_ =	swait.ge [sflag:s0], $0x50  }
0x3d: {  	s4 =	sadd.s32 $0x1, s4;
	s20 =	rddreg [dreg:$0xd]  }
0x3e: {  	p1 =	sne.s32 s4, s20  }
.Ltmp1:
0x3f: {  	_ = 	snop;
	(pc) =	sbr.rel @!p1 .LBB2_10-.Ltmp1, $3  }
0x40: {  	_ =	sdelay $0x1  }
0x41: {  	[sflag:s0] =	ssyncset.done $0x0  }
0x42: {  	[sflag:s0] =	ssyncadd.s32 $0xFFFFFFB0  }
.LBB2_1:
0x43: {  	s12 =	simm.s32 $0x0  }
0x44: {  	s5 =	sand.u32 $0xFE00, s12  }
0x45: {  	s12 =	sand.u32 $0x70, s12;
	s13 =	sshrl.u32 s5, $0x2  }
0x46: {  	s5 =	simm.s32 $0x40;
	s13 =	sor.u32 s12, s13;
	s12 =	simm.s32 $0x0  }
.LBB2_2:
0x47: {  	p1 =	sne.s32 s5, $0xFFC0  }
0x48: {  	[tilespmem:s13+$0x2800] =	vst v0;
	s12 =	sadd.s32 $0x10, s12;
	s13 =	smov.u32 s5;
	s5 =	sadd.s32 $0x40, s5  }
.Ltmp2:
0x49: {  	(pc) =	sbr.rel @p1 .LBB2_2-.Ltmp2, $4  }
0x4a: {  	_ = 	snop  }
0x4b: {  	s13 =	sand.u32 $0xFE00, s13  }
0x4c: {  	s14 =	sand.u32 $0x70, s12;
	s13 =	sshrl.u32 s13, $0x2  }
0x4d: {  	s13 =	sor.u32 s14, s13  }
0x4e: {  	[tilespmem:s13+$0x2800] =	vst v0  }
0x4f: {  	[tilespmem:$0x1E800] =	vst v1  }
0x50: {  	[tilespmem:$0x1E810] =	vst v1  }
0x51: {  	[tilespmem:$0x1E820] =	vst v1  }
0x52: {  	[tilespmem:$0x1E830] =	vst v1  }
0x53: {  	[tilespmem:$0x1E840] =	vst v1  }
0x54: {  	[tilespmem:$0x1E850] =	vst v1  }
0x55: {  	[tilespmem:$0x1E860] =	vst v1  }
0x56: {  	[tilespmem:$0x1E870] =	vst v1  }
0x57: {  	[tilespmem:$0x1E880] =	vst v0  }
0x58: {  	[tilespmem:$0x1E890] =	vst v0  }
0x59: {  	[tilespmem:$0x1E8A0] =	vst v0  }
0x5a: {  	[tilespmem:$0x1E8B0] =	vst v0  }
0x5b: {  	[tilespmem:$0x1E8C0] =	vst v0  }
0x5c: {  	[tilespmem:$0x1E8D0] =	vst v0  }
0x5d: {  	[tilespmem:$0x1E8E0] =	vst v0  }
0x5e: {  	[tilespmem:$0x1E8F0] =	vst v0  }
0x5f: {  	[tilespmem:$0x1E900] =	vst v0  }
0x60: {  	[tilespmem:$0x1E910] =	vst v0  }
0x61: {  	[tilespmem:$0x1E920] =	vst v0  }
0x62: {  	[tilespmem:$0x1E930] =	vst v0  }
0x63: {  	[tilespmem:$0x1E940] =	vst v0  }
0x64: {  	[tilespmem:$0x1E950] =	vst v0  }
0x65: {  	[tilespmem:$0x1E960] =	vst v0  }
0x66: {  	[tilespmem:$0x1E970] =	vst v0  }
0x67: {  	[tilespmem:$0x1E980] =	vst v0  }
0x68: {  	[tilespmem:$0x1E990] =	vst v0  }
0x69: {  	[tilespmem:$0x1E9A0] =	vst v0  }
0x6a: {  	[tilespmem:$0x1E9B0] =	vst v0  }
0x6b: {  	[tilespmem:$0x1E9C0] =	vst v0  }
0x6c: {  	[tilespmem:$0x1E9D0] =	vst v0  }
0x6d: {  	[tilespmem:$0x1E9E0] =	vst v0  }
0x6e: {  	[tilespmem:$0x1E9F0] =	vst v0  }
0x6f: {  	[tilespmem:$0x1EA00] =	vst v0  }
0x70: {  	[tilespmem:$0x1EA10] =	vst v0  }
0x71: {  	[tilespmem:$0x1EA20] =	vst v0  }
0x72: {  	[tilespmem:$0x1EA30] =	vst v0  }
0x73: {  	[tilespmem:$0x1EA40] =	vst v0  }
0x74: {  	[tilespmem:$0x1EA50] =	vst v0  }
0x75: {  	[tilespmem:$0x1EA60] =	vst v0  }
0x76: {  	[tilespmem:$0x1EA70] =	vst v0  }
0x77: {  	[tilespmem:$0x1EA80] =	vst v0  }
0x78: {  	[tilespmem:$0x1EA90] =	vst v0  }
0x79: {  	[tilespmem:$0x1EAA0] =	vst v0  }
0x7a: {  	[tilespmem:$0x1EAB0] =	vst v0  }
0x7b: {  	[tilespmem:$0x1EAC0] =	vst v0  }
0x7c: {  	[tilespmem:$0x1EAD0] =	vst v0  }
0x7d: {  	[tilespmem:$0x1EAE0] =	vst v0  }
0x7e: {  	[tilespmem:$0x1EAF0] =	vst v0  }
0x7f: {  	[spmem:s6] =	stream.linear.scatter [tilespmem:s25], [sflag:$0x1], $0x4000, $0x38;
	[tilespmem:$0x1ED80] =	vst v63  }
0x80: {  	_ = 	snop  }
0x81: {  	[spmem:s7] =	stream.linear.scatter [tilespmem:s25], [sflag:$0x1], $0x4000, $0x38;
	[tilespmem:$0x1ED80] =	vst v63  }
0x82: {  	_ = 	snop  }
0x83: {  	[spmem:s8] =	stream.linear.scatter [tilespmem:s25], [sflag:$0x1], $0x4000, $0x38;
	[tilespmem:$0x1ED80] =	vst v63  }
0x84: {  	_ = 	snop  }
0x85: {  	[spmem:s9] =	stream.linear.scatter [tilespmem:s25], [sflag:$0x1], $0x4000, $0x38;
	[tilespmem:$0x1ED80] =	vst v63  }
0x86: {  	_ = 	snop  }
0x87: {  	[spmem:s10] =	stream.linear.scatter [tilespmem:s25], [sflag:$0x1], $0x4000, $0x38;
	[tilespmem:$0x1ED80] =	vst v63  }
0x88: {  	s5 =	simm.s32 $0x1E880  }
0x89: {  	[spmem:s11] =	stream.linear.scatter [tilespmem:s5], [sflag:$0x1], $0x280, $0x38;
	[tilespmem:$0x1ED80] =	vst v63  }
0x8a: {  	_ =	swait.ge [sflag:s28], $0x4000  }
0x8b: {  	[sflag:s28] =	ssyncset.done $0x0  }
0x8c: {  	[sflag:s28] =	ssyncadd.s32 $0xFFFFC000  }
0x8d: {  	_ =	swait.ge [sflag:s28], $0x4000  }
0x8e: {  	[sflag:s28] =	ssyncset.done $0x0  }
0x8f: {  	[sflag:s28] =	ssyncadd.s32 $0xFFFFC000  }
0x90: {  	_ =	swait.ge [sflag:s28], $0x4000  }
0x91: {  	[sflag:s28] =	ssyncset.done $0x0  }
0x92: {  	[sflag:s28] =	ssyncadd.s32 $0xFFFFC000  }
0x93: {  	_ =	swait.ge [sflag:s28], $0x4000  }
0x94: {  	[sflag:s28] =	ssyncset.done $0x0  }
0x95: {  	[sflag:s28] =	ssyncadd.s32 $0xFFFFC000  }
0x96: {  	_ =	swait.ge [sflag:s28], $0x4000  }
0x97: {  	[sflag:s28] =	ssyncset.done $0x0  }
0x98: {  	[sflag:s28] =	ssyncadd.s32 $0xFFFFC000  }
0x99: {  	_ =	swait.ge [sflag:s28], $0x280  }
0x9a: {  	[sflag:s28] =	ssyncset.done $0x0  }
0x9b: {  	[sflag:s28] =	ssyncadd.s32 $0xFFFFFD80  }
0x9c: {  	[bflag:$0x0] =	sbarrier.arrive $0xFFFF  }
0x9d: {  	s12 =	simm.s32 $0x0;
	s20 =	rddreg [dreg:$0xe]  }
0x9e: {  	[tilespmem:s12], [sflag:$0x1] =	stream.linear.gather [hbm4b:s20+s12], $0x1400, $0x38;
	[tilespmem:$0x1ED80] =	vst v63  }
0x9f: {  	s5 =	simm.s32 $0x1400  }
0xa0: {  	[tilespmem:s5], [sflag:$0x2] =	stream.linear.gather [hbm4b:s21+s12], $0x1400, $0x38;
	[tilespmem:$0x1ED80] =	vst v63  }
0xa1: {  	_ =	swait.ge [sflag:s28], $0x1400  }
0xa2: {  	[sflag:s28] =	ssyncset.done $0x0  }
0xa3: {  	[sflag:s28] =	ssyncadd.s32 $0xFFFFEC00  }
0xa4: {  	_ =	swait.ge [sflag:s29], $0x1400  }
0xa5: {  	[sflag:s29] =	ssyncset.done $0x0  }
0xa6: {  	s13 =	simm.s32 $0x80;
	[sflag:s29] =	ssyncadd.s32 $0xFFFFEC00  }
0xa7: {  	[tilespmem:s25], [sflag:$0x1] =	stream.indirect.gather [hbm4b:s1+s13], $0x80, s12, s13, $0xb8;
	[tilespmem:$0x1ED80] =	vst v63  }
0xa8: {  	_ =	swait.ge [sflag:s28], $0x4000  }
0xa9: {  	[sflag:s28] =	ssyncset.done $0x0  }
0xaa: {  	[sflag:s28] =	ssyncadd.s32 $0xFFFFC000  }
0xab: {  	[tilespmem:s31], [sflag:$0x2] =	stream.indirect.gather [hbm4b:s1+s30], $0x80, s13, s30, $0xb8;
	[tilespmem:$0x1ED80] =	vst v63  }
0xac: {  	_ = 	snop  }
0xad: {  	[spmem:s2] =	stream.indirect.scatter.add.f32 [tilespmem:s25], [sflag:$0x3], $0x80, s5, s30, $0xb8;
	[tilespmem:$0x1ED80] =	vst v63  }
0xae: {  	_ =	swait.ge [sflag:s0], $0x4000  }
0xaf: {  	[sflag:s0] =	ssyncset.done $0x0  }
0xb0: {  	[sflag:s0] =	ssyncadd.s32 $0xFFFFC000  }
0xb1: {  	[spmem:s3] =	stream.indirect.scatter.add.f32 [tilespmem:s26], [sflag:$0x3], $0x1, s5, s30, $0xb8;
	[tilespmem:$0x1ED80] =	vst v63  }
0xb2: {  	_ =	swait.ge [sflag:s0], $0x80  }
0xb3: {  	p1 =	por $0x1, $0x1;
	s14 =	simm.s32 $0x0;
	[sflag:s0] =	ssyncset.done $0x0  }
0xb4: {  	s14 =	simm.s32 @!p1 $0x25;
	[sflag:s0] =	ssyncadd.s32 $0xFFFFFF80  }
0xb5: {  	s14 =	sshll.u32 s14, $0x9;
	_ =	swait.ge [sflag:s29], $0x4000  }
0xb6: {  	s14 =	sshra.s32 s14, $0x2;
	[sflag:s29] =	ssyncset.done $0x0  }
0xb7: {  	s14 =	sadd.s32 $0x100, s14;
	[sflag:s29] =	ssyncadd.s32 $0xFFFFC000  }
0xb8: {  	[tilespmem:s25], [sflag:$0x1] =	stream.indirect.gather [hbm4b:s1+s30], $0x80, s14, s30, $0xb8;
	[tilespmem:$0x1ED80] =	vst v63  }
0xb9: {  	s14 =	simm.s32 $0x1480  }
0xba: {  	[spmem:s2] =	stream.indirect.scatter.add.f32 [tilespmem:s31], [sflag:$0x3], $0x80, s14, s30, $0xb8;
	[tilespmem:$0x1ED80] =	vst v63  }
0xbb: {  	_ =	swait.ge [sflag:s0], $0x4000  }
0xbc: {  	[sflag:s0] =	ssyncset.done $0x0  }
0xbd: {  	p1 =	sne.s32 s19, $0x1;
	[sflag:s0] =	ssyncadd.s32 $0xFFFFC000  }
0xbe: {  	[spmem:s3] =	stream.indirect.scatter.add.f32 [tilespmem:s26], [sflag:$0x3], $0x1, s14, s30, $0xb8;
	[tilespmem:$0x1ED80] =	vst v63  }
.Ltmp3:
0xbf: {  	_ =	swait.ge [sflag:s0], $0x80;
	(pc) =	sbr.rel @!p1 .LBB2_5-.Ltmp3, $4  }
0xc0: {  	[sflag:s0] =	ssyncset.done $0x0  }
0xc1: {  	[sflag:s0] =	ssyncadd.s32 $0xFFFFFF80  }
0xc2: {  	s15 =	sadd.s32 $0xFFFFFFFF, s19;
	s16 =	simm.s32 $0x180;
	_ =	swait.ge [sflag:s28], $0x4000  }
0xc3: {  	s18 =	simm.s32 $0x1400;
	s20 =	simm.s32 $0x0;
	[sflag:s28] =	ssyncset.done $0x0  }
.LBB2_4:
0xc4: {  	[sflag:s28] =	ssyncadd.s32 $0xFFFFC000;
	s20 =	sadd.s32 $0x2, s20;
	s18 =	sadd.s32 $0x100, s18  }
0xc5: {  	[tilespmem:s31], [sflag:$0x2] =	stream.indirect.gather [hbm4b:s1+s30], $0x80, s16, s30, $0xb8;
	[tilespmem:$0x1ED80] =	vst v63  }
0xc6: {  	p1 =	sne.s32 s15, $0x1;
	s15 =	sadd.s32 $0xFFFFFFFF, s15  }
0xc7: {  	[spmem:s2] =	stream.indirect.scatter.add.f32 [tilespmem:s25], [sflag:$0x3], $0x80, s18, s30, $0xb8;
	[tilespmem:$0x1ED80] =	vst v63  }
0xc8: {  	_ =	swait.ge [sflag:s0], $0x4000  }
0xc9: {  	[sflag:s0] =	ssyncset.done $0x0  }
0xca: {  	[sflag:s0] =	ssyncadd.s32 $0xFFFFC000  }
0xcb: {  	[spmem:s3] =	stream.indirect.scatter.add.f32 [tilespmem:s26], [sflag:$0x3], $0x1, s18, s30, $0xb8;
	[tilespmem:$0x1ED80] =	vst v63  }
0xcc: {  	_ =	swait.ge [sflag:s0], $0x80  }
0xcd: {  	p2 =	slt.s32 s20, $0x25;
	s17 =	smov.u32 s20;
	[sflag:s0] =	ssyncset.done $0x0  }
0xce: {  	s17 =	simm.s32 @!p2 $0x25;
	[sflag:s0] =	ssyncadd.s32 $0xFFFFFF80  }
0xcf: {  	s17 =	sshll.u32 s17, $0x9;
	_ =	swait.ge [sflag:s29], $0x4000  }
0xd0: {  	s17 =	sshra.s32 s17, $0x2;
	[sflag:s29] =	ssyncset.done $0x0  }
0xd1: {  	s17 =	sadd.s32 $0x100, s17;
	[sflag:s29] =	ssyncadd.s32 $0xFFFFC000  }
0xd2: {  	[tilespmem:s25], [sflag:$0x1] =	stream.indirect.gather [hbm4b:s1+s30], $0x80, s17, s30, $0xb8;
	[tilespmem:$0x1ED80] =	vst v63  }
0xd3: {  	s17 =	sadd.s32 $0x80, s18  }
0xd4: {  	[spmem:s2] =	stream.indirect.scatter.add.f32 [tilespmem:s31], [sflag:$0x3], $0x80, s17, s30, $0xb8;
	[tilespmem:$0x1ED80] =	vst v63  }
0xd5: {  	_ =	swait.ge [sflag:s0], $0x4000  }
0xd6: {  	[sflag:s0] =	ssyncset.done $0x0  }
0xd7: {  	[sflag:s0] =	ssyncadd.s32 $0xFFFFC000  }
0xd8: {  	[spmem:s3] =	stream.indirect.scatter.add.f32 [tilespmem:s26], [sflag:$0x3], $0x1, s17, s30, $0xb8;
	[tilespmem:$0x1ED80] =	vst v63  }
.Ltmp4:
0xd9: {  	_ =	swait.ge [sflag:s0], $0x80;
	(pc) =	sbr.rel @p1 .LBB2_4-.Ltmp4, $4  }
0xda: {  	[sflag:s0] =	ssyncset.done $0x0  }
0xdb: {  	[sflag:s0] =	ssyncadd.s32 $0xFFFFFF80  }
0xdc: {  	_ =	swait.ge [sflag:s28], $0x4000  }
0xdd: {  	s16 =	sadd.s32 $0x100, s16;
	[sflag:s28] =	ssyncset.done $0x0  }
.LBB2_5:
0xde: {  	[sflag:s28] =	ssyncadd.s32 $0xFFFFC000  }
0xdf: {  	[tilespmem:s12], [sflag:$0x1] =	stream.linear.gather [hbm4b:s22+s12], $0x1400, $0x38;
	[tilespmem:$0x1ED80] =	vst v63  }
0xe0: {  	_ = 	snop  }
0xe1: {  	[tilespmem:s5], [sflag:$0x2] =	stream.linear.gather [hbm4b:s23+s12], $0x1400, $0x38;
	[tilespmem:$0x1ED80] =	vst v63  }
0xe2: {  	_ =	swait.ge [sflag:s28], $0x1400  }
0xe3: {  	[sflag:s28] =	ssyncset.done $0x0  }
0xe4: {  	[sflag:s28] =	ssyncadd.s32 $0xFFFFEC00  }
0xe5: {  	_ =	swait.ge [sflag:s29], $0x1400  }
0xe6: {  	[sflag:s29] =	ssyncset.done $0x0  }
.Ltmp5:
0xe7: {  	[sflag:s29] =	ssyncadd.s32 $0xFFFFEC00;
	(pc) =	sbr.rel @p0 .LBB2_9-.Ltmp5, $4  }
0xe8: {  	[tilespmem:s25], [sflag:$0x1] =	stream.indirect.gather [hbm4b:s1+s13], $0x80, s12, s13, $0xb8;
	[tilespmem:$0x1ED80] =	vst v63  }
0xe9: {  	_ =	swait.ge [sflag:s28], $0x4000  }
0xea: {  	[sflag:s28] =	ssyncset.done $0x0  }
0xeb: {  	[sflag:s28] =	ssyncadd.s32 $0xFFFFC000  }
0xec: {  	[tilespmem:s31], [sflag:$0x2] =	stream.indirect.gather [hbm4b:s1+s30], $0x80, s13, s30, $0xb8;
	[tilespmem:$0x1ED80] =	vst v63  }
0xed: {  	_ = 	snop  }
0xee: {  	[spmem:s2] =	stream.indirect.scatter.add.f32 [tilespmem:s25], [sflag:$0x3], $0x80, s5, s30, $0xb8;
	[tilespmem:$0x1ED80] =	vst v63  }
0xef: {  	_ =	swait.ge [sflag:s0], $0x4000  }
0xf0: {  	[sflag:s0] =	ssyncset.done $0x0  }
0xf1: {  	[sflag:s0] =	ssyncadd.s32 $0xFFFFC000  }
0xf2: {  	[spmem:s3] =	stream.indirect.scatter.add.f32 [tilespmem:s26], [sflag:$0x3], $0x1, s5, s30, $0xb8;
	[tilespmem:$0x1ED80] =	vst v63  }
0xf3: {  	_ =	swait.ge [sflag:s0], $0x80  }
0xf4: {  	p1 =	por $0x1, $0x1;
	[sflag:s0] =	ssyncset.done $0x0  }
0xf5: {  	s12 =	simm.s32 @!p1 $0x25;
	[sflag:s0] =	ssyncadd.s32 $0xFFFFFF80  }
0xf6: {  	s12 =	sshll.u32 s12, $0x9;
	_ =	swait.ge [sflag:s29], $0x4000  }
0xf7: {  	s12 =	sshra.s32 s12, $0x2;
	[sflag:s29] =	ssyncset.done $0x0  }
0xf8: {  	s12 =	sadd.s32 $0x100, s12;
	[sflag:s29] =	ssyncadd.s32 $0xFFFFC000  }
0xf9: {  	[tilespmem:s25], [sflag:$0x1] =	stream.indirect.gather [hbm4b:s1+s30], $0x80, s12, s30, $0xb8;
	[tilespmem:$0x1ED80] =	vst v63  }
0xfa: {  	_ = 	snop  }
0xfb: {  	[spmem:s2] =	stream.indirect.scatter.add.f32 [tilespmem:s31], [sflag:$0x3], $0x80, s14, s30, $0xb8;
	[tilespmem:$0x1ED80] =	vst v63  }
0xfc: {  	_ =	swait.ge [sflag:s0], $0x4000  }
0xfd: {  	[sflag:s0] =	ssyncset.done $0x0  }
0xfe: {  	p1 =	sne.s32 s24, $0x2;
	[sflag:s0] =	ssyncadd.s32 $0xFFFFC000  }
0xff: {  	[spmem:s3] =	stream.indirect.scatter.add.f32 [tilespmem:s26], [sflag:$0x3], $0x1, s14, s30, $0xb8;
	[tilespmem:$0x1ED80] =	vst v63  }
.Ltmp6:
0x100: {  	_ =	swait.ge [sflag:s0], $0x80;
	(pc) =	sbr.rel @!p1 .LBB2_8-.Ltmp6, $4  }
0x101: {  	[sflag:s0] =	ssyncset.done $0x0  }
0x102: {  	[sflag:s0] =	ssyncadd.s32 $0xFFFFFF80  }
0x103: {  	_ =	swait.ge [sflag:s28], $0x4000  }
0x104: {  	s13 =	simm.s32 $0x180;
	s12 =	simm.s32 $0x2;
	[sflag:s28] =	ssyncset.done $0x0  }
.LBB2_7:
0x105: {  	[sflag:s28] =	ssyncadd.s32 $0xFFFFC000  }
0x106: {  	s5 =	sadd.s32 $0x100, s5;
	s14 =	smov.u32 s12;
	s12 =	sadd.s32 $0x2, s12  }
0x107: {  	[tilespmem:s31], [sflag:$0x2] =	stream.indirect.gather [hbm4b:s1+s30], $0x80, s13, s30, $0xb8;
	[tilespmem:$0x1ED80] =	vst v63  }
0x108: {  	p1 =	sne.s32 s24, s12  }
0x109: {  	[spmem:s2] =	stream.indirect.scatter.add.f32 [tilespmem:s25], [sflag:$0x3], $0x80, s5, s30, $0xb8;
	[tilespmem:$0x1ED80] =	vst v63  }
0x10a: {  	_ =	swait.ge [sflag:s0], $0x4000  }
0x10b: {  	[sflag:s0] =	ssyncset.done $0x0  }
0x10c: {  	[sflag:s0] =	ssyncadd.s32 $0xFFFFC000  }
0x10d: {  	[spmem:s3] =	stream.indirect.scatter.add.f32 [tilespmem:s26], [sflag:$0x3], $0x1, s5, s30, $0xb8;
	[tilespmem:$0x1ED80] =	vst v63  }
0x10e: {  	_ =	swait.ge [sflag:s0], $0x80  }
0x10f: {  	p2 =	slt.s32 s14, $0x25;
	[sflag:s0] =	ssyncset.done $0x0  }
0x110: {  	s14 =	simm.s32 @!p2 $0x25;
	[sflag:s0] =	ssyncadd.s32 $0xFFFFFF80  }
0x111: {  	s14 =	sshll.u32 s14, $0x9;
	_ =	swait.ge [sflag:s29], $0x4000  }
0x112: {  	s14 =	sshra.s32 s14, $0x2;
	[sflag:s29] =	ssyncset.done $0x0  }
0x113: {  	s14 =	sadd.s32 $0x100, s14;
	[sflag:s29] =	ssyncadd.s32 $0xFFFFC000  }
0x114: {  	[tilespmem:s25], [sflag:$0x1] =	stream.indirect.gather [hbm4b:s1+s30], $0x80, s14, s30, $0xb8;
	[tilespmem:$0x1ED80] =	vst v63  }
0x115: {  	s14 =	sadd.s32 $0x80, s5  }
0x116: {  	[spmem:s2] =	stream.indirect.scatter.add.f32 [tilespmem:s31], [sflag:$0x3], $0x80, s14, s30, $0xb8;
	[tilespmem:$0x1ED80] =	vst v63  }
0x117: {  	_ =	swait.ge [sflag:s0], $0x4000  }
0x118: {  	[sflag:s0] =	ssyncset.done $0x0  }
0x119: {  	[sflag:s0] =	ssyncadd.s32 $0xFFFFC000  }
0x11a: {  	[spmem:s3] =	stream.indirect.scatter.add.f32 [tilespmem:s26], [sflag:$0x3], $0x1, s14, s30, $0xb8;
	[tilespmem:$0x1ED80] =	vst v63  }
.Ltmp7:
0x11b: {  	_ =	swait.ge [sflag:s0], $0x80;
	(pc) =	sbr.rel @p1 .LBB2_7-.Ltmp7, $4  }
0x11c: {  	[sflag:s0] =	ssyncset.done $0x0  }
0x11d: {  	[sflag:s0] =	ssyncadd.s32 $0xFFFFFF80  }
0x11e: {  	_ =	swait.ge [sflag:s28], $0x4000  }
0x11f: {  	s13 =	sadd.s32 $0x100, s13;
	[sflag:s28] =	ssyncset.done $0x0  }
.Ltmp8:
0x120: {  	_ = 	snop;
	(pc) =	sbr.rel .LBB2_8-.Ltmp8, $1  }
0x121: {  	_ =	sdelay $0x3  }
.LBB2_10:
0x122: {  	_ =	sfence.sel $0x180000  }
0x123: {  	[bflag:$0x0] =	sbarrier.arrive $0xFFFF  }
0x124: {  	_ =	strace $0x90000047  }
0x125: {  	s0 =	stileid.u32;
	[bflag:$0x2] =	sbarrier.arrive $0xFFFF  }
0x126: {  	p0 =	sne.s32 s0, $0x0;
	s0 =	rddreg [dreg:$0x6]  }
0x127: {  	s0 =	sadd.s32 @!p0 $0x100000, s0  }
0x128: {  	[sflag:s0] =	ssyncadd.tile.s32 @!p0 $0x1;
	_ =	shalt  }
.Lfunc_end2:
_tile_overlayer_lowered:
.L_overlay_start_2:
0x129: {  	(tag) =	ssettag $0x2  }
0x12a: {  	s0 =	rddreg [dreg:$0x0];
	s2 =	stileid.u32  }
0x12b: {  	s1 =	rddreg [dreg:$0x1];
	p0 =	sne.s32 s2, $0x0  }
0x12c: {  	s3 =	rddreg [dreg:$0x2];
	[bflag:$0x3] =	sbarrier.arrive $0xFFFF;
	s2 =	simm.s32 @!p0 $0x1C03  }
0x12d: {  	[timem:s3], [sflag:s2] =	dma.local @!p0 [hbm:s0], s1  }
0x12e: {  	s0 =	simm.s32 @!p0 $0x3  }
0x12f: {  	_ =	swait.ge @!p0 [sflag:s0], s1  }
0x130: {  	s1 =	ssub.s32 @!p0 $0x0, s1;
	[sflag:s0] =	ssyncset.done @!p0 $0x0  }
0x131: {  	[sflag:s0] =	ssyncadd.s32 @!p0 s1  }
0x132: {  	[bflag:$0x3] =	sbarrier.arrive $0xFFFF  }
0x133: {  	_ =	shalt  }

</sc_bundles>
